<compile_context>
chip_gen: v7x
topology: tpu7x:2x2x1
jax: 0.10.2.dev20260603
libtpu: 0.0.44.dev20260713+nightly
codegen_flags: <defaults>
</compile_context>

<pallas_src>
import functools

import jax
import jax.numpy as jnp
from jax import lax
from jax.experimental import pallas as pl
from jax.experimental.pallas import tpu as pltpu
from jax.experimental.pallas import tpu_sc as plsc

S = 2048
H = 768
I = 768
E = 8
K = 2
ALPHA = 1.702
LIMIT = 7.0

BLK = 128
CAP = S * K + E * BLK
NB = CAP // BLK
LANES = 128

NC = 2
NS = 16
NW = NC * NS
SC_L = 16

NEG = -1e30


def _router_body(x_ref, w_ref, b_ref, scores_ref, dst_ref, be_ref, ohs_ref, t_ref):
    x = x_ref[...]
    w = w_ref[...]
    logits = jnp.dot(x, w, preferred_element_type=jnp.float32) + b_ref[...]
    lane = lax.broadcasted_iota(jnp.int32, (S, LANES), 1)
    valid = lane < E
    logits = jnp.where(valid, logits, NEG)

    m1 = jnp.max(logits, axis=1, keepdims=True)
    i1 = jnp.min(jnp.where(logits == m1, lane, LANES), axis=1, keepdims=True)
    l2 = jnp.where(lane == i1, NEG, logits)
    m2 = jnp.max(l2, axis=1, keepdims=True)
    i2 = jnp.min(jnp.where(l2 == m2, lane, LANES), axis=1, keepdims=True)

    t = jnp.exp(m2 - m1)
    s1 = 1.0 / (1.0 + t)
    s2 = t / (1.0 + t)
    scores_ref[...] = jnp.where(lane == 0, s1, jnp.where(lane == 1, s2, 0.0))

    onehot0 = (lane == i1).astype(jnp.float32)
    onehot1 = (lane == i2).astype(jnp.float32)
    ohs_ref[...] = onehot0 + onehot1

    r_sub = lax.broadcasted_iota(jnp.int32, (BLK, BLK), 0)
    r_lane = lax.broadcasted_iota(jnp.int32, (BLK, BLK), 1)
    ltri = (r_sub >= r_lane).astype(jnp.float32)

    def chunk_step(c, carry):
        chunk = ohs_ref[pl.ds(c * BLK, BLK), :]
        tc = jnp.dot(ltri, chunk, preferred_element_type=jnp.float32) + carry
        t_ref[pl.ds(c * BLK, BLK), :] = tc
        return tc[BLK - 1 : BLK, :]

    carry0 = jnp.zeros((1, LANES), jnp.float32)
    lax.fori_loop(0, S // BLK, chunk_step, carry0)

    counts = t_ref[S - 1 : S, :]
    aligned = jnp.floor((counts + (BLK - 1)) / BLK) * BLK
    stri = (r_sub < r_lane).astype(jnp.float32)
    off = jnp.dot(aligned, stri, preferred_element_type=jnp.float32)
    ends = off + aligned

    tfull = t_ref[...]
    dst0 = jnp.sum(onehot0 * (off + tfull), axis=1, keepdims=True) - 1.0
    dst1 = jnp.sum(onehot1 * (off + tfull), axis=1, keepdims=True) - 1.0
    dsts = jnp.where(lane == 0, dst0, jnp.where(lane == 1, dst1, 0.0))
    dst_ref[...] = dsts.astype(jnp.int32)

    v_sub = lax.broadcasted_iota(jnp.int32, (NB, LANES), 0).astype(jnp.float32) * BLK
    be_lane = lax.broadcasted_iota(jnp.int32, (NB, LANES), 1)
    ind = ((v_sub >= ends) & (be_lane < E)).astype(jnp.int32)
    be = jnp.minimum(jnp.sum(ind, axis=1, keepdims=True), E - 1)
    be_ref[...] = jnp.broadcast_to(be, (NB, LANES))


def _stage1(x, w_pad, b_pad):
    return pl.pallas_call(
        _router_body,
        out_shape=(
            jax.ShapeDtypeStruct((S, LANES), jnp.float32),
            jax.ShapeDtypeStruct((S, LANES), jnp.int32),
            jax.ShapeDtypeStruct((NB, LANES), jnp.int32),
        ),
        scratch_shapes=[
            pltpu.VMEM((S, LANES), jnp.float32),
            pltpu.VMEM((S, LANES), jnp.float32),
        ],
    )(x, w_pad, b_pad)


_SLOTS_PW = CAP // NW
_PAIRS = S * K
_ROWS_PW = CAP // NW
_GCHUNK = 80
_NSPLIT = 2
_HALF_ROWS = CAP // _NSPLIT
_HROWS_PW = _HALF_ROWS // NW
_TOK_PW = S // NW


@functools.cache
def _sc_stages():
    mesh = plsc.VectorSubcoreMesh(
        core_axis_name="c", subcore_axis_name="s", num_cores=NC, num_subcores=NS
    )

    @functools.partial(
        pl.kernel,
        out_type=jax.ShapeDtypeStruct((CAP,), jnp.int32),
        mesh=mesh,
        compiler_params=pltpu.CompilerParams(needs_layout_passes=False),
        scratch_types=[
            pltpu.VMEM((_PAIRS,), jnp.int32),
            pltpu.VMEM((2 * BLK,), jnp.int32),
        ],
    )
    def stage2(dst_hbm, out_hbm, dst_v, st_v):
        wid = lax.axis_index("s") * NC + lax.axis_index("c")
        base = wid * _SLOTS_PW
        pltpu.sync_copy(dst_hbm, dst_v)

        for z in range(_SLOTS_PW // SC_L):
            st_v[pl.ds(z * SC_L, SC_L)] = jnp.zeros((SC_L,), jnp.int32)

        def step(c, _):
            idx = dst_v[pl.ds(c * SC_L, SC_L)]
            tok = (c * SC_L + lax.iota(jnp.int32, SC_L)) >> 1
            rel = idx - base
            mask = (rel >= 0) & (rel < _SLOTS_PW)
            relc = jnp.where(mask, rel, 0)
            plsc.store_scatter(st_v, [relc], tok, mask=mask)
            return 0

        lax.fori_loop(0, _PAIRS // SC_L, step, 0)
        pltpu.sync_copy(st_v.at[pl.ds(0, _SLOTS_PW)],
                        out_hbm.at[pl.ds(base, _SLOTS_PW)])

    def make_stage3(h):
        @functools.partial(
            pl.kernel,
            out_type=jax.ShapeDtypeStruct((_HALF_ROWS, H), jnp.float32),
            mesh=mesh,
            compiler_params=pltpu.CompilerParams(needs_layout_passes=False),
            scratch_types=[
                pltpu.VMEM((_HROWS_PW,), jnp.int32),
                pltpu.VMEM((_HROWS_PW, H), jnp.float32),
                pltpu.SemaphoreType.DMA,
            ],
            name=f"gather_half{h}",
        )
        def stage3h(x_hbm, srctok_hbm, out_hbm, idx_v, rows_v, sem):
            wid = lax.axis_index("s") * NC + lax.axis_index("c")
            base = wid * _HROWS_PW
            pltpu.sync_copy(
                srctok_hbm.at[pl.ds(h * _HALF_ROWS + base, _HROWS_PW)], idx_v)
            pltpu.async_copy(x_hbm.at[idx_v], rows_v, sem).wait()
            pltpu.sync_copy(rows_v, out_hbm.at[pl.ds(base, _HROWS_PW)])
        return stage3h

    stage3 = tuple(make_stage3(q) for q in range(_NSPLIT))

    @functools.partial(
        pl.kernel,
        out_type=jax.ShapeDtypeStruct((S, H), jnp.float32),
        mesh=mesh,
        compiler_params=pltpu.CompilerParams(needs_layout_passes=False),
        scratch_types=[
            pltpu.VMEM((2 * _TOK_PW,), jnp.int32),
            pltpu.VMEM((2 * _TOK_PW,), jnp.float32),
            pltpu.VMEM((_TOK_PW,), jnp.int32),
            pltpu.VMEM((_TOK_PW,), jnp.int32),
            pltpu.VMEM((_TOK_PW, H), jnp.float32),
            pltpu.VMEM((_TOK_PW, H), jnp.float32),
            pltpu.SemaphoreType.DMA,
        ],
    )
    def stage5(y_hbm, dst_hbm, sc_hbm, out_hbm, dst_v, sc_v, i0_v, i1_v,
               b0_v, b1_v, sem):
        wid = lax.axis_index("s") * NC + lax.axis_index("c")
        base = wid * _TOK_PW
        pltpu.sync_copy(dst_hbm.at[pl.ds(base * 2, 2 * _TOK_PW)], dst_v)
        pltpu.sync_copy(sc_hbm.at[pl.ds(base * 2, 2 * _TOK_PW)], sc_v)

        for z in range(_TOK_PW // SC_L):
            g = (z * SC_L + lax.iota(jnp.int32, SC_L)) * 2
            i0_v[pl.ds(z * SC_L, SC_L)] = plsc.load_gather(dst_v, [g])
            i1_v[pl.ds(z * SC_L, SC_L)] = plsc.load_gather(dst_v, [g + 1])

        pltpu.async_copy(y_hbm.at[i0_v], b0_v, sem).wait()
        pltpu.async_copy(y_hbm.at[i1_v], b1_v, sem).wait()

        def row_step(i, _):
            s0 = plsc.load_gather(sc_v, [jnp.full((SC_L,), 2 * i, jnp.int32)])
            s1 = plsc.load_gather(sc_v, [jnp.full((SC_L,), 2 * i + 1, jnp.int32)])
            for h in range(H // SC_L):
                sl = pl.ds(h * SC_L, SC_L)
                b0_v[i, sl] = s0 * b0_v[i, sl] + s1 * b1_v[i, sl]
            return 0

        lax.fori_loop(0, _TOK_PW, row_step, 0)
        pltpu.sync_copy(b0_v, out_hbm.at[pl.ds(base, _TOK_PW)])

    return stage2, stage3, stage5


def _mlp_body(be_ref, x_ref, wgu_ref, bgu_ref, wd_ref, bd_ref, y_ref,
              wgu_bf, wd_bf):
    v = pl.program_id(0)
    changed = (v == 0) | (be_ref[v] != be_ref[jnp.maximum(v - 1, 0)])

    @pl.when(changed)
    def _cast_weights():
        wgu_bf[...] = wgu_ref[0].astype(jnp.bfloat16)
        wd_bf[...] = wd_ref[0].astype(jnp.bfloat16)

    x = x_ref[...].astype(jnp.bfloat16)
    gu = jnp.dot(x, wgu_bf[...], preferred_element_type=jnp.float32)
    gu = gu + bgu_ref[0]
    gu = jnp.minimum(gu, LIMIT)
    gate = gu[:, :I]
    up = jnp.maximum(gu[:, I:], -LIMIT)
    glu = gate * jax.nn.sigmoid(gate * ALPHA)
    act = ((up + 1.0) * glu).astype(jnp.bfloat16)
    y = jnp.dot(act, wd_bf[...], preferred_element_type=jnp.float32)
    y_ref[...] = y + bd_ref[0]


def _stage4_part(be_part, xs_part, wgu, bgu, wd, bd, y_in, off):
    nblk = _HALF_ROWS // BLK
    in_specs = [
        pl.BlockSpec((BLK, H), lambda v, be: (v, 0)),
        pl.BlockSpec((1, H, 2 * I), lambda v, be: (be[v], 0, 0)),
        pl.BlockSpec((1, 1, 2 * I), lambda v, be: (be[v], 0, 0)),
        pl.BlockSpec((1, I, H), lambda v, be: (be[v], 0, 0)),
        pl.BlockSpec((1, 1, H), lambda v, be: (be[v], 0, 0)),
    ]
    args = [be_part, xs_part, wgu, bgu.reshape(E, 1, 2 * I), wd,
            bd.reshape(E, 1, H)]
    aliases = {}
    if y_in is not None:
        in_specs.append(pl.BlockSpec(memory_space=pl.ANY))
        args.append(y_in)
        aliases = {6: 0}
    grid_spec = pltpu.PrefetchScalarGridSpec(
        num_scalar_prefetch=1,
        grid=(nblk,),
        in_specs=in_specs,
        out_specs=pl.BlockSpec((BLK, H), lambda v, be: (v + off, 0)),
        scratch_shapes=[
            pltpu.VMEM((H, 2 * I), jnp.bfloat16),
            pltpu.VMEM((I, H), jnp.bfloat16),
        ],
    )
    body = _mlp_body if y_in is None else (
        lambda be_r, x_r, a_r, b_r, c_r, d_r, yin_r, y_r, s1, s2:
            _mlp_body(be_r, x_r, a_r, b_r, c_r, d_r, y_r, s1, s2))
    return pl.pallas_call(
        body,
        grid_spec=grid_spec,
        out_shape=jax.ShapeDtypeStruct((CAP, H), jnp.float32),
        input_output_aliases=aliases,
    )(*args)


def kernel(hidden_states, router_w, router_b, gate_up_proj, gate_up_proj_bias,
           down_proj, down_proj_bias):
    B = hidden_states.shape[0]
    x2 = hidden_states.reshape(S, H)
    w_pad = jnp.pad(router_w, ((0, 0), (0, LANES - E)))
    b_pad = jnp.pad(router_b, (0, LANES - E)).reshape(1, LANES)

    scores_pad, dst_pad, be_pad = _stage1(x2, w_pad, b_pad)
    scores2 = scores_pad[:, :K]
    dst2 = dst_pad[:, :K]
    be = be_pad[:, 0]
    dst_flat = dst2.reshape(_PAIRS)

    stage2, stage3_parts, stage5 = _sc_stages()
    src_tok = stage2(dst_flat)
    nblk_part = _HALF_ROWS // BLK
    xs_parts = [s3(x2, src_tok) for s3 in stage3_parts]
    ys = None
    for q, xs_q in enumerate(xs_parts):
        ys = _stage4_part(be[q * nblk_part:(q + 1) * nblk_part], xs_q,
                          gate_up_proj, gate_up_proj_bias,
                          down_proj, down_proj_bias, ys, q * nblk_part)
    out = stage5(ys, dst_flat, scores2.reshape(_PAIRS))

    return out.reshape(B, S, H), scores2.reshape(B, S, K)

# --- scband reference (transcript-rebuilt; emitter-appended) ---
"""Pipeline reference for scband-a2a-sparse-stacked-mlp-65833258713875 (READ-ONLY COPY).

The authoritative reference and input builder live on the scoring server;
editing this copy changes nothing except your own understanding.
"""

import jax, jax.numpy as jnp
import numpy as np

E = 8
K = 2
H = 768
I = 768
ALPHA = 1.702
LIMIT = 7.0


def setup_inputs(seed: int = 0) -> dict:
    key = jax.random.key(seed)
    ks = jax.random.split(key, 6)
    B, S = 1, 2048
    return {
        "hidden_states": jax.random.normal(ks[0], (B, S, H), dtype=jnp.float32),
        "router_w": jax.random.normal(ks[1], (H, E), dtype=jnp.float32) * 0.02,
        "router_b": jnp.zeros((E,), dtype=jnp.float32),
        "gate_up_proj": jax.random.normal(ks[2], (E, H, 2 * I), dtype=jnp.float32) * 0.02,
        "gate_up_proj_bias": jnp.zeros((E, 2 * I), dtype=jnp.float32),
        "down_proj": jax.random.normal(ks[3], (E, I, H), dtype=jnp.float32) * 0.02,
        "down_proj_bias": jnp.zeros((E, H), dtype=jnp.float32),
    }


def reference(hidden_states, router_w, router_b, gate_up_proj, gate_up_proj_bias, down_proj, down_proj_bias):
    # Router: linear -> top-k -> softmax over top-k logits
    logits = jnp.einsum('bsh,he->bse', hidden_states, router_w) + router_b
    top_vals, top_idx = jax.lax.top_k(logits, K)
    router_scores = jax.nn.softmax(top_vals, axis=-1)  # [B, S, K]

    # num_devices=1: all_to_all_dispatch is identity; metadata == expert_indices
    # Build sparsity mask via scatter of ones (torch scatter_ with ones src)
    one_hot = jax.nn.one_hot(top_idx, E, dtype=hidden_states.dtype)  # [B,S,K,E]
    mask = (one_hot.sum(axis=-2) > 0).astype(hidden_states.dtype)  # [B,S,E]

    # First sparse matmul: hidden [B,S,1,H] x gate_up_proj [1,E,H,2I] masked by sparsity
    gu = jnp.einsum('bsh,ehf->bsef', hidden_states, gate_up_proj) * mask[..., None]
    gu = gu + gate_up_proj_bias  # [B,S,E,2I]
    gu = jnp.minimum(gu, LIMIT)
    gate = gu[..., :I]
    up = gu[..., I:]
    up = jnp.maximum(up, -LIMIT)
    glu = gate * jax.nn.sigmoid(gate * ALPHA)
    activated = (up + 1.0) * glu  # [B,S,E,I]

    # Second sparse matmul: activated (input-a sparse) x down_proj, masked by same sparsity
    down = jnp.einsum('bsei,eih->bseh', activated, down_proj) * mask[..., None]
    down = down + down_proj_bias  # [B,S,E,H]

    # all_to_all_combine: gather each token's top-k expert outputs
    combined = jnp.take_along_axis(down, top_idx[..., None], axis=2)  # [B,S,K,H]
    output = (combined * router_scores[..., None]).sum(axis=2)  # [B,S,H]
    return output.astype(hidden_states.dtype), router_scores

if __name__ == "__main__":
    import jax
    _d = setup_inputs()
    print(jax.jit(kernel)(*tuple(_d.values())))

</pallas_src>

<mosaic_0001>
#map = affine_map<(d0, d1) -> (0, 0)>
#map1 = affine_map<(d0, d1) -> (0)>
module attributes {stable_mosaic.version = 14 : i64} {
  func.func @stage5(%arg0: i32, %arg1: i32, %arg2: memref<5120x768xf32, #tpu.memory_space<hbm>>, %arg3: memref<4096xi32, #tpu.memory_space<hbm>>, %arg4: memref<4096xf32, #tpu.memory_space<hbm>>, %arg5: memref<2048x768xf32, #tpu.memory_space<hbm>>, %arg6: memref<128xi32, #tpu.memory_space<vmem>>, %arg7: memref<128xf32, #tpu.memory_space<vmem>>, %arg8: memref<64xi32, #tpu.memory_space<vmem>>, %arg9: memref<64xi32, #tpu.memory_space<vmem>>, %arg10: memref<64x768xf32, #tpu.memory_space<vmem>>, %arg11: memref<64x768xf32, #tpu.memory_space<vmem>>, %arg12: memref<!tpu.dma_semaphore, #tpu.memory_space<semaphore_mem>>) attributes {dimension_semantics = [#tpu.dimension_semantics<core_parallel>, #tpu.dimension_semantics<subcore_parallel>], iteration_bounds = array<i64: 2, 16>, scalar_prefetch = 0 : i64, scratch_operands = 7 : i64, tpu.core_type = #tpu.core_type<sc_vector_subcore>, window_params = [{transform_indices = #map}, {transform_indices = #map1}, {transform_indices = #map1}, {transform_indices = #map}]} {
    %mul3A = arith.constant 2 : i32
    %mul3A_0 = arith.muli %arg1, %mul3A : i32
    %add3A = arith.addi %mul3A_0, %arg0 : i32
    %mul3A_1 = arith.constant 64 : i32
    %mul3A_2 = arith.muli %add3A, %mul3A_1 : i32
    %mul3A_3 = arith.constant 2 : i32
    %mul3A_4 = arith.muli %mul3A_2, %mul3A_3 : i32
    "tpu.region"() ({
      %run_scoped3A = tpu.sem_alloc : memref<!tpu.dma_semaphore, #tpu.memory_space<semaphore_mem>>
      %dma_start3A_84 = tpu.memref_slice %arg3[%mul3A_4] : memref<4096xi32, #tpu.memory_space<hbm>> -> memref<128xi32, #tpu.memory_space<hbm>>
      %dma_start3A_85 = tpu.memref_slice %arg3[%mul3A_4] : memref<4096xi32, #tpu.memory_space<hbm>> -> memref<128xi32, #tpu.memory_space<hbm>>
      tpu.enqueue_dma source(%dma_start3A_85 : memref<128xi32, #tpu.memory_space<hbm>>) target(%arg6 : memref<128xi32, #tpu.memory_space<vmem>>) target_semaphore(%run_scoped3A : memref<!tpu.dma_semaphore, #tpu.memory_space<semaphore_mem>>)
      %dma_wait3A_86 = tpu.memref_slice %arg3[%mul3A_4] : memref<4096xi32, #tpu.memory_space<hbm>> -> memref<128xi32, #tpu.memory_space<hbm>>
      %dma_wait3A_87 = tpu.memref_slice %arg3[%mul3A_4] : memref<4096xi32, #tpu.memory_space<hbm>> -> memref<128xi32, #tpu.memory_space<hbm>>
      tpu.wait_dma2 semaphore(%run_scoped3A : memref<!tpu.dma_semaphore, #tpu.memory_space<semaphore_mem>>) src(%dma_wait3A_87 : memref<128xi32, #tpu.memory_space<hbm>>) dst(%arg6 : memref<128xi32, #tpu.memory_space<vmem>>)
      tpu.yield
    }) : () -> ()
    %mul3A_5 = arith.constant 2 : i32
    %mul3A_6 = arith.muli %mul3A_2, %mul3A_5 : i32
    "tpu.region"() ({
      %run_scoped3A = tpu.sem_alloc : memref<!tpu.dma_semaphore, #tpu.memory_space<semaphore_mem>>
      %dma_start3A_84 = tpu.memref_slice %arg4[%mul3A_6] : memref<4096xf32, #tpu.memory_space<hbm>> -> memref<128xf32, #tpu.memory_space<hbm>>
      %dma_start3A_85 = tpu.memref_slice %arg4[%mul3A_6] : memref<4096xf32, #tpu.memory_space<hbm>> -> memref<128xf32, #tpu.memory_space<hbm>>
      tpu.enqueue_dma source(%dma_start3A_85 : memref<128xf32, #tpu.memory_space<hbm>>) target(%arg7 : memref<128xf32, #tpu.memory_space<vmem>>) target_semaphore(%run_scoped3A : memref<!tpu.dma_semaphore, #tpu.memory_space<semaphore_mem>>)
      %dma_wait3A_86 = tpu.memref_slice %arg4[%mul3A_6] : memref<4096xf32, #tpu.memory_space<hbm>> -> memref<128xf32, #tpu.memory_space<hbm>>
      %dma_wait3A_87 = tpu.memref_slice %arg4[%mul3A_6] : memref<4096xf32, #tpu.memory_space<hbm>> -> memref<128xf32, #tpu.memory_space<hbm>>
      tpu.wait_dma2 semaphore(%run_scoped3A : memref<!tpu.dma_semaphore, #tpu.memory_space<semaphore_mem>>) src(%dma_wait3A_87 : memref<128xf32, #tpu.memory_space<hbm>>) dst(%arg7 : memref<128xf32, #tpu.memory_space<vmem>>)
      tpu.yield
    }) : () -> ()
    %iota3A = tpu.iota {dimensions = array<i32: 0>} : vector<16xi32>
    %add3A_7 = arith.constant 0 : i32
    %add3A_8 = vector.broadcast %add3A_7 : i32 to vector<16xi32>
    %add3A_9 = arith.addi %add3A_8, %iota3A : vector<16xi32>
    %mul3A_10 = arith.constant 2 : i32
    %mul3A_11 = vector.broadcast %mul3A_10 : i32 to vector<16xi32>
    %mul3A_12 = arith.muli %add3A_9, %mul3A_11 : vector<16xi32>
    %gather3A = tpu.vector_load_idx %arg6[%mul3A_12] : memref<128xi32, #tpu.memory_space<vmem>>[vector<16xi32>], vector<16xi32>,
    %swap3A = arith.constant 0 : index
    %swap3A_13 = tpu.vector_load %arg8[%swap3A] {strides = array<i32>} : memref<64xi32, #tpu.memory_space<vmem>>, vector<16xi32>,
    tpu.vector_store %arg8[%swap3A], %gather3A {strides = array<i32>} : memref<64xi32, #tpu.memory_space<vmem>>, vector<16xi32>,
    %add3A_14 = arith.constant 1 : i32
    %add3A_15 = vector.broadcast %add3A_14 : i32 to vector<16xi32>
    %add3A_16 = arith.addi %mul3A_12, %add3A_15 : vector<16xi32>
    %gather3A_17 = tpu.vector_load_idx %arg6[%add3A_16] : memref<128xi32, #tpu.memory_space<vmem>>[vector<16xi32>], vector<16xi32>,
    %swap3A_18 = arith.constant 0 : index
    %swap3A_19 = tpu.vector_load %arg9[%swap3A_18] {strides = array<i32>} : memref<64xi32, #tpu.memory_space<vmem>>, vector<16xi32>,
    tpu.vector_store %arg9[%swap3A_18], %gather3A_17 {strides = array<i32>} : memref<64xi32, #tpu.memory_space<vmem>>, vector<16xi32>,
    %iota3A_20 = tpu.iota {dimensions = array<i32: 0>} : vector<16xi32>
    %add3A_21 = arith.constant 16 : i32
    %add3A_22 = vector.broadcast %add3A_21 : i32 to vector<16xi32>
    %add3A_23 = arith.addi %add3A_22, %iota3A_20 : vector<16xi32>
    %mul3A_24 = arith.constant 2 : i32
    %mul3A_25 = vector.broadcast %mul3A_24 : i32 to vector<16xi32>
    %mul3A_26 = arith.muli %add3A_23, %mul3A_25 : vector<16xi32>
    %gather3A_27 = tpu.vector_load_idx %arg6[%mul3A_26] : memref<128xi32, #tpu.memory_space<vmem>>[vector<16xi32>], vector<16xi32>,
    %swap3A_28 = arith.constant 16 : index
    %swap3A_29 = tpu.vector_load %arg8[%swap3A_28] {strides = array<i32>} : memref<64xi32, #tpu.memory_space<vmem>>, vector<16xi32>,
    tpu.vector_store %arg8[%swap3A_28], %gather3A_27 {strides = array<i32>} : memref<64xi32, #tpu.memory_space<vmem>>, vector<16xi32>,
    %add3A_30 = arith.constant 1 : i32
    %add3A_31 = vector.broadcast %add3A_30 : i32 to vector<16xi32>
    %add3A_32 = arith.addi %mul3A_26, %add3A_31 : vector<16xi32>
    %gather3A_33 = tpu.vector_load_idx %arg6[%add3A_32] : memref<128xi32, #tpu.memory_space<vmem>>[vector<16xi32>], vector<16xi32>,
    %swap3A_34 = arith.constant 16 : index
    %swap3A_35 = tpu.vector_load %arg9[%swap3A_34] {strides = array<i32>} : memref<64xi32, #tpu.memory_space<vmem>>, vector<16xi32>,
    tpu.vector_store %arg9[%swap3A_34], %gather3A_33 {strides = array<i32>} : memref<64xi32, #tpu.memory_space<vmem>>, vector<16xi32>,
    %iota3A_36 = tpu.iota {dimensions = array<i32: 0>} : vector<16xi32>
    %add3A_37 = arith.constant 32 : i32
    %add3A_38 = vector.broadcast %add3A_37 : i32 to vector<16xi32>
    %add3A_39 = arith.addi %add3A_38, %iota3A_36 : vector<16xi32>
    %mul3A_40 = arith.constant 2 : i32
    %mul3A_41 = vector.broadcast %mul3A_40 : i32 to vector<16xi32>
    %mul3A_42 = arith.muli %add3A_39, %mul3A_41 : vector<16xi32>
    %gather3A_43 = tpu.vector_load_idx %arg6[%mul3A_42] : memref<128xi32, #tpu.memory_space<vmem>>[vector<16xi32>], vector<16xi32>,
    %swap3A_44 = arith.constant 32 : index
    %swap3A_45 = tpu.vector_load %arg8[%swap3A_44] {strides = array<i32>} : memref<64xi32, #tpu.memory_space<vmem>>, vector<16xi32>,
    tpu.vector_store %arg8[%swap3A_44], %gather3A_43 {strides = array<i32>} : memref<64xi32, #tpu.memory_space<vmem>>, vector<16xi32>,
    %add3A_46 = arith.constant 1 : i32
    %add3A_47 = vector.broadcast %add3A_46 : i32 to vector<16xi32>
    %add3A_48 = arith.addi %mul3A_42, %add3A_47 : vector<16xi32>
    %gather3A_49 = tpu.vector_load_idx %arg6[%add3A_48] : memref<128xi32, #tpu.memory_space<vmem>>[vector<16xi32>], vector<16xi32>,
    %swap3A_50 = arith.constant 32 : index
    %swap3A_51 = tpu.vector_load %arg9[%swap3A_50] {strides = array<i32>} : memref<64xi32, #tpu.memory_space<vmem>>, vector<16xi32>,
    tpu.vector_store %arg9[%swap3A_50], %gather3A_49 {strides = array<i32>} : memref<64xi32, #tpu.memory_space<vmem>>, vector<16xi32>,
    %iota3A_52 = tpu.iota {dimensions = array<i32: 0>} : vector<16xi32>
    %add3A_53 = arith.constant 48 : i32
    %add3A_54 = vector.broadcast %add3A_53 : i32 to vector<16xi32>
    %add3A_55 = arith.addi %add3A_54, %iota3A_52 : vector<16xi32>
    %mul3A_56 = arith.constant 2 : i32
    %mul3A_57 = vector.broadcast %mul3A_56 : i32 to vector<16xi32>
    %mul3A_58 = arith.muli %add3A_55, %mul3A_57 : vector<16xi32>
    %gather3A_59 = tpu.vector_load_idx %arg6[%mul3A_58] : memref<128xi32, #tpu.memory_space<vmem>>[vector<16xi32>], vector<16xi32>,
    %swap3A_60 = arith.constant 48 : index
    %swap3A_61 = tpu.vector_load %arg8[%swap3A_60] {strides = array<i32>} : memref<64xi32, #tpu.memory_space<vmem>>, vector<16xi32>,
    tpu.vector_store %arg8[%swap3A_60], %gather3A_59 {strides = array<i32>} : memref<64xi32, #tpu.memory_space<vmem>>, vector<16xi32>,
    %add3A_62 = arith.constant 1 : i32
    %add3A_63 = vector.broadcast %add3A_62 : i32 to vector<16xi32>
    %add3A_64 = arith.addi %mul3A_58, %add3A_63 : vector<16xi32>
    %gather3A_65 = tpu.vector_load_idx %arg6[%add3A_64] : memref<128xi32, #tpu.memory_space<vmem>>[vector<16xi32>], vector<16xi32>,
    %swap3A_66 = arith.constant 48 : index
    %swap3A_67 = tpu.vector_load %arg9[%swap3A_66] {strides = array<i32>} : memref<64xi32, #tpu.memory_space<vmem>>, vector<16xi32>,
    tpu.vector_store %arg9[%swap3A_66], %gather3A_65 {strides = array<i32>} : memref<64xi32, #tpu.memory_space<vmem>>, vector<16xi32>,
    %dma_start3A = arith.constant 0 : i32
    %dma_start3A_68 = arith.constant 0 : i32
    %dma_start3A_69 = tpu.memref_slice %arg2[%dma_start3A, %dma_start3A_68] : memref<5120x768xf32, #tpu.memory_space<hbm>> -> memref<5120x768xf32, #tpu.memory_space<hbm>>
    tpu.enqueue_indirect_dma source(%dma_start3A_69 : memref<5120x768xf32, #tpu.memory_space<hbm>>) target(%arg10 : memref<64x768xf32, #tpu.memory_space<vmem>>) offsets(%arg8 : memref<64xi32, #tpu.memory_space<vmem>>) semaphore(%arg12 : memref<!tpu.dma_semaphore, #tpu.memory_space<semaphore_mem>>)
    %dma_wait3A = arith.constant 0 : i32
    %dma_wait3A_70 = arith.constant 0 : i32
    %dma_wait3A_71 = tpu.memref_slice %arg2[%dma_wait3A, %dma_wait3A_70] : memref<5120x768xf32, #tpu.memory_space<hbm>> -> memref<5120x768xf32, #tpu.memory_space<hbm>>
    tpu.wait_indirect_dma semaphore(%arg12 : memref<!tpu.dma_semaphore, #tpu.memory_space<semaphore_mem>>) src(%dma_wait3A_71 : memref<5120x768xf32, #tpu.memory_space<hbm>>) dst(%arg10 : memref<64x768xf32, #tpu.memory_space<vmem>>)
    %dma_start3A_72 = arith.constant 0 : i32
    %dma_start3A_73 = arith.constant 0 : i32
    %dma_start3A_74 = tpu.memref_slice %arg2[%dma_start3A_72, %dma_start3A_73] : memref<5120x768xf32, #tpu.memory_space<hbm>> -> memref<5120x768xf32, #tpu.memory_space<hbm>>
    tpu.enqueue_indirect_dma source(%dma_start3A_74 : memref<5120x768xf32, #tpu.memory_space<hbm>>) target(%arg11 : memref<64x768xf32, #tpu.memory_space<vmem>>) offsets(%arg9 : memref<64xi32, #tpu.memory_space<vmem>>) semaphore(%arg12 : memref<!tpu.dma_semaphore, #tpu.memory_space<semaphore_mem>>)
    %dma_wait3A_75 = arith.constant 0 : i32
    %dma_wait3A_76 = arith.constant 0 : i32
    %dma_wait3A_77 = tpu.memref_slice %arg2[%dma_wait3A_75, %dma_wait3A_76] : memref<5120x768xf32, #tpu.memory_space<hbm>> -> memref<5120x768xf32, #tpu.memory_space<hbm>>
    tpu.wait_indirect_dma semaphore(%arg12 : memref<!tpu.dma_semaphore, #tpu.memory_space<semaphore_mem>>) src(%dma_wait3A_77 : memref<5120x768xf32, #tpu.memory_space<hbm>>) dst(%arg11 : memref<64x768xf32, #tpu.memory_space<vmem>>)
    %scan3A = arith.constant 0 : i32
    %scan3A_78 = arith.constant 0 : i32
    %scan3A_79 = arith.constant 64 : i32
    %scan3A_80 = arith.addi %scan3A_78, %scan3A_79 : i32
    %scan3A_81 = arith.constant 1 : i32
    %scan3A_82 = scf.for %scan3A_84 = %scan3A_78 to %scan3A_80 step %scan3A_81 iter_args(%scan3A_85 = %scan3A) -> (i32)  : i32 {
      %mul3A_86 = arith.constant 2 : i32
      %mul3A_87 = arith.muli %mul3A_86, %scan3A_84 : i32
      %broadcast_in_dim3A = vector.broadcast %mul3A_87 : i32 to vector<16xi32>
      %gather3A_88 = tpu.vector_load_idx %arg7[%broadcast_in_dim3A] : memref<128xf32, #tpu.memory_space<vmem>>[vector<16xi32>], vector<16xf32>,
      %mul3A_89 = arith.constant 2 : i32
      %mul3A_90 = arith.muli %mul3A_89, %scan3A_84 : i32
      %add3A_91 = arith.constant 1 : i32
      %add3A_92 = arith.addi %mul3A_90, %add3A_91 : i32
      %broadcast_in_dim3A_93 = vector.broadcast %add3A_92 : i32 to vector<16xi32>
      %gather3A_94 = tpu.vector_load_idx %arg7[%broadcast_in_dim3A_93] : memref<128xf32, #tpu.memory_space<vmem>>[vector<16xi32>], vector<16xf32>,
      %get3A = arith.index_cast %scan3A_84 : i32 to index
      %get3A_95 = arith.constant 0 : index
      %get3A_96 = tpu.vector_load %arg10[%get3A, %get3A_95] {strides = array<i32>} : memref<64x768xf32, #tpu.memory_space<vmem>>, vector<16xf32>,
      %mul3A_97 = arith.mulf %gather3A_88, %get3A_96 : vector<16xf32>
      %get3A_98 = arith.index_cast %scan3A_84 : i32 to index
      %get3A_99 = arith.constant 0 : index
      %get3A_100 = tpu.vector_load %arg11[%get3A_98, %get3A_99] {strides = array<i32>} : memref<64x768xf32, #tpu.memory_space<vmem>>, vector<16xf32>,
      %mul3A_101 = arith.mulf %gather3A_94, %get3A_100 : vector<16xf32>
      %add3A_102 = arith.addf %mul3A_97, %mul3A_101 : vector<16xf32>
      %swap3A_103 = arith.index_cast %scan3A_84 : i32 to index
      %swap3A_104 = arith.constant 0 : index
      %swap3A_105 = tpu.vector_load %arg10[%swap3A_103, %swap3A_104] {strides = array<i32>} : memref<64x768xf32, #tpu.memory_space<vmem>>, vector<16xf32>,
      tpu.vector_store %arg10[%swap3A_103, %swap3A_104], %add3A_102 {strides = array<i32>} : memref<64x768xf32, #tpu.memory_space<vmem>>, vector<16xf32>,
      %get3A_106 = arith.index_cast %scan3A_84 : i32 to index
      %get3A_107 = arith.constant 16 : index
      %get3A_108 = tpu.vector_load %arg10[%get3A_106, %get3A_107] {strides = array<i32>} : memref<64x768xf32, #tpu.memory_space<vmem>>, vector<16xf32>,
      %mul3A_109 = arith.mulf %gather3A_88, %get3A_108 : vector<16xf32>
      %get3A_110 = arith.index_cast %scan3A_84 : i32 to index
      %get3A_111 = arith.constant 16 : index
      %get3A_112 = tpu.vector_load %arg11[%get3A_110, %get3A_111] {strides = array<i32>} : memref<64x768xf32, #tpu.memory_space<vmem>>, vector<16xf32>,
      %mul3A_113 = arith.mulf %gather3A_94, %get3A_112 : vector<16xf32>
      %add3A_114 = arith.addf %mul3A_109, %mul3A_113 : vector<16xf32>
      %swap3A_115 = arith.index_cast %scan3A_84 : i32 to index
      %swap3A_116 = arith.constant 16 : index
      %swap3A_117 = tpu.vector_load %arg10[%swap3A_115, %swap3A_116] {strides = array<i32>} : memref<64x768xf32, #tpu.memory_space<vmem>>, vector<16xf32>,
      tpu.vector_store %arg10[%swap3A_115, %swap3A_116], %add3A_114 {strides = array<i32>} : memref<64x768xf32, #tpu.memory_space<vmem>>, vector<16xf32>,
      %get3A_118 = arith.index_cast %scan3A_84 : i32 to index
      %get3A_119 = arith.constant 32 : index
      %get3A_120 = tpu.vector_load %arg10[%get3A_118, %get3A_119] {strides = array<i32>} : memref<64x768xf32, #tpu.memory_space<vmem>>, vector<16xf32>,
      %mul3A_121 = arith.mulf %gather3A_88, %get3A_120 : vector<16xf32>
      %get3A_122 = arith.index_cast %scan3A_84 : i32 to index
      %get3A_123 = arith.constant 32 : index
      %get3A_124 = tpu.vector_load %arg11[%get3A_122, %get3A_123] {strides = array<i32>} : memref<64x768xf32, #tpu.memory_space<vmem>>, vector<16xf32>,
      %mul3A_125 = arith.mulf %gather3A_94, %get3A_124 : vector<16xf32>
      %add3A_126 = arith.addf %mul3A_121, %mul3A_125 : vector<16xf32>
      %swap3A_127 = arith.index_cast %scan3A_84 : i32 to index
      %swap3A_128 = arith.constant 32 : index
      %swap3A_129 = tpu.vector_load %arg10[%swap3A_127, %swap3A_128] {strides = array<i32>} : memref<64x768xf32, #tpu.memory_space<vmem>>, vector<16xf32>,
      tpu.vector_store %arg10[%swap3A_127, %swap3A_128], %add3A_126 {strides = array<i32>} : memref<64x768xf32, #tpu.memory_space<vmem>>, vector<16xf32>,
      %get3A_130 = arith.index_cast %scan3A_84 : i32 to index
      %get3A_131 = arith.constant 48 : index
      %get3A_132 = tpu.vector_load %arg10[%get3A_130, %get3A_131] {strides = array<i32>} : memref<64x768xf32, #tpu.memory_space<vmem>>, vector<16xf32>,
      %mul3A_133 = arith.mulf %gather3A_88, %get3A_132 : vector<16xf32>
      %get3A_134 = arith.index_cast %scan3A_84 : i32 to index
      %get3A_135 = arith.constant 48 : index
      %get3A_136 = tpu.vector_load %arg11[%get3A_134, %get3A_135] {strides = array<i32>} : memref<64x768xf32, #tpu.memory_space<vmem>>, vector<16xf32>,
      %mul3A_137 = arith.mulf %gather3A_94, %get3A_136 : vector<16xf32>
      %add3A_138 = arith.addf %mul3A_133, %mul3A_137 : vector<16xf32>
      %swap3A_139 = arith.index_cast %scan3A_84 : i32 to index
      %swap3A_140 = arith.constant 48 : index
      %swap3A_141 = tpu.vector_load %arg10[%swap3A_139, %swap3A_140] {strides = array<i32>} : memref<64x768xf32, #tpu.memory_space<vmem>>, vector<16xf32>,
      tpu.vector_store %arg10[%swap3A_139, %swap3A_140], %add3A_138 {strides = array<i32>} : memref<64x768xf32, #tpu.memory_space<vmem>>, vector<16xf32>,
      %get3A_142 = arith.index_cast %scan3A_84 : i32 to index
      %get3A_143 = arith.constant 64 : index
      %get3A_144 = tpu.vector_load %arg10[%get3A_142, %get3A_143] {strides = array<i32>} : memref<64x768xf32, #tpu.memory_space<vmem>>, vector<16xf32>,
      %mul3A_145 = arith.mulf %gather3A_88, %get3A_144 : vector<16xf32>
      %get3A_146 = arith.index_cast %scan3A_84 : i32 to index
      %get3A_147 = arith.constant 64 : index
      %get3A_148 = tpu.vector_load %arg11[%get3A_146, %get3A_147] {strides = array<i32>} : memref<64x768xf32, #tpu.memory_space<vmem>>, vector<16xf32>,
      %mul3A_149 = arith.mulf %gather3A_94, %get3A_148 : vector<16xf32>
      %add3A_150 = arith.addf %mul3A_145, %mul3A_149 : vector<16xf32>
      %swap3A_151 = arith.index_cast %scan3A_84 : i32 to index
      %swap3A_152 = arith.constant 64 : index
      %swap3A_153 = tpu.vector_load %arg10[%swap3A_151, %swap3A_152] {strides = array<i32>} : memref<64x768xf32, #tpu.memory_space<vmem>>, vector<16xf32>,
      tpu.vector_store %arg10[%swap3A_151, %swap3A_152], %add3A_150 {strides = array<i32>} : memref<64x768xf32, #tpu.memory_space<vmem>>, vector<16xf32>,
      %get3A_154 = arith.index_cast %scan3A_84 : i32 to index
      %get3A_155 = arith.constant 80 : index
      %get3A_156 = tpu.vector_load %arg10[%get3A_154, %get3A_155] {strides = array<i32>} : memref<64x768xf32, #tpu.memory_space<vmem>>, vector<16xf32>,
      %mul3A_157 = arith.mulf %gather3A_88, %get3A_156 : vector<16xf32>
      %get3A_158 = arith.index_cast %scan3A_84 : i32 to index
      %get3A_159 = arith.constant 80 : index
      %get3A_160 = tpu.vector_load %arg11[%get3A_158, %get3A_159] {strides = array<i32>} : memref<64x768xf32, #tpu.memory_space<vmem>>, vector<16xf32>,
      %mul3A_161 = arith.mulf %gather3A_94, %get3A_160 : vector<16xf32>
      %add3A_162 = arith.addf %mul3A_157, %mul3A_161 : vector<16xf32>
      %swap3A_163 = arith.index_cast %scan3A_84 : i32 to index
      %swap3A_164 = arith.constant 80 : index
      %swap3A_165 = tpu.vector_load %arg10[%swap3A_163, %swap3A_164] {strides = array<i32>} : memref<64x768xf32, #tpu.memory_space<vmem>>, vector<16xf32>,
      tpu.vector_store %arg10[%swap3A_163, %swap3A_164], %add3A_162 {strides = array<i32>} : memref<64x768xf32, #tpu.memory_space<vmem>>, vector<16xf32>,
      %get3A_166 = arith.index_cast %scan3A_84 : i32 to index
      %get3A_167 = arith.constant 96 : index
      %get3A_168 = tpu.vector_load %arg10[%get3A_166, %get3A_167] {strides = array<i32>} : memref<64x768xf32, #tpu.memory_space<vmem>>, vector<16xf32>,
      %mul3A_169 = arith.mulf %gather3A_88, %get3A_168 : vector<16xf32>
      %get3A_170 = arith.index_cast %scan3A_84 : i32 to index
      %get3A_171 = arith.constant 96 : index
      %get3A_172 = tpu.vector_load %arg11[%get3A_170, %get3A_171] {strides = array<i32>} : memref<64x768xf32, #tpu.memory_space<vmem>>, vector<16xf32>,
      %mul3A_173 = arith.mulf %gather3A_94, %get3A_172 : vector<16xf32>
      %add3A_174 = arith.addf %mul3A_169, %mul3A_173 : vector<16xf32>
      %swap3A_175 = arith.index_cast %scan3A_84 : i32 to index
      %swap3A_176 = arith.constant 96 : index
      %swap3A_177 = tpu.vector_load %arg10[%swap3A_175, %swap3A_176] {strides = array<i32>} : memref<64x768xf32, #tpu.memory_space<vmem>>, vector<16xf32>,
      tpu.vector_store %arg10[%swap3A_175, %swap3A_176], %add3A_174 {strides = array<i32>} : memref<64x768xf32, #tpu.memory_space<vmem>>, vector<16xf32>,
      %get3A_178 = arith.index_cast %scan3A_84 : i32 to index
      %get3A_179 = arith.constant 112 : index
      %get3A_180 = tpu.vector_load %arg10[%get3A_178, %get3A_179] {strides = array<i32>} : memref<64x768xf32, #tpu.memory_space<vmem>>, vector<16xf32>,
      %mul3A_181 = arith.mulf %gather3A_88, %get3A_180 : vector<16xf32>
      %get3A_182 = arith.index_cast %scan3A_84 : i32 to index
      %get3A_183 = arith.constant 112 : index
      %get3A_184 = tpu.vector_load %arg11[%get3A_182, %get3A_183] {strides = array<i32>} : memref<64x768xf32, #tpu.memory_space<vmem>>, vector<16xf32>,
      %mul3A_185 = arith.mulf %gather3A_94, %get3A_184 : vector<16xf32>
      %add3A_186 = arith.addf %mul3A_181, %mul3A_185 : vector<16xf32>
      %swap3A_187 = arith.index_cast %scan3A_84 : i32 to index
      %swap3A_188 = arith.constant 112 : index
      %swap3A_189 = tpu.vector_load %arg10[%swap3A_187, %swap3A_188] {strides = array<i32>} : memref<64x768xf32, #tpu.memory_space<vmem>>, vector<16xf32>,
      tpu.vector_store %arg10[%swap3A_187, %swap3A_188], %add3A_186 {strides = array<i32>} : memref<64x768xf32, #tpu.memory_space<vmem>>, vector<16xf32>,
      %get3A_190 = arith.index_cast %scan3A_84 : i32 to index
      %get3A_191 = arith.constant 128 : index
      %get3A_192 = tpu.vector_load %arg10[%get3A_190, %get3A_191] {strides = array<i32>} : memref<64x768xf32, #tpu.memory_space<vmem>>, vector<16xf32>,
      %mul3A_193 = arith.mulf %gather3A_88, %get3A_192 : vector<16xf32>
      %get3A_194 = arith.index_cast %scan3A_84 : i32 to index
      %get3A_195 = arith.constant 128 : index
      %get3A_196 = tpu.vector_load %arg11[%get3A_194, %get3A_195] {strides = array<i32>} : memref<64x768xf32, #tpu.memory_space<vmem>>, vector<16xf32>,
      %mul3A_197 = arith.mulf %gather3A_94, %get3A_196 : vector<16xf32>
      %add3A_198 = arith.addf %mul3A_193, %mul3A_197 : vector<16xf32>
      %swap3A_199 = arith.index_cast %scan3A_84 : i32 to index
      %swap3A_200 = arith.constant 128 : index
      %swap3A_201 = tpu.vector_load %arg10[%swap3A_199, %swap3A_200] {strides = array<i32>} : memref<64x768xf32, #tpu.memory_space<vmem>>, vector<16xf32>,
      tpu.vector_store %arg10[%swap3A_199, %swap3A_200], %add3A_198 {strides = array<i32>} : memref<64x768xf32, #tpu.memory_space<vmem>>, vector<16xf32>,
      %get3A_202 = arith.index_cast %scan3A_84 : i32 to index
      %get3A_203 = arith.constant 144 : index
      %get3A_204 = tpu.vector_load %arg10[%get3A_202, %get3A_203] {strides = array<i32>} : memref<64x768xf32, #tpu.memory_space<vmem>>, vector<16xf32>,
      %mul3A_205 = arith.mulf %gather3A_88, %get3A_204 : vector<16xf32>
      %get3A_206 = arith.index_cast %scan3A_84 : i32 to index
      %get3A_207 = arith.constant 144 : index
      %get3A_208 = tpu.vector_load %arg11[%get3A_206, %get3A_207] {strides = array<i32>} : memref<64x768xf32, #tpu.memory_space<vmem>>, vector<16xf32>,
      %mul3A_209 = arith.mulf %gather3A_94, %get3A_208 : vector<16xf32>
      %add3A_210 = arith.addf %mul3A_205, %mul3A_209 : vector<16xf32>
      %swap3A_211 = arith.index_cast %scan3A_84 : i32 to index
      %swap3A_212 = arith.constant 144 : index
      %swap3A_213 = tpu.vector_load %arg10[%swap3A_211, %swap3A_212] {strides = array<i32>} : memref<64x768xf32, #tpu.memory_space<vmem>>, vector<16xf32>,
      tpu.vector_store %arg10[%swap3A_211, %swap3A_212], %add3A_210 {strides = array<i32>} : memref<64x768xf32, #tpu.memory_space<vmem>>, vector<16xf32>,
      %get3A_214 = arith.index_cast %scan3A_84 : i32 to index
      %get3A_215 = arith.constant 160 : index
      %get3A_216 = tpu.vector_load %arg10[%get3A_214, %get3A_215] {strides = array<i32>} : memref<64x768xf32, #tpu.memory_space<vmem>>, vector<16xf32>,
      %mul3A_217 = arith.mulf %gather3A_88, %get3A_216 : vector<16xf32>
      %get3A_218 = arith.index_cast %scan3A_84 : i32 to index
      %get3A_219 = arith.constant 160 : index
      %get3A_220 = tpu.vector_load %arg11[%get3A_218, %get3A_219] {strides = array<i32>} : memref<64x768xf32, #tpu.memory_space<vmem>>, vector<16xf32>,
      %mul3A_221 = arith.mulf %gather3A_94, %get3A_220 : vector<16xf32>
      %add3A_222 = arith.addf %mul3A_217, %mul3A_221 : vector<16xf32>
      %swap3A_223 = arith.index_cast %scan3A_84 : i32 to index
      %swap3A_224 = arith.constant 160 : index
      %swap3A_225 = tpu.vector_load %arg10[%swap3A_223, %swap3A_224] {strides = array<i32>} : memref<64x768xf32, #tpu.memory_space<vmem>>, vector<16xf32>,
      tpu.vector_store %arg10[%swap3A_223, %swap3A_224], %add3A_222 {strides = array<i32>} : memref<64x768xf32, #tpu.memory_space<vmem>>, vector<16xf32>,
      %get3A_226 = arith.index_cast %scan3A_84 : i32 to index
      %get3A_227 = arith.constant 176 : index
      %get3A_228 = tpu.vector_load %arg10[%get3A_226, %get3A_227] {strides = array<i32>} : memref<64x768xf32, #tpu.memory_space<vmem>>, vector<16xf32>,
      %mul3A_229 = arith.mulf %gather3A_88, %get3A_228 : vector<16xf32>
      %get3A_230 = arith.index_cast %scan3A_84 : i32 to index
      %get3A_231 = arith.constant 176 : index
      %get3A_232 = tpu.vector_load %arg11[%get3A_230, %get3A_231] {strides = array<i32>} : memref<64x768xf32, #tpu.memory_space<vmem>>, vector<16xf32>,
      %mul3A_233 = arith.mulf %gather3A_94, %get3A_232 : vector<16xf32>
      %add3A_234 = arith.addf %mul3A_229, %mul3A_233 : vector<16xf32>
      %swap3A_235 = arith.index_cast %scan3A_84 : i32 to index
      %swap3A_236 = arith.constant 176 : index
      %swap3A_237 = tpu.vector_load %arg10[%swap3A_235, %swap3A_236] {strides = array<i32>} : memref<64x768xf32, #tpu.memory_space<vmem>>, vector<16xf32>,
      tpu.vector_store %arg10[%swap3A_235, %swap3A_236], %add3A_234 {strides = array<i32>} : memref<64x768xf32, #tpu.memory_space<vmem>>, vector<16xf32>,
      %get3A_238 = arith.index_cast %scan3A_84 : i32 to index
      %get3A_239 = arith.constant 192 : index
      %get3A_240 = tpu.vector_load %arg10[%get3A_238, %get3A_239] {strides = array<i32>} : memref<64x768xf32, #tpu.memory_space<vmem>>, vector<16xf32>,
      %mul3A_241 = arith.mulf %gather3A_88, %get3A_240 : vector<16xf32>
      %get3A_242 = arith.index_cast %scan3A_84 : i32 to index
      %get3A_243 = arith.constant 192 : index
      %get3A_244 = tpu.vector_load %arg11[%get3A_242, %get3A_243] {strides = array<i32>} : memref<64x768xf32, #tpu.memory_space<vmem>>, vector<16xf32>,
      %mul3A_245 = arith.mulf %gather3A_94, %get3A_244 : vector<16xf32>
      %add3A_246 = arith.addf %mul3A_241, %mul3A_245 : vector<16xf32>
      %swap3A_247 = arith.index_cast %scan3A_84 : i32 to index
      %swap3A_248 = arith.constant 192 : index
      %swap3A_249 = tpu.vector_load %arg10[%swap3A_247, %swap3A_248] {strides = array<i32>} : memref<64x768xf32, #tpu.memory_space<vmem>>, vector<16xf32>,
      tpu.vector_store %arg10[%swap3A_247, %swap3A_248], %add3A_246 {strides = array<i32>} : memref<64x768xf32, #tpu.memory_space<vmem>>, vector<16xf32>,
      %get3A_250 = arith.index_cast %scan3A_84 : i32 to index
      %get3A_251 = arith.constant 208 : index
      %get3A_252 = tpu.vector_load %arg10[%get3A_250, %get3A_251] {strides = array<i32>} : memref<64x768xf32, #tpu.memory_space<vmem>>, vector<16xf32>,
      %mul3A_253 = arith.mulf %gather3A_88, %get3A_252 : vector<16xf32>
      %get3A_254 = arith.index_cast %scan3A_84 : i32 to index
      %get3A_255 = arith.constant 208 : index
      %get3A_256 = tpu.vector_load %arg11[%get3A_254, %get3A_255] {strides = array<i32>} : memref<64x768xf32, #tpu.memory_space<vmem>>, vector<16xf32>,
      %mul3A_257 = arith.mulf %gather3A_94, %get3A_256 : vector<16xf32>
      %add3A_258 = arith.addf %mul3A_253, %mul3A_257 : vector<16xf32>
      %swap3A_259 = arith.index_cast %scan3A_84 : i32 to index
      %swap3A_260 = arith.constant 208 : index
      %swap3A_261 = tpu.vector_load %arg10[%swap3A_259, %swap3A_260] {strides = array<i32>} : memref<64x768xf32, #tpu.memory_space<vmem>>, vector<16xf32>,
      tpu.vector_store %arg10[%swap3A_259, %swap3A_260], %add3A_258 {strides = array<i32>} : memref<64x768xf32, #tpu.memory_space<vmem>>, vector<16xf32>,
      %get3A_262 = arith.index_cast %scan3A_84 : i32 to index
      %get3A_263 = arith.constant 224 : index
      %get3A_264 = tpu.vector_load %arg10[%get3A_262, %get3A_263] {strides = array<i32>} : memref<64x768xf32, #tpu.memory_space<vmem>>, vector<16xf32>,
      %mul3A_265 = arith.mulf %gather3A_88, %get3A_264 : vector<16xf32>
      %get3A_266 = arith.index_cast %scan3A_84 : i32 to index
      %get3A_267 = arith.constant 224 : index
      %get3A_268 = tpu.vector_load %arg11[%get3A_266, %get3A_267] {strides = array<i32>} : memref<64x768xf32, #tpu.memory_space<vmem>>, vector<16xf32>,
      %mul3A_269 = arith.mulf %gather3A_94, %get3A_268 : vector<16xf32>
      %add3A_270 = arith.addf %mul3A_265, %mul3A_269 : vector<16xf32>
      %swap3A_271 = arith.index_cast %scan3A_84 : i32 to index
      %swap3A_272 = arith.constant 224 : index
      %swap3A_273 = tpu.vector_load %arg10[%swap3A_271, %swap3A_272] {strides = array<i32>} : memref<64x768xf32, #tpu.memory_space<vmem>>, vector<16xf32>,
      tpu.vector_store %arg10[%swap3A_271, %swap3A_272], %add3A_270 {strides = array<i32>} : memref<64x768xf32, #tpu.memory_space<vmem>>, vector<16xf32>,
      %get3A_274 = arith.index_cast %scan3A_84 : i32 to index
      %get3A_275 = arith.constant 240 : index
      %get3A_276 = tpu.vector_load %arg10[%get3A_274, %get3A_275] {strides = array<i32>} : memref<64x768xf32, #tpu.memory_space<vmem>>, vector<16xf32>,
      %mul3A_277 = arith.mulf %gather3A_88, %get3A_276 : vector<16xf32>
      %get3A_278 = arith.index_cast %scan3A_84 : i32 to index
      %get3A_279 = arith.constant 240 : index
      %get3A_280 = tpu.vector_load %arg11[%get3A_278, %get3A_279] {strides = array<i32>} : memref<64x768xf32, #tpu.memory_space<vmem>>, vector<16xf32>,
      %mul3A_281 = arith.mulf %gather3A_94, %get3A_280 : vector<16xf32>
      %add3A_282 = arith.addf %mul3A_277, %mul3A_281 : vector<16xf32>
      %swap3A_283 = arith.index_cast %scan3A_84 : i32 to index
      %swap3A_284 = arith.constant 240 : index
      %swap3A_285 = tpu.vector_load %arg10[%swap3A_283, %swap3A_284] {strides = array<i32>} : memref<64x768xf32, #tpu.memory_space<vmem>>, vector<16xf32>,
      tpu.vector_store %arg10[%swap3A_283, %swap3A_284], %add3A_282 {strides = array<i32>} : memref<64x768xf32, #tpu.memory_space<vmem>>, vector<16xf32>,
      %get3A_286 = arith.index_cast %scan3A_84 : i32 to index
      %get3A_287 = arith.constant 256 : index
      %get3A_288 = tpu.vector_load %arg10[%get3A_286, %get3A_287] {strides = array<i32>} : memref<64x768xf32, #tpu.memory_space<vmem>>, vector<16xf32>,
      %mul3A_289 = arith.mulf %gather3A_88, %get3A_288 : vector<16xf32>
      %get3A_290 = arith.index_cast %scan3A_84 : i32 to index
      %get3A_291 = arith.constant 256 : index
      %get3A_292 = tpu.vector_load %arg11[%get3A_290, %get3A_291] {strides = array<i32>} : memref<64x768xf32, #tpu.memory_space<vmem>>, vector<16xf32>,
      %mul3A_293 = arith.mulf %gather3A_94, %get3A_292 : vector<16xf32>
      %add3A_294 = arith.addf %mul3A_289, %mul3A_293 : vector<16xf32>
      %swap3A_295 = arith.index_cast %scan3A_84 : i32 to index
      %swap3A_296 = arith.constant 256 : index
      %swap3A_297 = tpu.vector_load %arg10[%swap3A_295, %swap3A_296] {strides = array<i32>} : memref<64x768xf32, #tpu.memory_space<vmem>>, vector<16xf32>,
      tpu.vector_store %arg10[%swap3A_295, %swap3A_296], %add3A_294 {strides = array<i32>} : memref<64x768xf32, #tpu.memory_space<vmem>>, vector<16xf32>,
      %get3A_298 = arith.index_cast %scan3A_84 : i32 to index
      %get3A_299 = arith.constant 272 : index
      %get3A_300 = tpu.vector_load %arg10[%get3A_298, %get3A_299] {strides = array<i32>} : memref<64x768xf32, #tpu.memory_space<vmem>>, vector<16xf32>,
      %mul3A_301 = arith.mulf %gather3A_88, %get3A_300 : vector<16xf32>
      %get3A_302 = arith.index_cast %scan3A_84 : i32 to index
      %get3A_303 = arith.constant 272 : index
      %get3A_304 = tpu.vector_load %arg11[%get3A_302, %get3A_303] {strides = array<i32>} : memref<64x768xf32, #tpu.memory_space<vmem>>, vector<16xf32>,
      %mul3A_305 = arith.mulf %gather3A_94, %get3A_304 : vector<16xf32>
      %add3A_306 = arith.addf %mul3A_301, %mul3A_305 : vector<16xf32>
      %swap3A_307 = arith.index_cast %scan3A_84 : i32 to index
      %swap3A_308 = arith.constant 272 : index
      %swap3A_309 = tpu.vector_load %arg10[%swap3A_307, %swap3A_308] {strides = array<i32>} : memref<64x768xf32, #tpu.memory_space<vmem>>, vector<16xf32>,
      tpu.vector_store %arg10[%swap3A_307, %swap3A_308], %add3A_306 {strides = array<i32>} : memref<64x768xf32, #tpu.memory_space<vmem>>, vector<16xf32>,
      %get3A_310 = arith.index_cast %scan3A_84 : i32 to index
      %get3A_311 = arith.constant 288 : index
      %get3A_312 = tpu.vector_load %arg10[%get3A_310, %get3A_311] {strides = array<i32>} : memref<64x768xf32, #tpu.memory_space<vmem>>, vector<16xf32>,
      %mul3A_313 = arith.mulf %gather3A_88, %get3A_312 : vector<16xf32>
      %get3A_314 = arith.index_cast %scan3A_84 : i32 to index
      %get3A_315 = arith.constant 288 : index
      %get3A_316 = tpu.vector_load %arg11[%get3A_314, %get3A_315] {strides = array<i32>} : memref<64x768xf32, #tpu.memory_space<vmem>>, vector<16xf32>,
      %mul3A_317 = arith.mulf %gather3A_94, %get3A_316 : vector<16xf32>
      %add3A_318 = arith.addf %mul3A_313, %mul3A_317 : vector<16xf32>
      %swap3A_319 = arith.index_cast %scan3A_84 : i32 to index
      %swap3A_320 = arith.constant 288 : index
      %swap3A_321 = tpu.vector_load %arg10[%swap3A_319, %swap3A_320] {strides = array<i32>} : memref<64x768xf32, #tpu.memory_space<vmem>>, vector<16xf32>,
      tpu.vector_store %arg10[%swap3A_319, %swap3A_320], %add3A_318 {strides = array<i32>} : memref<64x768xf32, #tpu.memory_space<vmem>>, vector<16xf32>,
      %get3A_322 = arith.index_cast %scan3A_84 : i32 to index
      %get3A_323 = arith.constant 304 : index
      %get3A_324 = tpu.vector_load %arg10[%get3A_322, %get3A_323] {strides = array<i32>} : memref<64x768xf32, #tpu.memory_space<vmem>>, vector<16xf32>,
      %mul3A_325 = arith.mulf %gather3A_88, %get3A_324 : vector<16xf32>
      %get3A_326 = arith.index_cast %scan3A_84 : i32 to index
      %get3A_327 = arith.constant 304 : index
      %get3A_328 = tpu.vector_load %arg11[%get3A_326, %get3A_327] {strides = array<i32>} : memref<64x768xf32, #tpu.memory_space<vmem>>, vector<16xf32>,
      %mul3A_329 = arith.mulf %gather3A_94, %get3A_328 : vector<16xf32>
      %add3A_330 = arith.addf %mul3A_325, %mul3A_329 : vector<16xf32>
      %swap3A_331 = arith.index_cast %scan3A_84 : i32 to index
      %swap3A_332 = arith.constant 304 : index
      %swap3A_333 = tpu.vector_load %arg10[%swap3A_331, %swap3A_332] {strides = array<i32>} : memref<64x768xf32, #tpu.memory_space<vmem>>, vector<16xf32>,
      tpu.vector_store %arg10[%swap3A_331, %swap3A_332], %add3A_330 {strides = array<i32>} : memref<64x768xf32, #tpu.memory_space<vmem>>, vector<16xf32>,
      %get3A_334 = arith.index_cast %scan3A_84 : i32 to index
      %get3A_335 = arith.constant 320 : index
      %get3A_336 = tpu.vector_load %arg10[%get3A_334, %get3A_335] {strides = array<i32>} : memref<64x768xf32, #tpu.memory_space<vmem>>, vector<16xf32>,
      %mul3A_337 = arith.mulf %gather3A_88, %get3A_336 : vector<16xf32>
      %get3A_338 = arith.index_cast %scan3A_84 : i32 to index
      %get3A_339 = arith.constant 320 : index
      %get3A_340 = tpu.vector_load %arg11[%get3A_338, %get3A_339] {strides = array<i32>} : memref<64x768xf32, #tpu.memory_space<vmem>>, vector<16xf32>,
      %mul3A_341 = arith.mulf %gather3A_94, %get3A_340 : vector<16xf32>
      %add3A_342 = arith.addf %mul3A_337, %mul3A_341 : vector<16xf32>
      %swap3A_343 = arith.index_cast %scan3A_84 : i32 to index
      %swap3A_344 = arith.constant 320 : index
      %swap3A_345 = tpu.vector_load %arg10[%swap3A_343, %swap3A_344] {strides = array<i32>} : memref<64x768xf32, #tpu.memory_space<vmem>>, vector<16xf32>,
      tpu.vector_store %arg10[%swap3A_343, %swap3A_344], %add3A_342 {strides = array<i32>} : memref<64x768xf32, #tpu.memory_space<vmem>>, vector<16xf32>,
      %get3A_346 = arith.index_cast %scan3A_84 : i32 to index
      %get3A_347 = arith.constant 336 : index
      %get3A_348 = tpu.vector_load %arg10[%get3A_346, %get3A_347] {strides = array<i32>} : memref<64x768xf32, #tpu.memory_space<vmem>>, vector<16xf32>,
      %mul3A_349 = arith.mulf %gather3A_88, %get3A_348 : vector<16xf32>
      %get3A_350 = arith.index_cast %scan3A_84 : i32 to index
      %get3A_351 = arith.constant 336 : index
      %get3A_352 = tpu.vector_load %arg11[%get3A_350, %get3A_351] {strides = array<i32>} : memref<64x768xf32, #tpu.memory_space<vmem>>, vector<16xf32>,
      %mul3A_353 = arith.mulf %gather3A_94, %get3A_352 : vector<16xf32>
      %add3A_354 = arith.addf %mul3A_349, %mul3A_353 : vector<16xf32>
      %swap3A_355 = arith.index_cast %scan3A_84 : i32 to index
      %swap3A_356 = arith.constant 336 : index
      %swap3A_357 = tpu.vector_load %arg10[%swap3A_355, %swap3A_356] {strides = array<i32>} : memref<64x768xf32, #tpu.memory_space<vmem>>, vector<16xf32>,
      tpu.vector_store %arg10[%swap3A_355, %swap3A_356], %add3A_354 {strides = array<i32>} : memref<64x768xf32, #tpu.memory_space<vmem>>, vector<16xf32>,
      %get3A_358 = arith.index_cast %scan3A_84 : i32 to index
      %get3A_359 = arith.constant 352 : index
      %get3A_360 = tpu.vector_load %arg10[%get3A_358, %get3A_359] {strides = array<i32>} : memref<64x768xf32, #tpu.memory_space<vmem>>, vector<16xf32>,
      %mul3A_361 = arith.mulf %gather3A_88, %get3A_360 : vector<16xf32>
      %get3A_362 = arith.index_cast %scan3A_84 : i32 to index
      %get3A_363 = arith.constant 352 : index
      %get3A_364 = tpu.vector_load %arg11[%get3A_362, %get3A_363] {strides = array<i32>} : memref<64x768xf32, #tpu.memory_space<vmem>>, vector<16xf32>,
      %mul3A_365 = arith.mulf %gather3A_94, %get3A_364 : vector<16xf32>
      %add3A_366 = arith.addf %mul3A_361, %mul3A_365 : vector<16xf32>
      %swap3A_367 = arith.index_cast %scan3A_84 : i32 to index
      %swap3A_368 = arith.constant 352 : index
      %swap3A_369 = tpu.vector_load %arg10[%swap3A_367, %swap3A_368] {strides = array<i32>} : memref<64x768xf32, #tpu.memory_space<vmem>>, vector<16xf32>,
      tpu.vector_store %arg10[%swap3A_367, %swap3A_368], %add3A_366 {strides = array<i32>} : memref<64x768xf32, #tpu.memory_space<vmem>>, vector<16xf32>,
      %get3A_370 = arith.index_cast %scan3A_84 : i32 to index
      %get3A_371 = arith.constant 368 : index
      %get3A_372 = tpu.vector_load %arg10[%get3A_370, %get3A_371] {strides = array<i32>} : memref<64x768xf32, #tpu.memory_space<vmem>>, vector<16xf32>,
      %mul3A_373 = arith.mulf %gather3A_88, %get3A_372 : vector<16xf32>
      %get3A_374 = arith.index_cast %scan3A_84 : i32 to index
      %get3A_375 = arith.constant 368 : index
      %get3A_376 = tpu.vector_load %arg11[%get3A_374, %get3A_375] {strides = array<i32>} : memref<64x768xf32, #tpu.memory_space<vmem>>, vector<16xf32>,
      %mul3A_377 = arith.mulf %gather3A_94, %get3A_376 : vector<16xf32>
      %add3A_378 = arith.addf %mul3A_373, %mul3A_377 : vector<16xf32>
      %swap3A_379 = arith.index_cast %scan3A_84 : i32 to index
      %swap3A_380 = arith.constant 368 : index
      %swap3A_381 = tpu.vector_load %arg10[%swap3A_379, %swap3A_380] {strides = array<i32>} : memref<64x768xf32, #tpu.memory_space<vmem>>, vector<16xf32>,
      tpu.vector_store %arg10[%swap3A_379, %swap3A_380], %add3A_378 {strides = array<i32>} : memref<64x768xf32, #tpu.memory_space<vmem>>, vector<16xf32>,
      %get3A_382 = arith.index_cast %scan3A_84 : i32 to index
      %get3A_383 = arith.constant 384 : index
      %get3A_384 = tpu.vector_load %arg10[%get3A_382, %get3A_383] {strides = array<i32>} : memref<64x768xf32, #tpu.memory_space<vmem>>, vector<16xf32>,
      %mul3A_385 = arith.mulf %gather3A_88, %get3A_384 : vector<16xf32>
      %get3A_386 = arith.index_cast %scan3A_84 : i32 to index
      %get3A_387 = arith.constant 384 : index
      %get3A_388 = tpu.vector_load %arg11[%get3A_386, %get3A_387] {strides = array<i32>} : memref<64x768xf32, #tpu.memory_space<vmem>>, vector<16xf32>,
      %mul3A_389 = arith.mulf %gather3A_94, %get3A_388 : vector<16xf32>
      %add3A_390 = arith.addf %mul3A_385, %mul3A_389 : vector<16xf32>
      %swap3A_391 = arith.index_cast %scan3A_84 : i32 to index
      %swap3A_392 = arith.constant 384 : index
      %swap3A_393 = tpu.vector_load %arg10[%swap3A_391, %swap3A_392] {strides = array<i32>} : memref<64x768xf32, #tpu.memory_space<vmem>>, vector<16xf32>,
      tpu.vector_store %arg10[%swap3A_391, %swap3A_392], %add3A_390 {strides = array<i32>} : memref<64x768xf32, #tpu.memory_space<vmem>>, vector<16xf32>,
      %get3A_394 = arith.index_cast %scan3A_84 : i32 to index
      %get3A_395 = arith.constant 400 : index
      %get3A_396 = tpu.vector_load %arg10[%get3A_394, %get3A_395] {strides = array<i32>} : memref<64x768xf32, #tpu.memory_space<vmem>>, vector<16xf32>,
      %mul3A_397 = arith.mulf %gather3A_88, %get3A_396 : vector<16xf32>
      %get3A_398 = arith.index_cast %scan3A_84 : i32 to index
      %get3A_399 = arith.constant 400 : index
      %get3A_400 = tpu.vector_load %arg11[%get3A_398, %get3A_399] {strides = array<i32>} : memref<64x768xf32, #tpu.memory_space<vmem>>, vector<16xf32>,
      %mul3A_401 = arith.mulf %gather3A_94, %get3A_400 : vector<16xf32>
      %add3A_402 = arith.addf %mul3A_397, %mul3A_401 : vector<16xf32>
      %swap3A_403 = arith.index_cast %scan3A_84 : i32 to index
      %swap3A_404 = arith.constant 400 : index
      %swap3A_405 = tpu.vector_load %arg10[%swap3A_403, %swap3A_404] {strides = array<i32>} : memref<64x768xf32, #tpu.memory_space<vmem>>, vector<16xf32>,
      tpu.vector_store %arg10[%swap3A_403, %swap3A_404], %add3A_402 {strides = array<i32>} : memref<64x768xf32, #tpu.memory_space<vmem>>, vector<16xf32>,
      %get3A_406 = arith.index_cast %scan3A_84 : i32 to index
      %get3A_407 = arith.constant 416 : index
      %get3A_408 = tpu.vector_load %arg10[%get3A_406, %get3A_407] {strides = array<i32>} : memref<64x768xf32, #tpu.memory_space<vmem>>, vector<16xf32>,
      %mul3A_409 = arith.mulf %gather3A_88, %get3A_408 : vector<16xf32>
      %get3A_410 = arith.index_cast %scan3A_84 : i32 to index
      %get3A_411 = arith.constant 416 : index
      %get3A_412 = tpu.vector_load %arg11[%get3A_410, %get3A_411] {strides = array<i32>} : memref<64x768xf32, #tpu.memory_space<vmem>>, vector<16xf32>,
      %mul3A_413 = arith.mulf %gather3A_94, %get3A_412 : vector<16xf32>
      %add3A_414 = arith.addf %mul3A_409, %mul3A_413 : vector<16xf32>
      %swap3A_415 = arith.index_cast %scan3A_84 : i32 to index
      %swap3A_416 = arith.constant 416 : index
      %swap3A_417 = tpu.vector_load %arg10[%swap3A_415, %swap3A_416] {strides = array<i32>} : memref<64x768xf32, #tpu.memory_space<vmem>>, vector<16xf32>,
      tpu.vector_store %arg10[%swap3A_415, %swap3A_416], %add3A_414 {strides = array<i32>} : memref<64x768xf32, #tpu.memory_space<vmem>>, vector<16xf32>,
      %get3A_418 = arith.index_cast %scan3A_84 : i32 to index
      %get3A_419 = arith.constant 432 : index
      %get3A_420 = tpu.vector_load %arg10[%get3A_418, %get3A_419] {strides = array<i32>} : memref<64x768xf32, #tpu.memory_space<vmem>>, vector<16xf32>,
      %mul3A_421 = arith.mulf %gather3A_88, %get3A_420 : vector<16xf32>
      %get3A_422 = arith.index_cast %scan3A_84 : i32 to index
      %get3A_423 = arith.constant 432 : index
      %get3A_424 = tpu.vector_load %arg11[%get3A_422, %get3A_423] {strides = array<i32>} : memref<64x768xf32, #tpu.memory_space<vmem>>, vector<16xf32>,
      %mul3A_425 = arith.mulf %gather3A_94, %get3A_424 : vector<16xf32>
      %add3A_426 = arith.addf %mul3A_421, %mul3A_425 : vector<16xf32>
      %swap3A_427 = arith.index_cast %scan3A_84 : i32 to index
      %swap3A_428 = arith.constant 432 : index
      %swap3A_429 = tpu.vector_load %arg10[%swap3A_427, %swap3A_428] {strides = array<i32>} : memref<64x768xf32, #tpu.memory_space<vmem>>, vector<16xf32>,
      tpu.vector_store %arg10[%swap3A_427, %swap3A_428], %add3A_426 {strides = array<i32>} : memref<64x768xf32, #tpu.memory_space<vmem>>, vector<16xf32>,
      %get3A_430 = arith.index_cast %scan3A_84 : i32 to index
      %get3A_431 = arith.constant 448 : index
      %get3A_432 = tpu.vector_load %arg10[%get3A_430, %get3A_431] {strides = array<i32>} : memref<64x768xf32, #tpu.memory_space<vmem>>, vector<16xf32>,
      %mul3A_433 = arith.mulf %gather3A_88, %get3A_432 : vector<16xf32>
      %get3A_434 = arith.index_cast %scan3A_84 : i32 to index
      %get3A_435 = arith.constant 448 : index
      %get3A_436 = tpu.vector_load %arg11[%get3A_434, %get3A_435] {strides = array<i32>} : memref<64x768xf32, #tpu.memory_space<vmem>>, vector<16xf32>,
      %mul3A_437 = arith.mulf %gather3A_94, %get3A_436 : vector<16xf32>
      %add3A_438 = arith.addf %mul3A_433, %mul3A_437 : vector<16xf32>
      %swap3A_439 = arith.index_cast %scan3A_84 : i32 to index
      %swap3A_440 = arith.constant 448 : index
      %swap3A_441 = tpu.vector_load %arg10[%swap3A_439, %swap3A_440] {strides = array<i32>} : memref<64x768xf32, #tpu.memory_space<vmem>>, vector<16xf32>,
      tpu.vector_store %arg10[%swap3A_439, %swap3A_440], %add3A_438 {strides = array<i32>} : memref<64x768xf32, #tpu.memory_space<vmem>>, vector<16xf32>,
      %get3A_442 = arith.index_cast %scan3A_84 : i32 to index
      %get3A_443 = arith.constant 464 : index
      %get3A_444 = tpu.vector_load %arg10[%get3A_442, %get3A_443] {strides = array<i32>} : memref<64x768xf32, #tpu.memory_space<vmem>>, vector<16xf32>,
      %mul3A_445 = arith.mulf %gather3A_88, %get3A_444 : vector<16xf32>
      %get3A_446 = arith.index_cast %scan3A_84 : i32 to index
      %get3A_447 = arith.constant 464 : index
      %get3A_448 = tpu.vector_load %arg11[%get3A_446, %get3A_447] {strides = array<i32>} : memref<64x768xf32, #tpu.memory_space<vmem>>, vector<16xf32>,
      %mul3A_449 = arith.mulf %gather3A_94, %get3A_448 : vector<16xf32>
      %add3A_450 = arith.addf %mul3A_445, %mul3A_449 : vector<16xf32>
      %swap3A_451 = arith.index_cast %scan3A_84 : i32 to index
      %swap3A_452 = arith.constant 464 : index
      %swap3A_453 = tpu.vector_load %arg10[%swap3A_451, %swap3A_452] {strides = array<i32>} : memref<64x768xf32, #tpu.memory_space<vmem>>, vector<16xf32>,
      tpu.vector_store %arg10[%swap3A_451, %swap3A_452], %add3A_450 {strides = array<i32>} : memref<64x768xf32, #tpu.memory_space<vmem>>, vector<16xf32>,
      %get3A_454 = arith.index_cast %scan3A_84 : i32 to index
      %get3A_455 = arith.constant 480 : index
      %get3A_456 = tpu.vector_load %arg10[%get3A_454, %get3A_455] {strides = array<i32>} : memref<64x768xf32, #tpu.memory_space<vmem>>, vector<16xf32>,
      %mul3A_457 = arith.mulf %gather3A_88, %get3A_456 : vector<16xf32>
      %get3A_458 = arith.index_cast %scan3A_84 : i32 to index
      %get3A_459 = arith.constant 480 : index
      %get3A_460 = tpu.vector_load %arg11[%get3A_458, %get3A_459] {strides = array<i32>} : memref<64x768xf32, #tpu.memory_space<vmem>>, vector<16xf32>,
      %mul3A_461 = arith.mulf %gather3A_94, %get3A_460 : vector<16xf32>
      %add3A_462 = arith.addf %mul3A_457, %mul3A_461 : vector<16xf32>
      %swap3A_463 = arith.index_cast %scan3A_84 : i32 to index
      %swap3A_464 = arith.constant 480 : index
      %swap3A_465 = tpu.vector_load %arg10[%swap3A_463, %swap3A_464] {strides = array<i32>} : memref<64x768xf32, #tpu.memory_space<vmem>>, vector<16xf32>,
      tpu.vector_store %arg10[%swap3A_463, %swap3A_464], %add3A_462 {strides = array<i32>} : memref<64x768xf32, #tpu.memory_space<vmem>>, vector<16xf32>,
      %get3A_466 = arith.index_cast %scan3A_84 : i32 to index
      %get3A_467 = arith.constant 496 : index
      %get3A_468 = tpu.vector_load %arg10[%get3A_466, %get3A_467] {strides = array<i32>} : memref<64x768xf32, #tpu.memory_space<vmem>>, vector<16xf32>,
      %mul3A_469 = arith.mulf %gather3A_88, %get3A_468 : vector<16xf32>
      %get3A_470 = arith.index_cast %scan3A_84 : i32 to index
      %get3A_471 = arith.constant 496 : index
      %get3A_472 = tpu.vector_load %arg11[%get3A_470, %get3A_471] {strides = array<i32>} : memref<64x768xf32, #tpu.memory_space<vmem>>, vector<16xf32>,
      %mul3A_473 = arith.mulf %gather3A_94, %get3A_472 : vector<16xf32>
      %add3A_474 = arith.addf %mul3A_469, %mul3A_473 : vector<16xf32>
      %swap3A_475 = arith.index_cast %scan3A_84 : i32 to index
      %swap3A_476 = arith.constant 496 : index
      %swap3A_477 = tpu.vector_load %arg10[%swap3A_475, %swap3A_476] {strides = array<i32>} : memref<64x768xf32, #tpu.memory_space<vmem>>, vector<16xf32>,
      tpu.vector_store %arg10[%swap3A_475, %swap3A_476], %add3A_474 {strides = array<i32>} : memref<64x768xf32, #tpu.memory_space<vmem>>, vector<16xf32>,
      %get3A_478 = arith.index_cast %scan3A_84 : i32 to index
      %get3A_479 = arith.constant 512 : index
      %get3A_480 = tpu.vector_load %arg10[%get3A_478, %get3A_479] {strides = array<i32>} : memref<64x768xf32, #tpu.memory_space<vmem>>, vector<16xf32>,
      %mul3A_481 = arith.mulf %gather3A_88, %get3A_480 : vector<16xf32>
      %get3A_482 = arith.index_cast %scan3A_84 : i32 to index
      %get3A_483 = arith.constant 512 : index
      %get3A_484 = tpu.vector_load %arg11[%get3A_482, %get3A_483] {strides = array<i32>} : memref<64x768xf32, #tpu.memory_space<vmem>>, vector<16xf32>,
      %mul3A_485 = arith.mulf %gather3A_94, %get3A_484 : vector<16xf32>
      %add3A_486 = arith.addf %mul3A_481, %mul3A_485 : vector<16xf32>
      %swap3A_487 = arith.index_cast %scan3A_84 : i32 to index
      %swap3A_488 = arith.constant 512 : index
      %swap3A_489 = tpu.vector_load %arg10[%swap3A_487, %swap3A_488] {strides = array<i32>} : memref<64x768xf32, #tpu.memory_space<vmem>>, vector<16xf32>,
      tpu.vector_store %arg10[%swap3A_487, %swap3A_488], %add3A_486 {strides = array<i32>} : memref<64x768xf32, #tpu.memory_space<vmem>>, vector<16xf32>,
      %get3A_490 = arith.index_cast %scan3A_84 : i32 to index
      %get3A_491 = arith.constant 528 : index
      %get3A_492 = tpu.vector_load %arg10[%get3A_490, %get3A_491] {strides = array<i32>} : memref<64x768xf32, #tpu.memory_space<vmem>>, vector<16xf32>,
      %mul3A_493 = arith.mulf %gather3A_88, %get3A_492 : vector<16xf32>
      %get3A_494 = arith.index_cast %scan3A_84 : i32 to index
      %get3A_495 = arith.constant 528 : index
      %get3A_496 = tpu.vector_load %arg11[%get3A_494, %get3A_495] {strides = array<i32>} : memref<64x768xf32, #tpu.memory_space<vmem>>, vector<16xf32>,
      %mul3A_497 = arith.mulf %gather3A_94, %get3A_496 : vector<16xf32>
      %add3A_498 = arith.addf %mul3A_493, %mul3A_497 : vector<16xf32>
      %swap3A_499 = arith.index_cast %scan3A_84 : i32 to index
      %swap3A_500 = arith.constant 528 : index
      %swap3A_501 = tpu.vector_load %arg10[%swap3A_499, %swap3A_500] {strides = array<i32>} : memref<64x768xf32, #tpu.memory_space<vmem>>, vector<16xf32>,
      tpu.vector_store %arg10[%swap3A_499, %swap3A_500], %add3A_498 {strides = array<i32>} : memref<64x768xf32, #tpu.memory_space<vmem>>, vector<16xf32>,
      %get3A_502 = arith.index_cast %scan3A_84 : i32 to index
      %get3A_503 = arith.constant 544 : index
      %get3A_504 = tpu.vector_load %arg10[%get3A_502, %get3A_503] {strides = array<i32>} : memref<64x768xf32, #tpu.memory_space<vmem>>, vector<16xf32>,
      %mul3A_505 = arith.mulf %gather3A_88, %get3A_504 : vector<16xf32>
      %get3A_506 = arith.index_cast %scan3A_84 : i32 to index
      %get3A_507 = arith.constant 544 : index
      %get3A_508 = tpu.vector_load %arg11[%get3A_506, %get3A_507] {strides = array<i32>} : memref<64x768xf32, #tpu.memory_space<vmem>>, vector<16xf32>,
      %mul3A_509 = arith.mulf %gather3A_94, %get3A_508 : vector<16xf32>
      %add3A_510 = arith.addf %mul3A_505, %mul3A_509 : vector<16xf32>
      %swap3A_511 = arith.index_cast %scan3A_84 : i32 to index
      %swap3A_512 = arith.constant 544 : index
      %swap3A_513 = tpu.vector_load %arg10[%swap3A_511, %swap3A_512] {strides = array<i32>} : memref<64x768xf32, #tpu.memory_space<vmem>>, vector<16xf32>,
      tpu.vector_store %arg10[%swap3A_511, %swap3A_512], %add3A_510 {strides = array<i32>} : memref<64x768xf32, #tpu.memory_space<vmem>>, vector<16xf32>,
      %get3A_514 = arith.index_cast %scan3A_84 : i32 to index
      %get3A_515 = arith.constant 560 : index
      %get3A_516 = tpu.vector_load %arg10[%get3A_514, %get3A_515] {strides = array<i32>} : memref<64x768xf32, #tpu.memory_space<vmem>>, vector<16xf32>,
      %mul3A_517 = arith.mulf %gather3A_88, %get3A_516 : vector<16xf32>
      %get3A_518 = arith.index_cast %scan3A_84 : i32 to index
      %get3A_519 = arith.constant 560 : index
      %get3A_520 = tpu.vector_load %arg11[%get3A_518, %get3A_519] {strides = array<i32>} : memref<64x768xf32, #tpu.memory_space<vmem>>, vector<16xf32>,
      %mul3A_521 = arith.mulf %gather3A_94, %get3A_520 : vector<16xf32>
      %add3A_522 = arith.addf %mul3A_517, %mul3A_521 : vector<16xf32>
      %swap3A_523 = arith.index_cast %scan3A_84 : i32 to index
      %swap3A_524 = arith.constant 560 : index
      %swap3A_525 = tpu.vector_load %arg10[%swap3A_523, %swap3A_524] {strides = array<i32>} : memref<64x768xf32, #tpu.memory_space<vmem>>, vector<16xf32>,
      tpu.vector_store %arg10[%swap3A_523, %swap3A_524], %add3A_522 {strides = array<i32>} : memref<64x768xf32, #tpu.memory_space<vmem>>, vector<16xf32>,
      %get3A_526 = arith.index_cast %scan3A_84 : i32 to index
      %get3A_527 = arith.constant 576 : index
      %get3A_528 = tpu.vector_load %arg10[%get3A_526, %get3A_527] {strides = array<i32>} : memref<64x768xf32, #tpu.memory_space<vmem>>, vector<16xf32>,
      %mul3A_529 = arith.mulf %gather3A_88, %get3A_528 : vector<16xf32>
      %get3A_530 = arith.index_cast %scan3A_84 : i32 to index
      %get3A_531 = arith.constant 576 : index
      %get3A_532 = tpu.vector_load %arg11[%get3A_530, %get3A_531] {strides = array<i32>} : memref<64x768xf32, #tpu.memory_space<vmem>>, vector<16xf32>,
      %mul3A_533 = arith.mulf %gather3A_94, %get3A_532 : vector<16xf32>
      %add3A_534 = arith.addf %mul3A_529, %mul3A_533 : vector<16xf32>
      %swap3A_535 = arith.index_cast %scan3A_84 : i32 to index
      %swap3A_536 = arith.constant 576 : index
      %swap3A_537 = tpu.vector_load %arg10[%swap3A_535, %swap3A_536] {strides = array<i32>} : memref<64x768xf32, #tpu.memory_space<vmem>>, vector<16xf32>,
      tpu.vector_store %arg10[%swap3A_535, %swap3A_536], %add3A_534 {strides = array<i32>} : memref<64x768xf32, #tpu.memory_space<vmem>>, vector<16xf32>,
      %get3A_538 = arith.index_cast %scan3A_84 : i32 to index
      %get3A_539 = arith.constant 592 : index
      %get3A_540 = tpu.vector_load %arg10[%get3A_538, %get3A_539] {strides = array<i32>} : memref<64x768xf32, #tpu.memory_space<vmem>>, vector<16xf32>,
      %mul3A_541 = arith.mulf %gather3A_88, %get3A_540 : vector<16xf32>
      %get3A_542 = arith.index_cast %scan3A_84 : i32 to index
      %get3A_543 = arith.constant 592 : index
      %get3A_544 = tpu.vector_load %arg11[%get3A_542, %get3A_543] {strides = array<i32>} : memref<64x768xf32, #tpu.memory_space<vmem>>, vector<16xf32>,
      %mul3A_545 = arith.mulf %gather3A_94, %get3A_544 : vector<16xf32>
      %add3A_546 = arith.addf %mul3A_541, %mul3A_545 : vector<16xf32>
      %swap3A_547 = arith.index_cast %scan3A_84 : i32 to index
      %swap3A_548 = arith.constant 592 : index
      %swap3A_549 = tpu.vector_load %arg10[%swap3A_547, %swap3A_548] {strides = array<i32>} : memref<64x768xf32, #tpu.memory_space<vmem>>, vector<16xf32>,
      tpu.vector_store %arg10[%swap3A_547, %swap3A_548], %add3A_546 {strides = array<i32>} : memref<64x768xf32, #tpu.memory_space<vmem>>, vector<16xf32>,
      %get3A_550 = arith.index_cast %scan3A_84 : i32 to index
      %get3A_551 = arith.constant 608 : index
      %get3A_552 = tpu.vector_load %arg10[%get3A_550, %get3A_551] {strides = array<i32>} : memref<64x768xf32, #tpu.memory_space<vmem>>, vector<16xf32>,
      %mul3A_553 = arith.mulf %gather3A_88, %get3A_552 : vector<16xf32>
      %get3A_554 = arith.index_cast %scan3A_84 : i32 to index
      %get3A_555 = arith.constant 608 : index
      %get3A_556 = tpu.vector_load %arg11[%get3A_554, %get3A_555] {strides = array<i32>} : memref<64x768xf32, #tpu.memory_space<vmem>>, vector<16xf32>,
      %mul3A_557 = arith.mulf %gather3A_94, %get3A_556 : vector<16xf32>
      %add3A_558 = arith.addf %mul3A_553, %mul3A_557 : vector<16xf32>
      %swap3A_559 = arith.index_cast %scan3A_84 : i32 to index
      %swap3A_560 = arith.constant 608 : index
      %swap3A_561 = tpu.vector_load %arg10[%swap3A_559, %swap3A_560] {strides = array<i32>} : memref<64x768xf32, #tpu.memory_space<vmem>>, vector<16xf32>,
      tpu.vector_store %arg10[%swap3A_559, %swap3A_560], %add3A_558 {strides = array<i32>} : memref<64x768xf32, #tpu.memory_space<vmem>>, vector<16xf32>,
      %get3A_562 = arith.index_cast %scan3A_84 : i32 to index
      %get3A_563 = arith.constant 624 : index
      %get3A_564 = tpu.vector_load %arg10[%get3A_562, %get3A_563] {strides = array<i32>} : memref<64x768xf32, #tpu.memory_space<vmem>>, vector<16xf32>,
      %mul3A_565 = arith.mulf %gather3A_88, %get3A_564 : vector<16xf32>
      %get3A_566 = arith.index_cast %scan3A_84 : i32 to index
      %get3A_567 = arith.constant 624 : index
      %get3A_568 = tpu.vector_load %arg11[%get3A_566, %get3A_567] {strides = array<i32>} : memref<64x768xf32, #tpu.memory_space<vmem>>, vector<16xf32>,
      %mul3A_569 = arith.mulf %gather3A_94, %get3A_568 : vector<16xf32>
      %add3A_570 = arith.addf %mul3A_565, %mul3A_569 : vector<16xf32>
      %swap3A_571 = arith.index_cast %scan3A_84 : i32 to index
      %swap3A_572 = arith.constant 624 : index
      %swap3A_573 = tpu.vector_load %arg10[%swap3A_571, %swap3A_572] {strides = array<i32>} : memref<64x768xf32, #tpu.memory_space<vmem>>, vector<16xf32>,
      tpu.vector_store %arg10[%swap3A_571, %swap3A_572], %add3A_570 {strides = array<i32>} : memref<64x768xf32, #tpu.memory_space<vmem>>, vector<16xf32>,
      %get3A_574 = arith.index_cast %scan3A_84 : i32 to index
      %get3A_575 = arith.constant 640 : index
      %get3A_576 = tpu.vector_load %arg10[%get3A_574, %get3A_575] {strides = array<i32>} : memref<64x768xf32, #tpu.memory_space<vmem>>, vector<16xf32>,
      %mul3A_577 = arith.mulf %gather3A_88, %get3A_576 : vector<16xf32>
      %get3A_578 = arith.index_cast %scan3A_84 : i32 to index
      %get3A_579 = arith.constant 640 : index
      %get3A_580 = tpu.vector_load %arg11[%get3A_578, %get3A_579] {strides = array<i32>} : memref<64x768xf32, #tpu.memory_space<vmem>>, vector<16xf32>,
      %mul3A_581 = arith.mulf %gather3A_94, %get3A_580 : vector<16xf32>
      %add3A_582 = arith.addf %mul3A_577, %mul3A_581 : vector<16xf32>
      %swap3A_583 = arith.index_cast %scan3A_84 : i32 to index
      %swap3A_584 = arith.constant 640 : index
      %swap3A_585 = tpu.vector_load %arg10[%swap3A_583, %swap3A_584] {strides = array<i32>} : memref<64x768xf32, #tpu.memory_space<vmem>>, vector<16xf32>,
      tpu.vector_store %arg10[%swap3A_583, %swap3A_584], %add3A_582 {strides = array<i32>} : memref<64x768xf32, #tpu.memory_space<vmem>>, vector<16xf32>,
      %get3A_586 = arith.index_cast %scan3A_84 : i32 to index
      %get3A_587 = arith.constant 656 : index
      %get3A_588 = tpu.vector_load %arg10[%get3A_586, %get3A_587] {strides = array<i32>} : memref<64x768xf32, #tpu.memory_space<vmem>>, vector<16xf32>,
      %mul3A_589 = arith.mulf %gather3A_88, %get3A_588 : vector<16xf32>
      %get3A_590 = arith.index_cast %scan3A_84 : i32 to index
      %get3A_591 = arith.constant 656 : index
      %get3A_592 = tpu.vector_load %arg11[%get3A_590, %get3A_591] {strides = array<i32>} : memref<64x768xf32, #tpu.memory_space<vmem>>, vector<16xf32>,
      %mul3A_593 = arith.mulf %gather3A_94, %get3A_592 : vector<16xf32>
      %add3A_594 = arith.addf %mul3A_589, %mul3A_593 : vector<16xf32>
      %swap3A_595 = arith.index_cast %scan3A_84 : i32 to index
      %swap3A_596 = arith.constant 656 : index
      %swap3A_597 = tpu.vector_load %arg10[%swap3A_595, %swap3A_596] {strides = array<i32>} : memref<64x768xf32, #tpu.memory_space<vmem>>, vector<16xf32>,
      tpu.vector_store %arg10[%swap3A_595, %swap3A_596], %add3A_594 {strides = array<i32>} : memref<64x768xf32, #tpu.memory_space<vmem>>, vector<16xf32>,
      %get3A_598 = arith.index_cast %scan3A_84 : i32 to index
      %get3A_599 = arith.constant 672 : index
      %get3A_600 = tpu.vector_load %arg10[%get3A_598, %get3A_599] {strides = array<i32>} : memref<64x768xf32, #tpu.memory_space<vmem>>, vector<16xf32>,
      %mul3A_601 = arith.mulf %gather3A_88, %get3A_600 : vector<16xf32>
      %get3A_602 = arith.index_cast %scan3A_84 : i32 to index
      %get3A_603 = arith.constant 672 : index
      %get3A_604 = tpu.vector_load %arg11[%get3A_602, %get3A_603] {strides = array<i32>} : memref<64x768xf32, #tpu.memory_space<vmem>>, vector<16xf32>,
      %mul3A_605 = arith.mulf %gather3A_94, %get3A_604 : vector<16xf32>
      %add3A_606 = arith.addf %mul3A_601, %mul3A_605 : vector<16xf32>
      %swap3A_607 = arith.index_cast %scan3A_84 : i32 to index
      %swap3A_608 = arith.constant 672 : index
      %swap3A_609 = tpu.vector_load %arg10[%swap3A_607, %swap3A_608] {strides = array<i32>} : memref<64x768xf32, #tpu.memory_space<vmem>>, vector<16xf32>,
      tpu.vector_store %arg10[%swap3A_607, %swap3A_608], %add3A_606 {strides = array<i32>} : memref<64x768xf32, #tpu.memory_space<vmem>>, vector<16xf32>,
      %get3A_610 = arith.index_cast %scan3A_84 : i32 to index
      %get3A_611 = arith.constant 688 : index
      %get3A_612 = tpu.vector_load %arg10[%get3A_610, %get3A_611] {strides = array<i32>} : memref<64x768xf32, #tpu.memory_space<vmem>>, vector<16xf32>,
      %mul3A_613 = arith.mulf %gather3A_88, %get3A_612 : vector<16xf32>
      %get3A_614 = arith.index_cast %scan3A_84 : i32 to index
      %get3A_615 = arith.constant 688 : index
      %get3A_616 = tpu.vector_load %arg11[%get3A_614, %get3A_615] {strides = array<i32>} : memref<64x768xf32, #tpu.memory_space<vmem>>, vector<16xf32>,
      %mul3A_617 = arith.mulf %gather3A_94, %get3A_616 : vector<16xf32>
      %add3A_618 = arith.addf %mul3A_613, %mul3A_617 : vector<16xf32>
      %swap3A_619 = arith.index_cast %scan3A_84 : i32 to index
      %swap3A_620 = arith.constant 688 : index
      %swap3A_621 = tpu.vector_load %arg10[%swap3A_619, %swap3A_620] {strides = array<i32>} : memref<64x768xf32, #tpu.memory_space<vmem>>, vector<16xf32>,
      tpu.vector_store %arg10[%swap3A_619, %swap3A_620], %add3A_618 {strides = array<i32>} : memref<64x768xf32, #tpu.memory_space<vmem>>, vector<16xf32>,
      %get3A_622 = arith.index_cast %scan3A_84 : i32 to index
      %get3A_623 = arith.constant 704 : index
      %get3A_624 = tpu.vector_load %arg10[%get3A_622, %get3A_623] {strides = array<i32>} : memref<64x768xf32, #tpu.memory_space<vmem>>, vector<16xf32>,
      %mul3A_625 = arith.mulf %gather3A_88, %get3A_624 : vector<16xf32>
      %get3A_626 = arith.index_cast %scan3A_84 : i32 to index
      %get3A_627 = arith.constant 704 : index
      %get3A_628 = tpu.vector_load %arg11[%get3A_626, %get3A_627] {strides = array<i32>} : memref<64x768xf32, #tpu.memory_space<vmem>>, vector<16xf32>,
      %mul3A_629 = arith.mulf %gather3A_94, %get3A_628 : vector<16xf32>
      %add3A_630 = arith.addf %mul3A_625, %mul3A_629 : vector<16xf32>
      %swap3A_631 = arith.index_cast %scan3A_84 : i32 to index
      %swap3A_632 = arith.constant 704 : index
      %swap3A_633 = tpu.vector_load %arg10[%swap3A_631, %swap3A_632] {strides = array<i32>} : memref<64x768xf32, #tpu.memory_space<vmem>>, vector<16xf32>,
      tpu.vector_store %arg10[%swap3A_631, %swap3A_632], %add3A_630 {strides = array<i32>} : memref<64x768xf32, #tpu.memory_space<vmem>>, vector<16xf32>,
      %get3A_634 = arith.index_cast %scan3A_84 : i32 to index
      %get3A_635 = arith.constant 720 : index
      %get3A_636 = tpu.vector_load %arg10[%get3A_634, %get3A_635] {strides = array<i32>} : memref<64x768xf32, #tpu.memory_space<vmem>>, vector<16xf32>,
      %mul3A_637 = arith.mulf %gather3A_88, %get3A_636 : vector<16xf32>
      %get3A_638 = arith.index_cast %scan3A_84 : i32 to index
      %get3A_639 = arith.constant 720 : index
      %get3A_640 = tpu.vector_load %arg11[%get3A_638, %get3A_639] {strides = array<i32>} : memref<64x768xf32, #tpu.memory_space<vmem>>, vector<16xf32>,
      %mul3A_641 = arith.mulf %gather3A_94, %get3A_640 : vector<16xf32>
      %add3A_642 = arith.addf %mul3A_637, %mul3A_641 : vector<16xf32>
      %swap3A_643 = arith.index_cast %scan3A_84 : i32 to index
      %swap3A_644 = arith.constant 720 : index
      %swap3A_645 = tpu.vector_load %arg10[%swap3A_643, %swap3A_644] {strides = array<i32>} : memref<64x768xf32, #tpu.memory_space<vmem>>, vector<16xf32>,
      tpu.vector_store %arg10[%swap3A_643, %swap3A_644], %add3A_642 {strides = array<i32>} : memref<64x768xf32, #tpu.memory_space<vmem>>, vector<16xf32>,
      %get3A_646 = arith.index_cast %scan3A_84 : i32 to index
      %get3A_647 = arith.constant 736 : index
      %get3A_648 = tpu.vector_load %arg10[%get3A_646, %get3A_647] {strides = array<i32>} : memref<64x768xf32, #tpu.memory_space<vmem>>, vector<16xf32>,
      %mul3A_649 = arith.mulf %gather3A_88, %get3A_648 : vector<16xf32>
      %get3A_650 = arith.index_cast %scan3A_84 : i32 to index
      %get3A_651 = arith.constant 736 : index
      %get3A_652 = tpu.vector_load %arg11[%get3A_650, %get3A_651] {strides = array<i32>} : memref<64x768xf32, #tpu.memory_space<vmem>>, vector<16xf32>,
      %mul3A_653 = arith.mulf %gather3A_94, %get3A_652 : vector<16xf32>
      %add3A_654 = arith.addf %mul3A_649, %mul3A_653 : vector<16xf32>
      %swap3A_655 = arith.index_cast %scan3A_84 : i32 to index
      %swap3A_656 = arith.constant 736 : index
      %swap3A_657 = tpu.vector_load %arg10[%swap3A_655, %swap3A_656] {strides = array<i32>} : memref<64x768xf32, #tpu.memory_space<vmem>>, vector<16xf32>,
      tpu.vector_store %arg10[%swap3A_655, %swap3A_656], %add3A_654 {strides = array<i32>} : memref<64x768xf32, #tpu.memory_space<vmem>>, vector<16xf32>,
      %get3A_658 = arith.index_cast %scan3A_84 : i32 to index
      %get3A_659 = arith.constant 752 : index
      %get3A_660 = tpu.vector_load %arg10[%get3A_658, %get3A_659] {strides = array<i32>} : memref<64x768xf32, #tpu.memory_space<vmem>>, vector<16xf32>,
      %mul3A_661 = arith.mulf %gather3A_88, %get3A_660 : vector<16xf32>
      %get3A_662 = arith.index_cast %scan3A_84 : i32 to index
      %get3A_663 = arith.constant 752 : index
      %get3A_664 = tpu.vector_load %arg11[%get3A_662, %get3A_663] {strides = array<i32>} : memref<64x768xf32, #tpu.memory_space<vmem>>, vector<16xf32>,
      %mul3A_665 = arith.mulf %gather3A_94, %get3A_664 : vector<16xf32>
      %add3A_666 = arith.addf %mul3A_661, %mul3A_665 : vector<16xf32>
      %swap3A_667 = arith.index_cast %scan3A_84 : i32 to index
      %swap3A_668 = arith.constant 752 : index
      %swap3A_669 = tpu.vector_load %arg10[%swap3A_667, %swap3A_668] {strides = array<i32>} : memref<64x768xf32, #tpu.memory_space<vmem>>, vector<16xf32>,
      tpu.vector_store %arg10[%swap3A_667, %swap3A_668], %add3A_666 {strides = array<i32>} : memref<64x768xf32, #tpu.memory_space<vmem>>, vector<16xf32>,
      %scan3A_670 = arith.constant 0 : i32
      scf.yield %scan3A_670 : i32
    }
    %scan3A_83 = arith.constant 64 : i32
    "tpu.region"() ({
      %run_scoped3A = tpu.sem_alloc : memref<!tpu.dma_semaphore, #tpu.memory_space<semaphore_mem>>
      %dma_start3A_84 = arith.constant 0 : i32
      %dma_start3A_85 = tpu.memref_slice %arg5[%mul3A_2, %dma_start3A_84] : memref<2048x768xf32, #tpu.memory_space<hbm>> -> memref<64x768xf32, #tpu.memory_space<hbm>>
      %dma_start3A_86 = arith.constant 0 : i32
      %dma_start3A_87 = tpu.memref_slice %arg5[%mul3A_2, %dma_start3A_86] : memref<2048x768xf32, #tpu.memory_space<hbm>> -> memref<64x768xf32, #tpu.memory_space<hbm>>
      tpu.enqueue_dma source(%arg10 : memref<64x768xf32, #tpu.memory_space<vmem>>) target(%dma_start3A_87 : memref<64x768xf32, #tpu.memory_space<hbm>>) target_semaphore(%run_scoped3A : memref<!tpu.dma_semaphore, #tpu.memory_space<semaphore_mem>>)
      %dma_wait3A_88 = arith.constant 0 : i32
      %dma_wait3A_89 = tpu.memref_slice %arg5[%mul3A_2, %dma_wait3A_88] : memref<2048x768xf32, #tpu.memory_space<hbm>> -> memref<64x768xf32, #tpu.memory_space<hbm>>
      %dma_wait3A_90 = arith.constant 0 : i32
      %dma_wait3A_91 = tpu.memref_slice %arg5[%mul3A_2, %dma_wait3A_90] : memref<2048x768xf32, #tpu.memory_space<hbm>> -> memref<64x768xf32, #tpu.memory_space<hbm>>
      tpu.wait_dma2 semaphore(%run_scoped3A : memref<!tpu.dma_semaphore, #tpu.memory_space<semaphore_mem>>) src(%arg10 : memref<64x768xf32, #tpu.memory_space<vmem>>) dst(%dma_wait3A_91 : memref<64x768xf32, #tpu.memory_space<hbm>>)
      tpu.yield
    }) : () -> ()
    return
  }
}

#map = affine_map<(d0, d1) -> (0, 0)>
#map1 = affine_map<(d0, d1) -> (0)>
module attributes {stable_mosaic.version = 14 : i64} {
  func.func @gather_half1(%arg0: i32, %arg1: i32, %arg2: memref<2048x768xf32, #tpu.memory_space<hbm>>, %arg3: memref<5120xi32, #tpu.memory_space<hbm>>, %arg4: memref<2560x768xf32, #tpu.memory_space<hbm>>, %arg5: memref<80xi32, #tpu.memory_space<vmem>>, %arg6: memref<80x768xf32, #tpu.memory_space<vmem>>, %arg7: memref<!tpu.dma_semaphore, #tpu.memory_space<semaphore_mem>>) attributes {dimension_semantics = [#tpu.dimension_semantics<core_parallel>, #tpu.dimension_semantics<subcore_parallel>], iteration_bounds = array<i64: 2, 16>, scalar_prefetch = 0 : i64, scratch_operands = 3 : i64, tpu.core_type = #tpu.core_type<sc_vector_subcore>, window_params = [{transform_indices = #map}, {transform_indices = #map1}, {transform_indices = #map}]} {
    %mul3A = arith.constant 2 : i32
    %mul3A_0 = arith.muli %arg1, %mul3A : i32
    %add3A = arith.addi %mul3A_0, %arg0 : i32
    %mul3A_1 = arith.constant 80 : i32
    %mul3A_2 = arith.muli %add3A, %mul3A_1 : i32
    %add3A_3 = arith.constant 2560 : i32
    %add3A_4 = arith.addi %add3A_3, %mul3A_2 : i32
    "tpu.region"() ({
      %run_scoped3A = tpu.sem_alloc : memref<!tpu.dma_semaphore, #tpu.memory_space<semaphore_mem>>
      %dma_start3A_9 = tpu.memref_slice %arg3[%add3A_4] : memref<5120xi32, #tpu.memory_space<hbm>> -> memref<80xi32, #tpu.memory_space<hbm>>
      %dma_start3A_10 = tpu.memref_slice %arg3[%add3A_4] : memref<5120xi32, #tpu.memory_space<hbm>> -> memref<80xi32, #tpu.memory_space<hbm>>
      tpu.enqueue_dma source(%dma_start3A_10 : memref<80xi32, #tpu.memory_space<hbm>>) target(%arg5 : memref<80xi32, #tpu.memory_space<vmem>>) target_semaphore(%run_scoped3A : memref<!tpu.dma_semaphore, #tpu.memory_space<semaphore_mem>>)
      %dma_wait3A_11 = tpu.memref_slice %arg3[%add3A_4] : memref<5120xi32, #tpu.memory_space<hbm>> -> memref<80xi32, #tpu.memory_space<hbm>>
      %dma_wait3A_12 = tpu.memref_slice %arg3[%add3A_4] : memref<5120xi32, #tpu.memory_space<hbm>> -> memref<80xi32, #tpu.memory_space<hbm>>
      tpu.wait_dma2 semaphore(%run_scoped3A : memref<!tpu.dma_semaphore, #tpu.memory_space<semaphore_mem>>) src(%dma_wait3A_12 : memref<80xi32, #tpu.memory_space<hbm>>) dst(%arg5 : memref<80xi32, #tpu.memory_space<vmem>>)
      tpu.yield
    }) : () -> ()
    %dma_start3A = arith.constant 0 : i32
    %dma_start3A_5 = arith.constant 0 : i32
    %dma_start3A_6 = tpu.memref_slice %arg2[%dma_start3A, %dma_start3A_5] : memref<2048x768xf32, #tpu.memory_space<hbm>> -> memref<2048x768xf32, #tpu.memory_space<hbm>>
    tpu.enqueue_indirect_dma source(%dma_start3A_6 : memref<2048x768xf32, #tpu.memory_space<hbm>>) target(%arg6 : memref<80x768xf32, #tpu.memory_space<vmem>>) offsets(%arg5 : memref<80xi32, #tpu.memory_space<vmem>>) semaphore(%arg7 : memref<!tpu.dma_semaphore, #tpu.memory_space<semaphore_mem>>)
    %dma_wait3A = arith.constant 0 : i32
    %dma_wait3A_7 = arith.constant 0 : i32
    %dma_wait3A_8 = tpu.memref_slice %arg2[%dma_wait3A, %dma_wait3A_7] : memref<2048x768xf32, #tpu.memory_space<hbm>> -> memref<2048x768xf32, #tpu.memory_space<hbm>>
    tpu.wait_indirect_dma semaphore(%arg7 : memref<!tpu.dma_semaphore, #tpu.memory_space<semaphore_mem>>) src(%dma_wait3A_8 : memref<2048x768xf32, #tpu.memory_space<hbm>>) dst(%arg6 : memref<80x768xf32, #tpu.memory_space<vmem>>)
    "tpu.region"() ({
      %run_scoped3A = tpu.sem_alloc : memref<!tpu.dma_semaphore, #tpu.memory_space<semaphore_mem>>
      %dma_start3A_9 = arith.constant 0 : i32
      %dma_start3A_10 = tpu.memref_slice %arg4[%mul3A_2, %dma_start3A_9] : memref<2560x768xf32, #tpu.memory_space<hbm>> -> memref<80x768xf32, #tpu.memory_space<hbm>>
      %dma_start3A_11 = arith.constant 0 : i32
      %dma_start3A_12 = tpu.memref_slice %arg4[%mul3A_2, %dma_start3A_11] : memref<2560x768xf32, #tpu.memory_space<hbm>> -> memref<80x768xf32, #tpu.memory_space<hbm>>
      tpu.enqueue_dma source(%arg6 : memref<80x768xf32, #tpu.memory_space<vmem>>) target(%dma_start3A_12 : memref<80x768xf32, #tpu.memory_space<hbm>>) target_semaphore(%run_scoped3A : memref<!tpu.dma_semaphore, #tpu.memory_space<semaphore_mem>>)
      %dma_wait3A_13 = arith.constant 0 : i32
      %dma_wait3A_14 = tpu.memref_slice %arg4[%mul3A_2, %dma_wait3A_13] : memref<2560x768xf32, #tpu.memory_space<hbm>> -> memref<80x768xf32, #tpu.memory_space<hbm>>
      %dma_wait3A_15 = arith.constant 0 : i32
      %dma_wait3A_16 = tpu.memref_slice %arg4[%mul3A_2, %dma_wait3A_15] : memref<2560x768xf32, #tpu.memory_space<hbm>> -> memref<80x768xf32, #tpu.memory_space<hbm>>
      tpu.wait_dma2 semaphore(%run_scoped3A : memref<!tpu.dma_semaphore, #tpu.memory_space<semaphore_mem>>) src(%arg6 : memref<80x768xf32, #tpu.memory_space<vmem>>) dst(%dma_wait3A_16 : memref<80x768xf32, #tpu.memory_space<hbm>>)
      tpu.yield
    }) : () -> ()
    return
  }
}

#map = affine_map<(d0, d1) -> (0)>
module attributes {stable_mosaic.version = 14 : i64} {
  func.func @stage2(%arg0: i32, %arg1: i32, %arg2: memref<4096xi32, #tpu.memory_space<hbm>>, %arg3: memref<5120xi32, #tpu.memory_space<hbm>>, %arg4: memref<4096xi32, #tpu.memory_space<vmem>>, %arg5: memref<256xi32, #tpu.memory_space<vmem>>) attributes {dimension_semantics = [#tpu.dimension_semantics<core_parallel>, #tpu.dimension_semantics<subcore_parallel>], iteration_bounds = array<i64: 2, 16>, scalar_prefetch = 0 : i64, scratch_operands = 2 : i64, tpu.core_type = #tpu.core_type<sc_vector_subcore>, window_params = [{transform_indices = #map}, {transform_indices = #map}]} {
    %mul3A = arith.constant 2 : i32
    %mul3A_0 = arith.muli %arg1, %mul3A : i32
    %add3A = arith.addi %mul3A_0, %arg0 : i32
    %mul3A_1 = arith.constant 160 : i32
    %mul3A_2 = arith.muli %add3A, %mul3A_1 : i32
    "tpu.region"() ({
      %run_scoped3A = tpu.sem_alloc : memref<!tpu.dma_semaphore, #tpu.memory_space<semaphore_mem>>
      tpu.enqueue_dma source(%arg2 : memref<4096xi32, #tpu.memory_space<hbm>>) target(%arg4 : memref<4096xi32, #tpu.memory_space<vmem>>) target_semaphore(%run_scoped3A : memref<!tpu.dma_semaphore, #tpu.memory_space<semaphore_mem>>)
      tpu.wait_dma2 semaphore(%run_scoped3A : memref<!tpu.dma_semaphore, #tpu.memory_space<semaphore_mem>>) src(%arg2 : memref<4096xi32, #tpu.memory_space<hbm>>) dst(%arg4 : memref<4096xi32, #tpu.memory_space<vmem>>)
      tpu.yield
    }) : () -> ()
    %broadcast_in_dim3A = arith.constant 0 : i32
    %broadcast_in_dim3A_3 = vector.broadcast %broadcast_in_dim3A : i32 to vector<16xi32>
    %swap3A = arith.constant 0 : index
    %swap3A_4 = tpu.vector_load %arg5[%swap3A] {strides = array<i32>} : memref<256xi32, #tpu.memory_space<vmem>>, vector<16xi32>,
    tpu.vector_store %arg5[%swap3A], %broadcast_in_dim3A_3 {strides = array<i32>} : memref<256xi32, #tpu.memory_space<vmem>>, vector<16xi32>,
    %broadcast_in_dim3A_5 = arith.constant 0 : i32
    %broadcast_in_dim3A_6 = vector.broadcast %broadcast_in_dim3A_5 : i32 to vector<16xi32>
    %swap3A_7 = arith.constant 16 : index
    %swap3A_8 = tpu.vector_load %arg5[%swap3A_7] {strides = array<i32>} : memref<256xi32, #tpu.memory_space<vmem>>, vector<16xi32>,
    tpu.vector_store %arg5[%swap3A_7], %broadcast_in_dim3A_6 {strides = array<i32>} : memref<256xi32, #tpu.memory_space<vmem>>, vector<16xi32>,
    %broadcast_in_dim3A_9 = arith.constant 0 : i32
    %broadcast_in_dim3A_10 = vector.broadcast %broadcast_in_dim3A_9 : i32 to vector<16xi32>
    %swap3A_11 = arith.constant 32 : index
    %swap3A_12 = tpu.vector_load %arg5[%swap3A_11] {strides = array<i32>} : memref<256xi32, #tpu.memory_space<vmem>>, vector<16xi32>,
    tpu.vector_store %arg5[%swap3A_11], %broadcast_in_dim3A_10 {strides = array<i32>} : memref<256xi32, #tpu.memory_space<vmem>>, vector<16xi32>,
    %broadcast_in_dim3A_13 = arith.constant 0 : i32
    %broadcast_in_dim3A_14 = vector.broadcast %broadcast_in_dim3A_13 : i32 to vector<16xi32>
    %swap3A_15 = arith.constant 48 : index
    %swap3A_16 = tpu.vector_load %arg5[%swap3A_15] {strides = array<i32>} : memref<256xi32, #tpu.memory_space<vmem>>, vector<16xi32>,
    tpu.vector_store %arg5[%swap3A_15], %broadcast_in_dim3A_14 {strides = array<i32>} : memref<256xi32, #tpu.memory_space<vmem>>, vector<16xi32>,
    %broadcast_in_dim3A_17 = arith.constant 0 : i32
    %broadcast_in_dim3A_18 = vector.broadcast %broadcast_in_dim3A_17 : i32 to vector<16xi32>
    %swap3A_19 = arith.constant 64 : index
    %swap3A_20 = tpu.vector_load %arg5[%swap3A_19] {strides = array<i32>} : memref<256xi32, #tpu.memory_space<vmem>>, vector<16xi32>,
    tpu.vector_store %arg5[%swap3A_19], %broadcast_in_dim3A_18 {strides = array<i32>} : memref<256xi32, #tpu.memory_space<vmem>>, vector<16xi32>,
    %broadcast_in_dim3A_21 = arith.constant 0 : i32
    %broadcast_in_dim3A_22 = vector.broadcast %broadcast_in_dim3A_21 : i32 to vector<16xi32>
    %swap3A_23 = arith.constant 80 : index
    %swap3A_24 = tpu.vector_load %arg5[%swap3A_23] {strides = array<i32>} : memref<256xi32, #tpu.memory_space<vmem>>, vector<16xi32>,
    tpu.vector_store %arg5[%swap3A_23], %broadcast_in_dim3A_22 {strides = array<i32>} : memref<256xi32, #tpu.memory_space<vmem>>, vector<16xi32>,
    %broadcast_in_dim3A_25 = arith.constant 0 : i32
    %broadcast_in_dim3A_26 = vector.broadcast %broadcast_in_dim3A_25 : i32 to vector<16xi32>
    %swap3A_27 = arith.constant 96 : index
    %swap3A_28 = tpu.vector_load %arg5[%swap3A_27] {strides = array<i32>} : memref<256xi32, #tpu.memory_space<vmem>>, vector<16xi32>,
    tpu.vector_store %arg5[%swap3A_27], %broadcast_in_dim3A_26 {strides = array<i32>} : memref<256xi32, #tpu.memory_space<vmem>>, vector<16xi32>,
    %broadcast_in_dim3A_29 = arith.constant 0 : i32
    %broadcast_in_dim3A_30 = vector.broadcast %broadcast_in_dim3A_29 : i32 to vector<16xi32>
    %swap3A_31 = arith.constant 112 : index
    %swap3A_32 = tpu.vector_load %arg5[%swap3A_31] {strides = array<i32>} : memref<256xi32, #tpu.memory_space<vmem>>, vector<16xi32>,
    tpu.vector_store %arg5[%swap3A_31], %broadcast_in_dim3A_30 {strides = array<i32>} : memref<256xi32, #tpu.memory_space<vmem>>, vector<16xi32>,
    %broadcast_in_dim3A_33 = arith.constant 0 : i32
    %broadcast_in_dim3A_34 = vector.broadcast %broadcast_in_dim3A_33 : i32 to vector<16xi32>
    %swap3A_35 = arith.constant 128 : index
    %swap3A_36 = tpu.vector_load %arg5[%swap3A_35] {strides = array<i32>} : memref<256xi32, #tpu.memory_space<vmem>>, vector<16xi32>,
    tpu.vector_store %arg5[%swap3A_35], %broadcast_in_dim3A_34 {strides = array<i32>} : memref<256xi32, #tpu.memory_space<vmem>>, vector<16xi32>,
    %broadcast_in_dim3A_37 = arith.constant 0 : i32
    %broadcast_in_dim3A_38 = vector.broadcast %broadcast_in_dim3A_37 : i32 to vector<16xi32>
    %swap3A_39 = arith.constant 144 : index
    %swap3A_40 = tpu.vector_load %arg5[%swap3A_39] {strides = array<i32>} : memref<256xi32, #tpu.memory_space<vmem>>, vector<16xi32>,
    tpu.vector_store %arg5[%swap3A_39], %broadcast_in_dim3A_38 {strides = array<i32>} : memref<256xi32, #tpu.memory_space<vmem>>, vector<16xi32>,
    %scan3A = arith.constant 0 : i32
    %scan3A_41 = arith.constant 0 : i32
    %scan3A_42 = arith.constant 256 : i32
    %scan3A_43 = arith.addi %scan3A_41, %scan3A_42 : i32
    %scan3A_44 = arith.constant 1 : i32
    %scan3A_45 = scf.for %scan3A_47 = %scan3A_41 to %scan3A_43 step %scan3A_44 iter_args(%scan3A_48 = %scan3A) -> (i32)  : i32 {
      %mul3A_49 = arith.constant 16 : i32
      %mul3A_50 = arith.muli %scan3A_47, %mul3A_49 : i32
      %get3A = arith.index_cast %mul3A_50 : i32 to index
      %get3A_51 = tpu.vector_load %arg4[%get3A] {strides = array<i32>} : memref<4096xi32, #tpu.memory_space<vmem>>, vector<16xi32>,
      %mul3A_52 = arith.constant 16 : i32
      %mul3A_53 = arith.muli %scan3A_47, %mul3A_52 : i32
      %iota3A = tpu.iota {dimensions = array<i32: 0>} : vector<16xi32>
      %add3A_54 = vector.broadcast %mul3A_53 : i32 to vector<16xi32>
      %add3A_55 = arith.addi %add3A_54, %iota3A : vector<16xi32>
      %shift_right_arithmetic3A = arith.constant 1 : i32
      %shift_right_arithmetic3A_56 = vector.broadcast %shift_right_arithmetic3A : i32 to vector<16xi32>
      %shift_right_arithmetic3A_57 = arith.shrsi %add3A_55, %shift_right_arithmetic3A_56 : vector<16xi32>
      %sub3A = vector.broadcast %mul3A_2 : i32 to vector<16xi32>
      %sub3A_58 = arith.subi %get3A_51, %sub3A : vector<16xi32>
      %ge3A = arith.constant 0 : i32
      %ge3A_59 = vector.broadcast %ge3A : i32 to vector<16xi32>
      %ge3A_60 = arith.cmpi sge, %sub3A_58, %ge3A_59 : vector<16xi32>
      %lt3A = arith.constant 160 : i32
      %lt3A_61 = vector.broadcast %lt3A : i32 to vector<16xi32>
      %lt3A_62 = arith.cmpi slt, %sub3A_58, %lt3A_61 : vector<16xi32>
      %and3A = arith.andi %ge3A_60, %lt3A_62 : vector<16xi1>
      %jit3A = arith.constant 0 : i32
      %broadcast_in_dim3A_63 = vector.broadcast %jit3A : i32 to vector<16xi32>
      %select_n3A = arith.select %and3A, %sub3A_58, %broadcast_in_dim3A_63 : vector<16xi1>, vector<16xi32>
      tpu.vector_store_idx %arg5[%select_n3A], %shift_right_arithmetic3A_57 masked %and3A : memref<256xi32, #tpu.memory_space<vmem>>[vector<16xi32>], vector<16xi32>, vector<16xi1>
      %scan3A_64 = arith.constant 0 : i32
      scf.yield %scan3A_64 : i32
    }
    %scan3A_46 = arith.constant 256 : i32
    "tpu.region"() ({
      %run_scoped3A = tpu.sem_alloc : memref<!tpu.dma_semaphore, #tpu.memory_space<semaphore_mem>>
      %dma_start3A = arith.constant 0 : i32
      %dma_start3A_47 = tpu.memref_slice %arg5[%dma_start3A] : memref<256xi32, #tpu.memory_space<vmem>> -> memref<160xi32, #tpu.memory_space<vmem>>
      %dma_start3A_48 = tpu.memref_slice %arg3[%mul3A_2] : memref<5120xi32, #tpu.memory_space<hbm>> -> memref<160xi32, #tpu.memory_space<hbm>>
      %dma_start3A_49 = tpu.memref_slice %arg3[%mul3A_2] : memref<5120xi32, #tpu.memory_space<hbm>> -> memref<160xi32, #tpu.memory_space<hbm>>
      %dma_start3A_50 = arith.constant 0 : i32
      %dma_start3A_51 = tpu.memref_slice %arg5[%dma_start3A_50] : memref<256xi32, #tpu.memory_space<vmem>> -> memref<160xi32, #tpu.memory_space<vmem>>
      tpu.enqueue_dma source(%dma_start3A_51 : memref<160xi32, #tpu.memory_space<vmem>>) target(%dma_start3A_49 : memref<160xi32, #tpu.memory_space<hbm>>) target_semaphore(%run_scoped3A : memref<!tpu.dma_semaphore, #tpu.memory_space<semaphore_mem>>)
      %dma_wait3A = arith.constant 0 : i32
      %dma_wait3A_52 = tpu.memref_slice %arg5[%dma_wait3A] : memref<256xi32, #tpu.memory_space<vmem>> -> memref<160xi32, #tpu.memory_space<vmem>>
      %dma_wait3A_53 = tpu.memref_slice %arg3[%mul3A_2] : memref<5120xi32, #tpu.memory_space<hbm>> -> memref<160xi32, #tpu.memory_space<hbm>>
      %dma_wait3A_54 = tpu.memref_slice %arg3[%mul3A_2] : memref<5120xi32, #tpu.memory_space<hbm>> -> memref<160xi32, #tpu.memory_space<hbm>>
      %dma_wait3A_55 = arith.constant 0 : i32
      %dma_wait3A_56 = tpu.memref_slice %arg5[%dma_wait3A_55] : memref<256xi32, #tpu.memory_space<vmem>> -> memref<160xi32, #tpu.memory_space<vmem>>
      tpu.wait_dma2 semaphore(%run_scoped3A : memref<!tpu.dma_semaphore, #tpu.memory_space<semaphore_mem>>) src(%dma_wait3A_56 : memref<160xi32, #tpu.memory_space<vmem>>) dst(%dma_wait3A_54 : memref<160xi32, #tpu.memory_space<hbm>>)
      tpu.yield
    }) : () -> ()
    return
  }
}

#map = affine_map<(d0, d1) -> (0, 0)>
#map1 = affine_map<(d0, d1) -> (0)>
module attributes {stable_mosaic.version = 14 : i64} {
  func.func @gather_half0(%arg0: i32, %arg1: i32, %arg2: memref<2048x768xf32, #tpu.memory_space<hbm>>, %arg3: memref<5120xi32, #tpu.memory_space<hbm>>, %arg4: memref<2560x768xf32, #tpu.memory_space<hbm>>, %arg5: memref<80xi32, #tpu.memory_space<vmem>>, %arg6: memref<80x768xf32, #tpu.memory_space<vmem>>, %arg7: memref<!tpu.dma_semaphore, #tpu.memory_space<semaphore_mem>>) attributes {dimension_semantics = [#tpu.dimension_semantics<core_parallel>, #tpu.dimension_semantics<subcore_parallel>], iteration_bounds = array<i64: 2, 16>, scalar_prefetch = 0 : i64, scratch_operands = 3 : i64, tpu.core_type = #tpu.core_type<sc_vector_subcore>, window_params = [{transform_indices = #map}, {transform_indices = #map1}, {transform_indices = #map}]} {
    %mul3A = arith.constant 2 : i32
    %mul3A_0 = arith.muli %arg1, %mul3A : i32
    %add3A = arith.addi %mul3A_0, %arg0 : i32
    %mul3A_1 = arith.constant 80 : i32
    %mul3A_2 = arith.muli %add3A, %mul3A_1 : i32
    %add3A_3 = arith.constant 0 : i32
    %add3A_4 = arith.addi %add3A_3, %mul3A_2 : i32
    "tpu.region"() ({
      %run_scoped3A = tpu.sem_alloc : memref<!tpu.dma_semaphore, #tpu.memory_space<semaphore_mem>>
      %dma_start3A_9 = tpu.memref_slice %arg3[%add3A_4] : memref<5120xi32, #tpu.memory_space<hbm>> -> memref<80xi32, #tpu.memory_space<hbm>>
      %dma_start3A_10 = tpu.memref_slice %arg3[%add3A_4] : memref<5120xi32, #tpu.memory_space<hbm>> -> memref<80xi32, #tpu.memory_space<hbm>>
      tpu.enqueue_dma source(%dma_start3A_10 : memref<80xi32, #tpu.memory_space<hbm>>) target(%arg5 : memref<80xi32, #tpu.memory_space<vmem>>) target_semaphore(%run_scoped3A : memref<!tpu.dma_semaphore, #tpu.memory_space<semaphore_mem>>)
      %dma_wait3A_11 = tpu.memref_slice %arg3[%add3A_4] : memref<5120xi32, #tpu.memory_space<hbm>> -> memref<80xi32, #tpu.memory_space<hbm>>
      %dma_wait3A_12 = tpu.memref_slice %arg3[%add3A_4] : memref<5120xi32, #tpu.memory_space<hbm>> -> memref<80xi32, #tpu.memory_space<hbm>>
      tpu.wait_dma2 semaphore(%run_scoped3A : memref<!tpu.dma_semaphore, #tpu.memory_space<semaphore_mem>>) src(%dma_wait3A_12 : memref<80xi32, #tpu.memory_space<hbm>>) dst(%arg5 : memref<80xi32, #tpu.memory_space<vmem>>)
      tpu.yield
    }) : () -> ()
    %dma_start3A = arith.constant 0 : i32
    %dma_start3A_5 = arith.constant 0 : i32
    %dma_start3A_6 = tpu.memref_slice %arg2[%dma_start3A, %dma_start3A_5] : memref<2048x768xf32, #tpu.memory_space<hbm>> -> memref<2048x768xf32, #tpu.memory_space<hbm>>
    tpu.enqueue_indirect_dma source(%dma_start3A_6 : memref<2048x768xf32, #tpu.memory_space<hbm>>) target(%arg6 : memref<80x768xf32, #tpu.memory_space<vmem>>) offsets(%arg5 : memref<80xi32, #tpu.memory_space<vmem>>) semaphore(%arg7 : memref<!tpu.dma_semaphore, #tpu.memory_space<semaphore_mem>>)
    %dma_wait3A = arith.constant 0 : i32
    %dma_wait3A_7 = arith.constant 0 : i32
    %dma_wait3A_8 = tpu.memref_slice %arg2[%dma_wait3A, %dma_wait3A_7] : memref<2048x768xf32, #tpu.memory_space<hbm>> -> memref<2048x768xf32, #tpu.memory_space<hbm>>
    tpu.wait_indirect_dma semaphore(%arg7 : memref<!tpu.dma_semaphore, #tpu.memory_space<semaphore_mem>>) src(%dma_wait3A_8 : memref<2048x768xf32, #tpu.memory_space<hbm>>) dst(%arg6 : memref<80x768xf32, #tpu.memory_space<vmem>>)
    "tpu.region"() ({
      %run_scoped3A = tpu.sem_alloc : memref<!tpu.dma_semaphore, #tpu.memory_space<semaphore_mem>>
      %dma_start3A_9 = arith.constant 0 : i32
      %dma_start3A_10 = tpu.memref_slice %arg4[%mul3A_2, %dma_start3A_9] : memref<2560x768xf32, #tpu.memory_space<hbm>> -> memref<80x768xf32, #tpu.memory_space<hbm>>
      %dma_start3A_11 = arith.constant 0 : i32
      %dma_start3A_12 = tpu.memref_slice %arg4[%mul3A_2, %dma_start3A_11] : memref<2560x768xf32, #tpu.memory_space<hbm>> -> memref<80x768xf32, #tpu.memory_space<hbm>>
      tpu.enqueue_dma source(%arg6 : memref<80x768xf32, #tpu.memory_space<vmem>>) target(%dma_start3A_12 : memref<80x768xf32, #tpu.memory_space<hbm>>) target_semaphore(%run_scoped3A : memref<!tpu.dma_semaphore, #tpu.memory_space<semaphore_mem>>)
      %dma_wait3A_13 = arith.constant 0 : i32
      %dma_wait3A_14 = tpu.memref_slice %arg4[%mul3A_2, %dma_wait3A_13] : memref<2560x768xf32, #tpu.memory_space<hbm>> -> memref<80x768xf32, #tpu.memory_space<hbm>>
      %dma_wait3A_15 = arith.constant 0 : i32
      %dma_wait3A_16 = tpu.memref_slice %arg4[%mul3A_2, %dma_wait3A_15] : memref<2560x768xf32, #tpu.memory_space<hbm>> -> memref<80x768xf32, #tpu.memory_space<hbm>>
      tpu.wait_dma2 semaphore(%run_scoped3A : memref<!tpu.dma_semaphore, #tpu.memory_space<semaphore_mem>>) src(%arg6 : memref<80x768xf32, #tpu.memory_space<vmem>>) dst(%dma_wait3A_16 : memref<80x768xf32, #tpu.memory_space<hbm>>)
      tpu.yield
    }) : () -> ()
    return
  }
}

module attributes {stable_mosaic.version = 14 : i64} {
  func.func @_router_body(%arg0: memref<2048x768xf32, #tpu.memory_space<vmem>>, %arg1: memref<768x128xf32, #tpu.memory_space<vmem>>, %arg2: memref<1x128xf32, #tpu.memory_space<vmem>>, %arg3: memref<2048x128xf32, #tpu.memory_space<vmem>>, %arg4: memref<2048x128xi32, #tpu.memory_space<vmem>>, %arg5: memref<40x128xi32, #tpu.memory_space<vmem>>, %arg6: memref<2048x128xf32, #tpu.memory_space<vmem>>, %arg7: memref<2048x128xf32, #tpu.memory_space<vmem>>) attributes {dimension_semantics = [], scalar_prefetch = 0 : i64, scratch_operands = 2 : i64, tpu.core_type = #tpu.core_type<tc>} {
    %get3A = arith.constant 0 : index
    %get3A_0 = arith.constant 0 : index
    %get3A_1 = vector.load %arg0[%get3A, %get3A_0] : memref<2048x768xf32, #tpu.memory_space<vmem>>, vector<2048x768xf32>
    %get3A_2 = arith.constant 0 : index
    %get3A_3 = arith.constant 0 : index
    %get3A_4 = vector.load %arg1[%get3A_2, %get3A_3] : memref<768x128xf32, #tpu.memory_space<vmem>>, vector<768x128xf32>
    %dot_general3A = arith.constant dense<0.000000e+00> : vector<2048x128xf32>
    %dot_general3A_5 = tpu.matmul %get3A_1, %get3A_4, %dot_general3A {dimension_numbers = #tpu.dot_dimension_numbers<[1], [0], [0], [1], [0, 0, 1, 1], [], []>, transpose_lhs_hint = false} : vector<2048x768xf32>, vector<768x128xf32>, vector<2048x128xf32> -> vector<2048x128xf32>
    %get3A_6 = arith.constant 0 : index
    %get3A_7 = arith.constant 0 : index
    %get3A_8 = vector.load %arg2[%get3A_6, %get3A_7] : memref<1x128xf32, #tpu.memory_space<vmem>>, vector<1x128xf32>
    %add3A = vector.broadcast %get3A_8 : vector<1x128xf32> to vector<2048x128xf32>
    %add3A_9 = arith.addf %dot_general3A_5, %add3A : vector<2048x128xf32>
    %iota3A = tpu.iota {dimensions = array<i32: 1>} : vector<2048x128xi32>
    %lt3A = arith.constant 8 : i32
    %lt3A_10 = vector.broadcast %lt3A : i32 to vector<2048x128xi32>
    %lt3A_11 = arith.cmpi slt, %iota3A, %lt3A_10 : vector<2048x128xi32>
    %jit3A = arith.constant -1.000000e+30 : f32
    %broadcast_in_dim3A = vector.broadcast %jit3A : f32 to vector<2048x128xf32>
    %select_n3A = arith.select %lt3A_11, %add3A_9, %broadcast_in_dim3A : vector<2048x128xi1>, vector<2048x128xf32>
    %reduce_max3A = arith.constant dense<0xFF800000> : vector<2048xf32>
    %reduce_max3A_12 = vector.multi_reduction <maximumf>, %select_n3A, %reduce_max3A [1] : vector<2048x128xf32> to vector<2048xf32>
    %broadcast_in_dim3A_13 = vector.shape_cast %reduce_max3A_12 : vector<2048xf32> to vector<2048x1xf32>
    %eq3A = vector.broadcast %broadcast_in_dim3A_13 : vector<2048x1xf32> to vector<2048x128xf32>
    %eq3A_14 = arith.cmpf oeq, %select_n3A, %eq3A : vector<2048x128xf32>
    %jit3A_15 = arith.constant 128 : i32
    %broadcast_in_dim3A_16 = vector.broadcast %jit3A_15 : i32 to vector<2048x128xi32>
    %select_n3A_17 = arith.select %eq3A_14, %iota3A, %broadcast_in_dim3A_16 : vector<2048x128xi1>, vector<2048x128xi32>
    %reduce_min3A = arith.constant dense<2147483647> : vector<2048xi32>
    %reduce_min3A_18 = vector.multi_reduction <minsi>, %select_n3A_17, %reduce_min3A [1] : vector<2048x128xi32> to vector<2048xi32>
    %broadcast_in_dim3A_19 = vector.shape_cast %reduce_min3A_18 : vector<2048xi32> to vector<2048x1xi32>
    %eq3A_20 = vector.broadcast %broadcast_in_dim3A_19 : vector<2048x1xi32> to vector<2048x128xi32>
    %eq3A_21 = arith.cmpi eq, %iota3A, %eq3A_20 : vector<2048x128xi32>
    %jit3A_22 = arith.constant -1.000000e+30 : f32
    %broadcast_in_dim3A_23 = vector.broadcast %jit3A_22 : f32 to vector<2048x128xf32>
    %select_n3A_24 = arith.select %eq3A_21, %broadcast_in_dim3A_23, %select_n3A : vector<2048x128xi1>, vector<2048x128xf32>
    %reduce_max3A_25 = arith.constant dense<0xFF800000> : vector<2048xf32>
    %reduce_max3A_26 = vector.multi_reduction <maximumf>, %select_n3A_24, %reduce_max3A_25 [1] : vector<2048x128xf32> to vector<2048xf32>
    %broadcast_in_dim3A_27 = vector.shape_cast %reduce_max3A_26 : vector<2048xf32> to vector<2048x1xf32>
    %eq3A_28 = vector.broadcast %broadcast_in_dim3A_27 : vector<2048x1xf32> to vector<2048x128xf32>
    %eq3A_29 = arith.cmpf oeq, %select_n3A_24, %eq3A_28 : vector<2048x128xf32>
    %jit3A_30 = arith.constant 128 : i32
    %broadcast_in_dim3A_31 = vector.broadcast %jit3A_30 : i32 to vector<2048x128xi32>
    %select_n3A_32 = arith.select %eq3A_29, %iota3A, %broadcast_in_dim3A_31 : vector<2048x128xi1>, vector<2048x128xi32>
    %reduce_min3A_33 = arith.constant dense<2147483647> : vector<2048xi32>
    %reduce_min3A_34 = vector.multi_reduction <minsi>, %select_n3A_32, %reduce_min3A_33 [1] : vector<2048x128xi32> to vector<2048xi32>
    %broadcast_in_dim3A_35 = vector.shape_cast %reduce_min3A_34 : vector<2048xi32> to vector<2048x1xi32>
    %sub3A = arith.subf %broadcast_in_dim3A_27, %broadcast_in_dim3A_13 : vector<2048x1xf32>
    %exp3A = math.exp %sub3A : vector<2048x1xf32>
    %add3A_36 = arith.constant 1.000000e+00 : f32
    %add3A_37 = vector.broadcast %add3A_36 : f32 to vector<2048x1xf32>
    %add3A_38 = arith.addf %add3A_37, %exp3A : vector<2048x1xf32>
    %div3A = arith.constant 1.000000e+00 : f32
    %div3A_39 = vector.broadcast %div3A : f32 to vector<2048x1xf32>
    %div3A_40 = arith.divf %div3A_39, %add3A_38 : vector<2048x1xf32>
    %add3A_41 = arith.constant 1.000000e+00 : f32
    %add3A_42 = vector.broadcast %add3A_41 : f32 to vector<2048x1xf32>
    %add3A_43 = arith.addf %add3A_42, %exp3A : vector<2048x1xf32>
    %div3A_44 = arith.divf %exp3A, %add3A_43 : vector<2048x1xf32>
    %eq3A_45 = arith.constant 0 : i32
    %eq3A_46 = vector.broadcast %eq3A_45 : i32 to vector<2048x128xi32>
    %eq3A_47 = arith.cmpi eq, %iota3A, %eq3A_46 : vector<2048x128xi32>
    %eq3A_48 = arith.constant 1 : i32
    %eq3A_49 = vector.broadcast %eq3A_48 : i32 to vector<2048x128xi32>
    %eq3A_50 = arith.cmpi eq, %iota3A, %eq3A_49 : vector<2048x128xi32>
    %jit3A_51 = arith.constant 0.000000e+00 : f32
    %broadcast_in_dim3A_52 = vector.shape_cast %div3A_44 : vector<2048x1xf32> to vector<2048x1xf32>
    %broadcast_in_dim3A_53 = vector.broadcast %broadcast_in_dim3A_52 : vector<2048x1xf32> to vector<2048x128xf32>
    %broadcast_in_dim3A_54 = vector.broadcast %jit3A_51 : f32 to vector<2048x128xf32>
    %select_n3A_55 = arith.select %eq3A_50, %broadcast_in_dim3A_53, %broadcast_in_dim3A_54 : vector<2048x128xi1>, vector<2048x128xf32>
    %broadcast_in_dim3A_56 = vector.shape_cast %div3A_40 : vector<2048x1xf32> to vector<2048x1xf32>
    %broadcast_in_dim3A_57 = vector.broadcast %broadcast_in_dim3A_56 : vector<2048x1xf32> to vector<2048x128xf32>
    %select_n3A_58 = arith.select %eq3A_47, %broadcast_in_dim3A_57, %select_n3A_55 : vector<2048x128xi1>, vector<2048x128xf32>
    %swap3A = arith.constant 0 : index
    %swap3A_59 = arith.constant 0 : index
    %swap3A_60 = vector.load %arg3[%swap3A, %swap3A_59] : memref<2048x128xf32, #tpu.memory_space<vmem>>, vector<2048x128xf32>
    tpu.vector_store %arg3[%swap3A, %swap3A_59], %select_n3A_58 {strides = array<i32>} : memref<2048x128xf32, #tpu.memory_space<vmem>>, vector<2048x128xf32>,
    %eq3A_61 = vector.broadcast %broadcast_in_dim3A_19 : vector<2048x1xi32> to vector<2048x128xi32>
    %eq3A_62 = arith.cmpi eq, %iota3A, %eq3A_61 : vector<2048x128xi32>
    %convert_element_type3A = arith.extui %eq3A_62 : vector<2048x128xi1> to vector<2048x128xi32>
    %convert_element_type3A_63 = arith.sitofp %convert_element_type3A : vector<2048x128xi32> to vector<2048x128xf32>
    %eq3A_64 = vector.broadcast %broadcast_in_dim3A_35 : vector<2048x1xi32> to vector<2048x128xi32>
    %eq3A_65 = arith.cmpi eq, %iota3A, %eq3A_64 : vector<2048x128xi32>
    %convert_element_type3A_66 = arith.extui %eq3A_65 : vector<2048x128xi1> to vector<2048x128xi32>
    %convert_element_type3A_67 = arith.sitofp %convert_element_type3A_66 : vector<2048x128xi32> to vector<2048x128xf32>
    %add3A_68 = arith.addf %convert_element_type3A_63, %convert_element_type3A_67 : vector<2048x128xf32>
    %swap3A_69 = arith.constant 0 : index
    %swap3A_70 = arith.constant 0 : index
    %swap3A_71 = vector.load %arg6[%swap3A_69, %swap3A_70] : memref<2048x128xf32, #tpu.memory_space<vmem>>, vector<2048x128xf32>
    tpu.vector_store %arg6[%swap3A_69, %swap3A_70], %add3A_68 {strides = array<i32>} : memref<2048x128xf32, #tpu.memory_space<vmem>>, vector<2048x128xf32>,
    %iota3A_72 = tpu.iota {dimensions = array<i32: 0>} : vector<128x128xi32>
    %iota3A_73 = tpu.iota {dimensions = array<i32: 1>} : vector<128x128xi32>
    %ge3A = arith.cmpi sge, %iota3A_72, %iota3A_73 : vector<128x128xi32>
    %convert_element_type3A_74 = arith.extui %ge3A : vector<128x128xi1> to vector<128x128xi32>
    %convert_element_type3A_75 = arith.sitofp %convert_element_type3A_74 : vector<128x128xi32> to vector<128x128xf32>
    %broadcast_in_dim3A_76 = arith.constant 0.000000e+00 : f32
    %broadcast_in_dim3A_77 = vector.broadcast %broadcast_in_dim3A_76 : f32 to vector<1x128xf32>
    %scan3A = arith.constant 0 : i32
    %scan3A_78 = arith.constant 16 : i32
    %scan3A_79 = arith.addi %scan3A, %scan3A_78 : i32
    %scan3A_80 = arith.constant 1 : i32
    %scan3A_81 = scf.for %scan3A_160 = %scan3A to %scan3A_79 step %scan3A_80 iter_args(%scan3A_161 = %broadcast_in_dim3A_77) -> (vector<1x128xf32>)  : i32 {
      %mul3A_162 = arith.constant 128 : i32
      %mul3A_163 = arith.muli %scan3A_160, %mul3A_162 : i32
      %get3A_164 = arith.index_cast %mul3A_163 : i32 to index
      %get3A_165 = arith.constant 0 : index
      %get3A_166 = vector.load %arg6[%get3A_164, %get3A_165] : memref<2048x128xf32, #tpu.memory_space<vmem>>, vector<128x128xf32>
      %dot_general3A_167 = arith.constant dense<0.000000e+00> : vector<128x128xf32>
      %dot_general3A_168 = tpu.matmul %convert_element_type3A_75, %get3A_166, %dot_general3A_167 {dimension_numbers = #tpu.dot_dimension_numbers<[1], [0], [0], [1], [0, 0, 1, 1], [], []>, transpose_lhs_hint = false} : vector<128x128xf32>, vector<128x128xf32>, vector<128x128xf32> -> vector<128x128xf32>
      %add3A_169 = vector.broadcast %scan3A_161 : vector<1x128xf32> to vector<128x128xf32>
      %add3A_170 = arith.addf %dot_general3A_168, %add3A_169 : vector<128x128xf32>
      %mul3A_171 = arith.constant 128 : i32
      %mul3A_172 = arith.muli %scan3A_160, %mul3A_171 : i32
      %swap3A_173 = arith.index_cast %mul3A_172 : i32 to index
      %swap3A_174 = arith.constant 0 : index
      %swap3A_175 = vector.load %arg7[%swap3A_173, %swap3A_174] : memref<2048x128xf32, #tpu.memory_space<vmem>>, vector<128x128xf32>
      tpu.vector_store %arg7[%swap3A_173, %swap3A_174], %add3A_170 {strides = array<i32>} : memref<2048x128xf32, #tpu.memory_space<vmem>>, vector<128x128xf32>,
      %slice3A = vector.extract_strided_slice %add3A_170 {offsets = [127, 0], sizes = [1, 128], strides = [1, 1]} : vector<128x128xf32> to vector<1x128xf32>
      scf.yield %slice3A : vector<1x128xf32>
    }
    %scan3A_82 = arith.constant 16 : i32
    %get3A_83 = arith.constant 2047 : index
    %get3A_84 = arith.constant 0 : index
    %get3A_85 = vector.load %arg7[%get3A_83, %get3A_84] : memref<2048x128xf32, #tpu.memory_space<vmem>>, vector<1x128xf32>
    %add3A_86 = arith.constant 1.270000e+02 : f32
    %add3A_87 = vector.broadcast %add3A_86 : f32 to vector<1x128xf32>
    %add3A_88 = arith.addf %get3A_85, %add3A_87 : vector<1x128xf32>
    %div3A_89 = arith.constant 1.280000e+02 : f32
    %div3A_90 = vector.broadcast %div3A_89 : f32 to vector<1x128xf32>
    %div3A_91 = arith.divf %add3A_88, %div3A_90 : vector<1x128xf32>
    %floor3A = math.floor %div3A_91 : vector<1x128xf32>
    %mul3A = arith.constant 1.280000e+02 : f32
    %mul3A_92 = vector.broadcast %mul3A : f32 to vector<1x128xf32>
    %mul3A_93 = arith.mulf %floor3A, %mul3A_92 : vector<1x128xf32>
    %lt3A_94 = arith.cmpi slt, %iota3A_72, %iota3A_73 : vector<128x128xi32>
    %convert_element_type3A_95 = arith.extui %lt3A_94 : vector<128x128xi1> to vector<128x128xi32>
    %convert_element_type3A_96 = arith.sitofp %convert_element_type3A_95 : vector<128x128xi32> to vector<128x128xf32>
    %dot_general3A_97 = arith.constant dense<0.000000e+00> : vector<1x128xf32>
    %dot_general3A_98 = tpu.matmul %mul3A_93, %convert_element_type3A_96, %dot_general3A_97 {dimension_numbers = #tpu.dot_dimension_numbers<[1], [0], [0], [1], [0, 0, 1, 1], [], []>, transpose_lhs_hint = false} : vector<1x128xf32>, vector<128x128xf32>, vector<1x128xf32> -> vector<1x128xf32>
    %add3A_99 = arith.addf %dot_general3A_98, %mul3A_93 : vector<1x128xf32>
    %get3A_100 = arith.constant 0 : index
    %get3A_101 = arith.constant 0 : index
    %get3A_102 = vector.load %arg7[%get3A_100, %get3A_101] : memref<2048x128xf32, #tpu.memory_space<vmem>>, vector<2048x128xf32>
    %add3A_103 = vector.broadcast %dot_general3A_98 : vector<1x128xf32> to vector<2048x128xf32>
    %add3A_104 = arith.addf %add3A_103, %get3A_102 : vector<2048x128xf32>
    %mul3A_105 = arith.mulf %convert_element_type3A_63, %add3A_104 : vector<2048x128xf32>
    %reduce_sum3A = arith.constant dense<0.000000e+00> : vector<2048xf32>
    %reduce_sum3A_106 = vector.multi_reduction <add>, %mul3A_105, %reduce_sum3A [1] : vector<2048x128xf32> to vector<2048xf32>
    %broadcast_in_dim3A_107 = vector.shape_cast %reduce_sum3A_106 : vector<2048xf32> to vector<2048x1xf32>
    %sub3A_108 = arith.constant 1.000000e+00 : f32
    %sub3A_109 = vector.broadcast %sub3A_108 : f32 to vector<2048x1xf32>
    %sub3A_110 = arith.subf %broadcast_in_dim3A_107, %sub3A_109 : vector<2048x1xf32>
    %add3A_111 = vector.broadcast %dot_general3A_98 : vector<1x128xf32> to vector<2048x128xf32>
    %add3A_112 = arith.addf %add3A_111, %get3A_102 : vector<2048x128xf32>
    %mul3A_113 = arith.mulf %convert_element_type3A_67, %add3A_112 : vector<2048x128xf32>
    %reduce_sum3A_114 = arith.constant dense<0.000000e+00> : vector<2048xf32>
    %reduce_sum3A_115 = vector.multi_reduction <add>, %mul3A_113, %reduce_sum3A_114 [1] : vector<2048x128xf32> to vector<2048xf32>
    %broadcast_in_dim3A_116 = vector.shape_cast %reduce_sum3A_115 : vector<2048xf32> to vector<2048x1xf32>
    %sub3A_117 = arith.constant 1.000000e+00 : f32
    %sub3A_118 = vector.broadcast %sub3A_117 : f32 to vector<2048x1xf32>
    %sub3A_119 = arith.subf %broadcast_in_dim3A_116, %sub3A_118 : vector<2048x1xf32>
    %eq3A_120 = arith.constant 0 : i32
    %eq3A_121 = vector.broadcast %eq3A_120 : i32 to vector<2048x128xi32>
    %eq3A_122 = arith.cmpi eq, %iota3A, %eq3A_121 : vector<2048x128xi32>
    %eq3A_123 = arith.constant 1 : i32
    %eq3A_124 = vector.broadcast %eq3A_123 : i32 to vector<2048x128xi32>
    %eq3A_125 = arith.cmpi eq, %iota3A, %eq3A_124 : vector<2048x128xi32>
    %jit3A_126 = arith.constant 0.000000e+00 : f32
    %broadcast_in_dim3A_127 = vector.shape_cast %sub3A_119 : vector<2048x1xf32> to vector<2048x1xf32>
    %broadcast_in_dim3A_128 = vector.broadcast %broadcast_in_dim3A_127 : vector<2048x1xf32> to vector<2048x128xf32>
    %broadcast_in_dim3A_129 = vector.broadcast %jit3A_126 : f32 to vector<2048x128xf32>
    %select_n3A_130 = arith.select %eq3A_125, %broadcast_in_dim3A_128, %broadcast_in_dim3A_129 : vector<2048x128xi1>, vector<2048x128xf32>
    %broadcast_in_dim3A_131 = vector.shape_cast %sub3A_110 : vector<2048x1xf32> to vector<2048x1xf32>
    %broadcast_in_dim3A_132 = vector.broadcast %broadcast_in_dim3A_131 : vector<2048x1xf32> to vector<2048x128xf32>
    %select_n3A_133 = arith.select %eq3A_122, %broadcast_in_dim3A_132, %select_n3A_130 : vector<2048x128xi1>, vector<2048x128xf32>
    %convert_element_type3A_134 = arith.fptosi %select_n3A_133 : vector<2048x128xf32> to vector<2048x128xi32>
    %swap3A_135 = arith.constant 0 : index
    %swap3A_136 = arith.constant 0 : index
    %swap3A_137 = vector.load %arg4[%swap3A_135, %swap3A_136] : memref<2048x128xi32, #tpu.memory_space<vmem>>, vector<2048x128xi32>
    tpu.vector_store %arg4[%swap3A_135, %swap3A_136], %convert_element_type3A_134 {strides = array<i32>} : memref<2048x128xi32, #tpu.memory_space<vmem>>, vector<2048x128xi32>,
    %iota3A_138 = tpu.iota {dimensions = array<i32: 0>} : vector<40x128xi32>
    %convert_element_type3A_139 = arith.sitofp %iota3A_138 : vector<40x128xi32> to vector<40x128xf32>
    %mul3A_140 = arith.constant 1.280000e+02 : f32
    %mul3A_141 = vector.broadcast %mul3A_140 : f32 to vector<40x128xf32>
    %mul3A_142 = arith.mulf %convert_element_type3A_139, %mul3A_141 : vector<40x128xf32>
    %iota3A_143 = tpu.iota {dimensions = array<i32: 1>} : vector<40x128xi32>
    %ge3A_144 = vector.broadcast %add3A_99 : vector<1x128xf32> to vector<40x128xf32>
    %ge3A_145 = arith.cmpf oge, %mul3A_142, %ge3A_144 : vector<40x128xf32>
    %lt3A_146 = arith.constant 8 : i32
    %lt3A_147 = vector.broadcast %lt3A_146 : i32 to vector<40x128xi32>
    %lt3A_148 = arith.cmpi slt, %iota3A_143, %lt3A_147 : vector<40x128xi32>
    %and3A = arith.andi %ge3A_145, %lt3A_148 : vector<40x128xi1>
    %convert_element_type3A_149 = arith.extui %and3A : vector<40x128xi1> to vector<40x128xi32>
    %reduce_sum3A_150 = arith.constant dense<0> : vector<40xi32>
    %reduce_sum3A_151 = vector.multi_reduction <add>, %convert_element_type3A_149, %reduce_sum3A_150 [1] : vector<40x128xi32> to vector<40xi32>
    %broadcast_in_dim3A_152 = vector.shape_cast %reduce_sum3A_151 : vector<40xi32> to vector<40x1xi32>
    %min3A = arith.constant 7 : i32
    %min3A_153 = vector.broadcast %min3A : i32 to vector<40x1xi32>
    %min3A_154 = arith.minsi %broadcast_in_dim3A_152, %min3A_153 : vector<40x1xi32>
    %broadcast_in_dim3A_155 = vector.shape_cast %min3A_154 : vector<40x1xi32> to vector<40x1xi32>
    %broadcast_in_dim3A_156 = vector.broadcast %broadcast_in_dim3A_155 : vector<40x1xi32> to vector<40x128xi32>
    %swap3A_157 = arith.constant 0 : index
    %swap3A_158 = arith.constant 0 : index
    %swap3A_159 = vector.load %arg5[%swap3A_157, %swap3A_158] : memref<40x128xi32, #tpu.memory_space<vmem>>, vector<40x128xi32>
    tpu.vector_store %arg5[%swap3A_157, %swap3A_158], %broadcast_in_dim3A_156 {strides = array<i32>} : memref<40x128xi32, #tpu.memory_space<vmem>>, vector<40x128xi32>,
    return
  }
}

module attributes {stable_mosaic.version = 14 : i64} {
  func.func @_mlp_body(%arg0: i32, %arg1: memref<20xi32, #tpu.memory_space<smem>>, %arg2: memref<128x768xf32, #tpu.memory_space<vmem>>, %arg3: memref<1x768x1536xf32, #tpu.memory_space<vmem>>, %arg4: memref<1x1x1536xf32, #tpu.memory_space<vmem>>, %arg5: memref<1x768x768xf32, #tpu.memory_space<vmem>>, %arg6: memref<1x1x768xf32, #tpu.memory_space<vmem>>, %arg7: memref<128x768xf32, #tpu.memory_space<vmem>>, %arg8: memref<768x1536xbf16, #tpu.memory_space<vmem>>, %arg9: memref<768x768xbf16, #tpu.memory_space<vmem>>) attributes {dimension_semantics = [#tpu.dimension_semantics<arbitrary>], iteration_bounds = array<i64: 20>, scalar_prefetch = 1 : i64, scratch_operands = 2 : i64, tpu.core_type = #tpu.core_type<tc>, window_params = [{transform_indices = @transform_0, window_bounds = array<i64: 128, 768>}, {transform_indices = @transform_1, window_bounds = array<i64: 1, 768, 1536>}, {transform_indices = @transform_2, window_bounds = array<i64: 1, 1, 1536>}, {transform_indices = @transform_3, window_bounds = array<i64: 1, 768, 768>}, {transform_indices = @transform_4, window_bounds = array<i64: 1, 1, 768>}, {transform_indices = @transform_5, window_bounds = array<i64: 128, 768>}]} {
    %eq3A = arith.constant 0 : i32
    %eq3A_0 = arith.cmpi eq, %arg0, %eq3A : i32
    %get3A = arith.index_cast %arg0 : i32 to index
    %get3A_1 = memref.load %arg1[%get3A] : memref<20xi32, #tpu.memory_space<smem>>
    %sub3A = arith.constant 1 : i32
    %sub3A_2 = arith.subi %arg0, %sub3A : i32
    %max3A = arith.constant 0 : i32
    %max3A_3 = arith.maxsi %sub3A_2, %max3A : i32
    %get3A_4 = arith.index_cast %max3A_3 : i32 to index
    %get3A_5 = memref.load %arg1[%get3A_4] : memref<20xi32, #tpu.memory_space<smem>>
    %ne3A = arith.cmpi ne, %get3A_1, %get3A_5 : i32
    %or3A = arith.ori %eq3A_0, %ne3A : i1
    %convert_element_type3A = arith.extui %or3A : i1 to i32
    %cond3A = arith.constant 0 : i32
    %cond3A_6 = arith.cmpi ne, %convert_element_type3A, %cond3A : i32
    scf.if %cond3A_6 {
      %get3A_54 = arith.constant 0 : index
      %get3A_55 = arith.constant 0 : index
      %get3A_56 = arith.constant 0 : index
      %get3A_57 = vector.load %arg3[%get3A_54, %get3A_55, %get3A_56] : memref<1x768x1536xf32, #tpu.memory_space<vmem>>, vector<1x768x1536xf32>
      %get3A_58 = vector.shape_cast %get3A_57 : vector<1x768x1536xf32> to vector<768x1536xf32>
      %convert_element_type3A_59 = arith.truncf %get3A_58 : vector<768x1536xf32> to vector<768x1536xbf16>
      %swap3A_60 = arith.constant 0 : index
      %swap3A_61 = arith.constant 0 : index
      %swap3A_62 = vector.load %arg8[%swap3A_60, %swap3A_61] : memref<768x1536xbf16, #tpu.memory_space<vmem>>, vector<768x1536xbf16>
      tpu.vector_store %arg8[%swap3A_60, %swap3A_61], %convert_element_type3A_59 {strides = array<i32>} : memref<768x1536xbf16, #tpu.memory_space<vmem>>, vector<768x1536xbf16>,
      %get3A_63 = arith.constant 0 : index
      %get3A_64 = arith.constant 0 : index
      %get3A_65 = arith.constant 0 : index
      %get3A_66 = vector.load %arg5[%get3A_63, %get3A_64, %get3A_65] : memref<1x768x768xf32, #tpu.memory_space<vmem>>, vector<1x768x768xf32>
      %get3A_67 = vector.shape_cast %get3A_66 : vector<1x768x768xf32> to vector<768x768xf32>
      %convert_element_type3A_68 = arith.truncf %get3A_67 : vector<768x768xf32> to vector<768x768xbf16>
      %swap3A_69 = arith.constant 0 : index
      %swap3A_70 = arith.constant 0 : index
      %swap3A_71 = vector.load %arg9[%swap3A_69, %swap3A_70] : memref<768x768xbf16, #tpu.memory_space<vmem>>, vector<768x768xbf16>
      tpu.vector_store %arg9[%swap3A_69, %swap3A_70], %convert_element_type3A_68 {strides = array<i32>} : memref<768x768xbf16, #tpu.memory_space<vmem>>, vector<768x768xbf16>,
    } else {
    }
    %get3A_7 = arith.constant 0 : index
    %get3A_8 = arith.constant 0 : index
    %get3A_9 = vector.load %arg2[%get3A_7, %get3A_8] : memref<128x768xf32, #tpu.memory_space<vmem>>, vector<128x768xf32>
    %convert_element_type3A_10 = arith.truncf %get3A_9 : vector<128x768xf32> to vector<128x768xbf16>
    %get3A_11 = arith.constant 0 : index
    %get3A_12 = arith.constant 0 : index
    %get3A_13 = vector.load %arg8[%get3A_11, %get3A_12] : memref<768x1536xbf16, #tpu.memory_space<vmem>>, vector<768x1536xbf16>
    %dot_general3A = arith.constant dense<0.000000e+00> : vector<128x1536xf32>
    %dot_general3A_14 = tpu.matmul %convert_element_type3A_10, %get3A_13, %dot_general3A {dimension_numbers = #tpu.dot_dimension_numbers<[1], [0], [0], [1], [0, 0, 1, 1], [], []>, transpose_lhs_hint = false} : vector<128x768xbf16>, vector<768x1536xbf16>, vector<128x1536xf32> -> vector<128x1536xf32>
    %get3A_15 = arith.constant 0 : index
    %get3A_16 = arith.constant 0 : index
    %get3A_17 = arith.constant 0 : index
    %get3A_18 = vector.load %arg4[%get3A_15, %get3A_16, %get3A_17] : memref<1x1x1536xf32, #tpu.memory_space<vmem>>, vector<1x1x1536xf32>
    %get3A_19 = vector.shape_cast %get3A_18 : vector<1x1x1536xf32> to vector<1x1536xf32>
    %add3A = vector.broadcast %get3A_19 : vector<1x1536xf32> to vector<128x1536xf32>
    %add3A_20 = arith.addf %dot_general3A_14, %add3A : vector<128x1536xf32>
    %min3A = arith.constant 7.000000e+00 : f32
    %min3A_21 = vector.broadcast %min3A : f32 to vector<128x1536xf32>
    %min3A_22 = arith.minimumf %add3A_20, %min3A_21 : vector<128x1536xf32>
    %slice3A = vector.extract_strided_slice %min3A_22 {offsets = [0, 0], sizes = [128, 768], strides = [1, 1]} : vector<128x1536xf32> to vector<128x768xf32>
    %slice3A_23 = vector.extract_strided_slice %min3A_22 {offsets = [0, 768], sizes = [128, 768], strides = [1, 1]} : vector<128x1536xf32> to vector<128x768xf32>
    %max3A_24 = arith.constant -7.000000e+00 : f32
    %max3A_25 = vector.broadcast %max3A_24 : f32 to vector<128x768xf32>
    %max3A_26 = arith.maximumf %slice3A_23, %max3A_25 : vector<128x768xf32>
    %mul3A = arith.constant 1.702000e+00 : f32
    %mul3A_27 = vector.broadcast %mul3A : f32 to vector<128x768xf32>
    %mul3A_28 = arith.mulf %slice3A, %mul3A_27 : vector<128x768xf32>
    %logistic3A = arith.negf %mul3A_28 : vector<128x768xf32>
    %logistic3A_29 = math.exp %logistic3A : vector<128x768xf32>
    %logistic3A_30 = arith.constant 1.000000e+00 : f32
    %logistic3A_31 = vector.broadcast %logistic3A_30 : f32 to vector<128x768xf32>
    %logistic3A_32 = arith.addf %logistic3A_31, %logistic3A_29 : vector<128x768xf32>
    %logistic3A_33 = arith.divf %logistic3A_31, %logistic3A_32 : vector<128x768xf32>
    %mul3A_34 = arith.mulf %slice3A, %logistic3A_33 : vector<128x768xf32>
    %add3A_35 = arith.constant 1.000000e+00 : f32
    %add3A_36 = vector.broadcast %add3A_35 : f32 to vector<128x768xf32>
    %add3A_37 = arith.addf %max3A_26, %add3A_36 : vector<128x768xf32>
    %mul3A_38 = arith.mulf %add3A_37, %mul3A_34 : vector<128x768xf32>
    %convert_element_type3A_39 = arith.truncf %mul3A_38 : vector<128x768xf32> to vector<128x768xbf16>
    %get3A_40 = arith.constant 0 : index
    %get3A_41 = arith.constant 0 : index
    %get3A_42 = vector.load %arg9[%get3A_40, %get3A_41] : memref<768x768xbf16, #tpu.memory_space<vmem>>, vector<768x768xbf16>
    %dot_general3A_43 = arith.constant dense<0.000000e+00> : vector<128x768xf32>
    %dot_general3A_44 = tpu.matmul %convert_element_type3A_39, %get3A_42, %dot_general3A_43 {dimension_numbers = #tpu.dot_dimension_numbers<[1], [0], [0], [1], [0, 0, 1, 1], [], []>, transpose_lhs_hint = false} : vector<128x768xbf16>, vector<768x768xbf16>, vector<128x768xf32> -> vector<128x768xf32>
    %get3A_45 = arith.constant 0 : index
    %get3A_46 = arith.constant 0 : index
    %get3A_47 = arith.constant 0 : index
    %get3A_48 = vector.load %arg6[%get3A_45, %get3A_46, %get3A_47] : memref<1x1x768xf32, #tpu.memory_space<vmem>>, vector<1x1x768xf32>
    %get3A_49 = vector.shape_cast %get3A_48 : vector<1x1x768xf32> to vector<1x768xf32>
    %add3A_50 = vector.broadcast %get3A_49 : vector<1x768xf32> to vector<128x768xf32>
    %add3A_51 = arith.addf %dot_general3A_44, %add3A_50 : vector<128x768xf32>
    %swap3A = arith.constant 0 : index
    %swap3A_52 = arith.constant 0 : index
    %swap3A_53 = vector.load %arg7[%swap3A, %swap3A_52] : memref<128x768xf32, #tpu.memory_space<vmem>>, vector<128x768xf32>
    tpu.vector_store %arg7[%swap3A, %swap3A_52], %add3A_51 {strides = array<i32>} : memref<128x768xf32, #tpu.memory_space<vmem>>, vector<128x768xf32>,
    return
  }
  func.func @transform_0(%arg0: i32, %arg1: memref<20xi32, #tpu.memory_space<smem>>) -> (i32, i32) {
    %c0_i32 = arith.constant 0 : i32
    %c0_i32_0 = arith.constant 0 : i32
    return %arg0, %c0_i32 : i32, i32
  }
  func.func @transform_1(%arg0: i32, %arg1: memref<20xi32, #tpu.memory_space<smem>>) -> (i32, i32, i32) {
    %get3A = arith.index_cast %arg0 : i32 to index
    %get3A_0 = memref.load %arg1[%get3A] : memref<20xi32, #tpu.memory_space<smem>>
    %c0_i32 = arith.constant 0 : i32
    %c0_i32_1 = arith.constant 0 : i32
    %c0_i32_2 = arith.constant 0 : i32
    return %get3A_0, %c0_i32, %c0_i32_1 : i32, i32, i32
  }
  func.func @transform_2(%arg0: i32, %arg1: memref<20xi32, #tpu.memory_space<smem>>) -> (i32, i32, i32) {
    %get3A = arith.index_cast %arg0 : i32 to index
    %get3A_0 = memref.load %arg1[%get3A] : memref<20xi32, #tpu.memory_space<smem>>
    %c0_i32 = arith.constant 0 : i32
    %c0_i32_1 = arith.constant 0 : i32
    %c0_i32_2 = arith.constant 0 : i32
    return %get3A_0, %c0_i32, %c0_i32_1 : i32, i32, i32
  }
  func.func @transform_3(%arg0: i32, %arg1: memref<20xi32, #tpu.memory_space<smem>>) -> (i32, i32, i32) {
    %get3A = arith.index_cast %arg0 : i32 to index
    %get3A_0 = memref.load %arg1[%get3A] : memref<20xi32, #tpu.memory_space<smem>>
    %c0_i32 = arith.constant 0 : i32
    %c0_i32_1 = arith.constant 0 : i32
    %c0_i32_2 = arith.constant 0 : i32
    return %get3A_0, %c0_i32, %c0_i32_1 : i32, i32, i32
  }
  func.func @transform_4(%arg0: i32, %arg1: memref<20xi32, #tpu.memory_space<smem>>) -> (i32, i32, i32) {
    %get3A = arith.index_cast %arg0 : i32 to index
    %get3A_0 = memref.load %arg1[%get3A] : memref<20xi32, #tpu.memory_space<smem>>
    %c0_i32 = arith.constant 0 : i32
    %c0_i32_1 = arith.constant 0 : i32
    %c0_i32_2 = arith.constant 0 : i32
    return %get3A_0, %c0_i32, %c0_i32_1 : i32, i32, i32
  }
  func.func @transform_5(%arg0: i32, %arg1: memref<20xi32, #tpu.memory_space<smem>>) -> (i32, i32) {
    %add3A = arith.constant 0 : i32
    %add3A_0 = arith.addi %arg0, %add3A : i32
    %c0_i32 = arith.constant 0 : i32
    %c0_i32_1 = arith.constant 0 : i32
    return %add3A_0, %c0_i32 : i32, i32
  }
}

module attributes {stable_mosaic.version = 14 : i64} {
  func.func @_lambda_(%arg0: i32, %arg1: memref<20xi32, #tpu.memory_space<smem>>, %arg2: memref<128x768xf32, #tpu.memory_space<vmem>>, %arg3: memref<1x768x1536xf32, #tpu.memory_space<vmem>>, %arg4: memref<1x1x1536xf32, #tpu.memory_space<vmem>>, %arg5: memref<1x768x768xf32, #tpu.memory_space<vmem>>, %arg6: memref<1x1x768xf32, #tpu.memory_space<vmem>>, %arg7: memref<5120x768xf32, #tpu.memory_space<any>>, %arg8: memref<128x768xf32, #tpu.memory_space<vmem>>, %arg9: memref<768x1536xbf16, #tpu.memory_space<vmem>>, %arg10: memref<768x768xbf16, #tpu.memory_space<vmem>>) attributes {dimension_semantics = [#tpu.dimension_semantics<arbitrary>], iteration_bounds = array<i64: 20>, scalar_prefetch = 1 : i64, scratch_operands = 2 : i64, tpu.core_type = #tpu.core_type<tc>, window_params = [{transform_indices = @transform_0, window_bounds = array<i64: 128, 768>}, {transform_indices = @transform_1, window_bounds = array<i64: 1, 768, 1536>}, {transform_indices = @transform_2, window_bounds = array<i64: 1, 1, 1536>}, {transform_indices = @transform_3, window_bounds = array<i64: 1, 768, 768>}, {transform_indices = @transform_4, window_bounds = array<i64: 1, 1, 768>}, {}, {transform_indices = @transform_6, window_bounds = array<i64: 128, 768>}]} {
    %eq3A = arith.constant 0 : i32
    %eq3A_0 = arith.cmpi eq, %arg0, %eq3A : i32
    %get3A = arith.index_cast %arg0 : i32 to index
    %get3A_1 = memref.load %arg1[%get3A] : memref<20xi32, #tpu.memory_space<smem>>
    %sub3A = arith.constant 1 : i32
    %sub3A_2 = arith.subi %arg0, %sub3A : i32
    %max3A = arith.constant 0 : i32
    %max3A_3 = arith.maxsi %sub3A_2, %max3A : i32
    %get3A_4 = arith.index_cast %max3A_3 : i32 to index
    %get3A_5 = memref.load %arg1[%get3A_4] : memref<20xi32, #tpu.memory_space<smem>>
    %ne3A = arith.cmpi ne, %get3A_1, %get3A_5 : i32
    %or3A = arith.ori %eq3A_0, %ne3A : i1
    %convert_element_type3A = arith.extui %or3A : i1 to i32
    %cond3A = arith.constant 0 : i32
    %cond3A_6 = arith.cmpi ne, %convert_element_type3A, %cond3A : i32
    scf.if %cond3A_6 {
      %get3A_54 = arith.constant 0 : index
      %get3A_55 = arith.constant 0 : index
      %get3A_56 = arith.constant 0 : index
      %get3A_57 = vector.load %arg3[%get3A_54, %get3A_55, %get3A_56] : memref<1x768x1536xf32, #tpu.memory_space<vmem>>, vector<1x768x1536xf32>
      %get3A_58 = vector.shape_cast %get3A_57 : vector<1x768x1536xf32> to vector<768x1536xf32>
      %convert_element_type3A_59 = arith.truncf %get3A_58 : vector<768x1536xf32> to vector<768x1536xbf16>
      %swap3A_60 = arith.constant 0 : index
      %swap3A_61 = arith.constant 0 : index
      %swap3A_62 = vector.load %arg9[%swap3A_60, %swap3A_61] : memref<768x1536xbf16, #tpu.memory_space<vmem>>, vector<768x1536xbf16>
      tpu.vector_store %arg9[%swap3A_60, %swap3A_61], %convert_element_type3A_59 {strides = array<i32>} : memref<768x1536xbf16, #tpu.memory_space<vmem>>, vector<768x1536xbf16>,
      %get3A_63 = arith.constant 0 : index
      %get3A_64 = arith.constant 0 : index
      %get3A_65 = arith.constant 0 : index
      %get3A_66 = vector.load %arg5[%get3A_63, %get3A_64, %get3A_65] : memref<1x768x768xf32, #tpu.memory_space<vmem>>, vector<1x768x768xf32>
      %get3A_67 = vector.shape_cast %get3A_66 : vector<1x768x768xf32> to vector<768x768xf32>
      %convert_element_type3A_68 = arith.truncf %get3A_67 : vector<768x768xf32> to vector<768x768xbf16>
      %swap3A_69 = arith.constant 0 : index
      %swap3A_70 = arith.constant 0 : index
      %swap3A_71 = vector.load %arg10[%swap3A_69, %swap3A_70] : memref<768x768xbf16, #tpu.memory_space<vmem>>, vector<768x768xbf16>
      tpu.vector_store %arg10[%swap3A_69, %swap3A_70], %convert_element_type3A_68 {strides = array<i32>} : memref<768x768xbf16, #tpu.memory_space<vmem>>, vector<768x768xbf16>,
    } else {
    }
    %get3A_7 = arith.constant 0 : index
    %get3A_8 = arith.constant 0 : index
    %get3A_9 = vector.load %arg2[%get3A_7, %get3A_8] : memref<128x768xf32, #tpu.memory_space<vmem>>, vector<128x768xf32>
    %convert_element_type3A_10 = arith.truncf %get3A_9 : vector<128x768xf32> to vector<128x768xbf16>
    %get3A_11 = arith.constant 0 : index
    %get3A_12 = arith.constant 0 : index
    %get3A_13 = vector.load %arg9[%get3A_11, %get3A_12] : memref<768x1536xbf16, #tpu.memory_space<vmem>>, vector<768x1536xbf16>
    %dot_general3A = arith.constant dense<0.000000e+00> : vector<128x1536xf32>
    %dot_general3A_14 = tpu.matmul %convert_element_type3A_10, %get3A_13, %dot_general3A {dimension_numbers = #tpu.dot_dimension_numbers<[1], [0], [0], [1], [0, 0, 1, 1], [], []>, transpose_lhs_hint = false} : vector<128x768xbf16>, vector<768x1536xbf16>, vector<128x1536xf32> -> vector<128x1536xf32>
    %get3A_15 = arith.constant 0 : index
    %get3A_16 = arith.constant 0 : index
    %get3A_17 = arith.constant 0 : index
    %get3A_18 = vector.load %arg4[%get3A_15, %get3A_16, %get3A_17] : memref<1x1x1536xf32, #tpu.memory_space<vmem>>, vector<1x1x1536xf32>
    %get3A_19 = vector.shape_cast %get3A_18 : vector<1x1x1536xf32> to vector<1x1536xf32>
    %add3A = vector.broadcast %get3A_19 : vector<1x1536xf32> to vector<128x1536xf32>
    %add3A_20 = arith.addf %dot_general3A_14, %add3A : vector<128x1536xf32>
    %min3A = arith.constant 7.000000e+00 : f32
    %min3A_21 = vector.broadcast %min3A : f32 to vector<128x1536xf32>
    %min3A_22 = arith.minimumf %add3A_20, %min3A_21 : vector<128x1536xf32>
    %slice3A = vector.extract_strided_slice %min3A_22 {offsets = [0, 0], sizes = [128, 768], strides = [1, 1]} : vector<128x1536xf32> to vector<128x768xf32>
    %slice3A_23 = vector.extract_strided_slice %min3A_22 {offsets = [0, 768], sizes = [128, 768], strides = [1, 1]} : vector<128x1536xf32> to vector<128x768xf32>
    %max3A_24 = arith.constant -7.000000e+00 : f32
    %max3A_25 = vector.broadcast %max3A_24 : f32 to vector<128x768xf32>
    %max3A_26 = arith.maximumf %slice3A_23, %max3A_25 : vector<128x768xf32>
    %mul3A = arith.constant 1.702000e+00 : f32
    %mul3A_27 = vector.broadcast %mul3A : f32 to vector<128x768xf32>
    %mul3A_28 = arith.mulf %slice3A, %mul3A_27 : vector<128x768xf32>
    %logistic3A = arith.negf %mul3A_28 : vector<128x768xf32>
    %logistic3A_29 = math.exp %logistic3A : vector<128x768xf32>
    %logistic3A_30 = arith.constant 1.000000e+00 : f32
    %logistic3A_31 = vector.broadcast %logistic3A_30 : f32 to vector<128x768xf32>
    %logistic3A_32 = arith.addf %logistic3A_31, %logistic3A_29 : vector<128x768xf32>
    %logistic3A_33 = arith.divf %logistic3A_31, %logistic3A_32 : vector<128x768xf32>
    %mul3A_34 = arith.mulf %slice3A, %logistic3A_33 : vector<128x768xf32>
    %add3A_35 = arith.constant 1.000000e+00 : f32
    %add3A_36 = vector.broadcast %add3A_35 : f32 to vector<128x768xf32>
    %add3A_37 = arith.addf %max3A_26, %add3A_36 : vector<128x768xf32>
    %mul3A_38 = arith.mulf %add3A_37, %mul3A_34 : vector<128x768xf32>
    %convert_element_type3A_39 = arith.truncf %mul3A_38 : vector<128x768xf32> to vector<128x768xbf16>
    %get3A_40 = arith.constant 0 : index
    %get3A_41 = arith.constant 0 : index
    %get3A_42 = vector.load %arg10[%get3A_40, %get3A_41] : memref<768x768xbf16, #tpu.memory_space<vmem>>, vector<768x768xbf16>
    %dot_general3A_43 = arith.constant dense<0.000000e+00> : vector<128x768xf32>
    %dot_general3A_44 = tpu.matmul %convert_element_type3A_39, %get3A_42, %dot_general3A_43 {dimension_numbers = #tpu.dot_dimension_numbers<[1], [0], [0], [1], [0, 0, 1, 1], [], []>, transpose_lhs_hint = false} : vector<128x768xbf16>, vector<768x768xbf16>, vector<128x768xf32> -> vector<128x768xf32>
    %get3A_45 = arith.constant 0 : index
    %get3A_46 = arith.constant 0 : index
    %get3A_47 = arith.constant 0 : index
    %get3A_48 = vector.load %arg6[%get3A_45, %get3A_46, %get3A_47] : memref<1x1x768xf32, #tpu.memory_space<vmem>>, vector<1x1x768xf32>
    %get3A_49 = vector.shape_cast %get3A_48 : vector<1x1x768xf32> to vector<1x768xf32>
    %add3A_50 = vector.broadcast %get3A_49 : vector<1x768xf32> to vector<128x768xf32>
    %add3A_51 = arith.addf %dot_general3A_44, %add3A_50 : vector<128x768xf32>
    %swap3A = arith.constant 0 : index
    %swap3A_52 = arith.constant 0 : index
    %swap3A_53 = vector.load %arg8[%swap3A, %swap3A_52] : memref<128x768xf32, #tpu.memory_space<vmem>>, vector<128x768xf32>
    tpu.vector_store %arg8[%swap3A, %swap3A_52], %add3A_51 {strides = array<i32>} : memref<128x768xf32, #tpu.memory_space<vmem>>, vector<128x768xf32>,
    return
  }
  func.func @transform_0(%arg0: i32, %arg1: memref<20xi32, #tpu.memory_space<smem>>) -> (i32, i32) {
    %c0_i32 = arith.constant 0 : i32
    %c0_i32_0 = arith.constant 0 : i32
    return %arg0, %c0_i32 : i32, i32
  }
  func.func @transform_1(%arg0: i32, %arg1: memref<20xi32, #tpu.memory_space<smem>>) -> (i32, i32, i32) {
    %get3A = arith.index_cast %arg0 : i32 to index
    %get3A_0 = memref.load %arg1[%get3A] : memref<20xi32, #tpu.memory_space<smem>>
    %c0_i32 = arith.constant 0 : i32
    %c0_i32_1 = arith.constant 0 : i32
    %c0_i32_2 = arith.constant 0 : i32
    return %get3A_0, %c0_i32, %c0_i32_1 : i32, i32, i32
  }
  func.func @transform_2(%arg0: i32, %arg1: memref<20xi32, #tpu.memory_space<smem>>) -> (i32, i32, i32) {
    %get3A = arith.index_cast %arg0 : i32 to index
    %get3A_0 = memref.load %arg1[%get3A] : memref<20xi32, #tpu.memory_space<smem>>
    %c0_i32 = arith.constant 0 : i32
    %c0_i32_1 = arith.constant 0 : i32
    %c0_i32_2 = arith.constant 0 : i32
    return %get3A_0, %c0_i32, %c0_i32_1 : i32, i32, i32
  }
  func.func @transform_3(%arg0: i32, %arg1: memref<20xi32, #tpu.memory_space<smem>>) -> (i32, i32, i32) {
    %get3A = arith.index_cast %arg0 : i32 to index
    %get3A_0 = memref.load %arg1[%get3A] : memref<20xi32, #tpu.memory_space<smem>>
    %c0_i32 = arith.constant 0 : i32
    %c0_i32_1 = arith.constant 0 : i32
    %c0_i32_2 = arith.constant 0 : i32
    return %get3A_0, %c0_i32, %c0_i32_1 : i32, i32, i32
  }
  func.func @transform_4(%arg0: i32, %arg1: memref<20xi32, #tpu.memory_space<smem>>) -> (i32, i32, i32) {
    %get3A = arith.index_cast %arg0 : i32 to index
    %get3A_0 = memref.load %arg1[%get3A] : memref<20xi32, #tpu.memory_space<smem>>
    %c0_i32 = arith.constant 0 : i32
    %c0_i32_1 = arith.constant 0 : i32
    %c0_i32_2 = arith.constant 0 : i32
    return %get3A_0, %c0_i32, %c0_i32_1 : i32, i32, i32
  }
  func.func @transform_6(%arg0: i32, %arg1: memref<20xi32, #tpu.memory_space<smem>>) -> (i32, i32) {
    %add3A = arith.constant 20 : i32
    %add3A_0 = arith.addi %arg0, %add3A : i32
    %c0_i32 = arith.constant 0 : i32
    %c0_i32_1 = arith.constant 0 : i32
    return %add3A_0, %c0_i32 : i32, i32
  }
}

</mosaic_0001>

<sc_bundles>
// kernel: gather_half0.3.cloned.1.call-start
scs
__scs_entry_jumppad:
0x0: {  	(pc) =	sbr.rel $0x88, $3  }
0x1: {  	(tag) =	ssettag $0x0;
	lr =	simm.s32 $0x1  }
0x2: {  	[smem:$0x3F9A] =	sst lr;
	_ =	strace $0xD0000000  }
0x3: {  	_ = 	snop  }
0x4: {  	_ = 	snop  }
0x5: {  	_ = 	snop  }
0x6: {  	_ = 	snop  }
0x7: {  	_ = 	snop  }
__scs_overlays_trampoline_lowered:
0x8: {  	[smem:$0x3FA9] =	sst s0  }
0x9: {  	[smem:$0x3FAA] =	sst s1  }
0xa: {  	[smem:$0x3FAB] =	sst s2  }
0xb: {  	[smem:$0x3FAC] =	sst s3  }
0xc: {  	[smem:$0x3FAD] =	sst s4  }
0xd: {  	[smem:$0x3FAE] =	sst s5  }
0xe: {  	[smem:$0x3FAF] =	sst s6  }
0xf: {  	[smem:$0x3FB0] =	sst s7  }
0x10: {  	[smem:$0x3FB1] =	sst s8  }
0x11: {  	[smem:$0x3FB2] =	sst s9;
	s0 =	simm.s32 @!p0 $0x0  }
0x12: {  	s1 =	sld [smem:$0x3F98];
	s0 =	simm.s32 @p0 $0x1  }
0x13: {  	[smem:$0x3FB3] =	sst s0;
	s0 =	simm.s32 @!p1 $0x0  }
0x14: {  	s2 =	sld [smem:$0x3F97];
	s0 =	simm.s32 @p1 $0x1  }
0x15: {  	[smem:$0x3FB4] =	sst s0;
	s0 =	simm.s32 @!p2 $0x0  }
0x16: {  	s3 =	sld [smem:$0x3FDB];
	s0 =	simm.s32 @p2 $0x1  }
0x17: {  	s4 =	simm.s32 $0x1BF5;
	[smem:$0x3FB6] =	sst s0  }
0x18: {  	s0 =	sld [smem:$0x3F99];
	_ =	swait.ge [sflag:s4], $0x0  }
0x19: {  	s7 =	sld [smem:$0x3F9A]  }
0x1a: {  	s8 =	sadd.s32 $0xFFFFE003, lr  }
0x1b: {  	s9 =	sadd.s32 $0xFFFFFEF7, lr;
	s5 =	simm.s32 $0xFFFFFFFF;
	p2 =	slt.u32 s8, $0xFFFFF086  }
0x1c: {  	p1 =	slt.u32 s9, $0xF7A;
	s5 =	simm.s32 @!p2 $0x0  }
0x1d: {  	s5 =	simm.s32 @p1 $0x1;
	p0 =	seq.s32 s7, s2  }
0x1e: {  	s7 =	smul.u32 @!p0 $0xF7A, s2;
	p2 =	seq.s32 @!p0 s5, $0x0  }
0x1f: {  	s9 =	smul.u32 $0xF7A, s1;
	s8 =	simm.s32 @!p0 $0x1BF5;
	p2 =	por !p2, p0  }
0x20: {  	[sflag:s8] =	ssyncset.s32 @!p0 $0xFFFFF086;
	s6 =	sadd.s32 @!p0 s3, s7;
	s7 =	simm.s32 @!p0 $0x108  }
0x21: {  	s3 =	sadd.s32 s3, s9;
	s6 =	sadd.s32 @!p0 $0x88, s6;
	s7 =	simm.s32 @p2 $0x1082  }
0x22: {  	[simem:s7], [sflag:s8] =	dma.local @!p0 [hbm:s6], $0xF7A  }
0x23: {  	s9 =	sor.u32 $0xD0000000, s2;
	s6 =	simm.s32 $0x108;
	_ =	swait.ge @!p0 [sflag:s8], $0x0  }
0x24: {  	s3 =	sadd.s32 $0x88, s3;
	s6 =	simm.s32 @!p1 $0x1082;
	[sflag:s4] =	ssyncset.s32 $0xFFFFF086  }
0x25: {  	[simem:s6], [sflag:s4] =	dma.local [hbm:s3], $0xF7A  }
0x26: {  	[smem:$0x3F9A] =	sst s1;
	(tag) =	ssettag s2;
	_ =	strace s9  }
0x27: {  	s1 =	sld [smem:$0x3FAA]  }
0x28: {  	s2 =	sld [smem:$0x3FAB]  }
0x29: {  	s4 =	sld [smem:$0x3FAD]  }
0x2a: {  	p0 =	seq.s32 s5, $0x0;
	s5 =	sld [smem:$0x3FAE]  }
0x2b: {  	s6 =	sld [smem:$0x3FAF]  }
0x2c: {  	s7 =	sld [smem:$0x3FB0]  }
0x2d: {  	s3 =	simm.s32 $0x108;
	s8 =	sld [smem:$0x3FB1]  }
0x2e: {  	s3 =	simm.s32 @!p0 $0x1082;
	s9 =	sld [smem:$0x3FB2]  }
0x2f: {  	lr =	sadd.s32 s0, s3;
	s0 =	sld [smem:$0x3FA9]  }
0x30: {  	s3 =	sld [smem:$0x3FAC]  }
0x31: {  	[smem:$0x3FB5] =	sst s10  }
0x32: {  	s10 =	sld [smem:$0x3FB3];
	_ =	sdelay $0x3  }
0x33: {  	p0 =	seq.s32 s10, $0x1;
	s10 =	sld [smem:$0x3FB5];
	_ =	sdelay $0x3  }
0x34: {  	[smem:$0x3FB5] =	sst s10  }
0x35: {  	s10 =	sld [smem:$0x3FB4];
	_ =	sdelay $0x3  }
0x36: {  	p1 =	seq.s32 s10, $0x1;
	s10 =	sld [smem:$0x3FB5];
	_ =	sdelay $0x3  }
0x37: {  	[smem:$0x3FB5] =	sst s10  }
0x38: {  	s10 =	sld [smem:$0x3FB6]  }
0x39: {  	_ = 	snop;
	(pc) =	sbr.ind lr, $3  }
0x3a: {  	_ = 	snop  }
0x3b: {  	_ = 	snop  }
0x3c: {  	p2 =	seq.s32 s10, $0x1;
	s10 =	sld [smem:$0x3FB5]  }
0x3d: {  	_ =	shalt  }
0x3e: {  	_ =	shalt  }
0x3f: {  	_ =	shalt  }
0x40: {  	_ =	shalt  }
0x41: {  	_ =	shalt  }
0x42: {  	_ =	shalt  }
0x43: {  	_ =	shalt  }
0x44: {  	_ =	shalt  }
0x45: {  	_ =	shalt  }
0x46: {  	_ =	shalt  }
0x47: {  	_ =	shalt  }
0x48: {  	_ =	shalt  }
0x49: {  	_ =	shalt  }
0x4a: {  	_ =	shalt  }
0x4b: {  	_ =	shalt  }
0x4c: {  	_ =	shalt  }
0x4d: {  	_ =	shalt  }
0x4e: {  	_ =	shalt  }
0x4f: {  	_ =	shalt  }
0x50: {  	_ =	shalt  }
0x51: {  	_ =	shalt  }
0x52: {  	_ =	shalt  }
0x53: {  	_ =	shalt  }
0x54: {  	_ =	shalt  }
0x55: {  	_ =	shalt  }
0x56: {  	_ =	shalt  }
0x57: {  	_ =	shalt  }
0x58: {  	_ =	shalt  }
0x59: {  	_ =	shalt  }
0x5a: {  	_ =	shalt  }
0x5b: {  	_ =	shalt  }
0x5c: {  	_ =	shalt  }
0x5d: {  	_ =	shalt  }
0x5e: {  	_ =	shalt  }
0x5f: {  	_ =	shalt  }
0x60: {  	_ =	shalt  }
0x61: {  	_ =	shalt  }
0x62: {  	_ =	shalt  }
0x63: {  	_ =	shalt  }
0x64: {  	_ =	shalt  }
0x65: {  	_ =	shalt  }
0x66: {  	_ =	shalt  }
0x67: {  	_ =	shalt  }
0x68: {  	_ =	shalt  }
0x69: {  	_ =	shalt  }
0x6a: {  	_ =	shalt  }
0x6b: {  	_ =	shalt  }
0x6c: {  	_ =	shalt  }
0x6d: {  	_ =	shalt  }
0x6e: {  	_ =	shalt  }
0x6f: {  	_ =	shalt  }
0x70: {  	_ =	shalt  }
0x71: {  	_ =	shalt  }
0x72: {  	_ =	shalt  }
0x73: {  	_ =	shalt  }
0x74: {  	_ =	shalt  }
0x75: {  	_ =	shalt  }
0x76: {  	_ =	shalt  }
0x77: {  	_ =	shalt  }
0x78: {  	_ =	shalt  }
0x79: {  	_ =	shalt  }
0x7a: {  	_ =	shalt  }
0x7b: {  	_ =	shalt  }
0x7c: {  	_ =	shalt  }
0x7d: {  	_ =	shalt  }
0x7e: {  	_ =	shalt  }
0x7f: {  	_ =	shalt  }
0x80: {  	_ =	shalt  }
0x81: {  	_ =	shalt  }
0x82: {  	_ =	shalt  }
0x83: {  	_ =	shalt  }
0x84: {  	_ =	shalt  }
0x85: {  	_ =	shalt  }
0x86: {  	_ =	shalt  }
0x87: {  	_ =	shalt  }
.Lfunc_end0:
.L_simem_size_0:
called_computation.1_lowered:
.L_overlay_start_0:
0x88: {  	s2 =	sld [smem:$0x3FD9]  }
0x89: {  	s3 =	sld [smem:$0x3FFE];
	_ =	sdelay $0x1  }
0x8a: {  	s1 =	srdreg.scid  }
0x8b: {  	s0 =	sand.u32 $0x1, s1  }
0x8c: {  	s14 =	sshll.u32 s0, $0xA;
	s2 =	sadd.s32 s3, s2  }
0x8d: {  	s2 =	sadd.s32 s2, s14  }
0x8e: {  	[smem:$0x3FC1] =	sst s2  }
0x8f: {  	_ = 	snop  }
0x90: {  	s2 =	sld [smem:$0x3FD0];
	_ =	sdelay $0x2  }
0x91: {  	s4 =	simm.s32 $0xB;
	s5 =	simm.s32 $0x10;
	s15 =	sld [smem:$0x3FC9]  }
0x92: {  	[smem:s5], [sflag:s4] =	dma.local [hbm:s2], $0x1  }
0x93: {  	_ =	swait.eq [sflag:s4], $0x1  }
0x94: {  	[sflag:s4] =	ssyncset.done $0x0  }
0x95: {  	[sflag:s4] =	ssyncadd.s32 $0xFFFFFFFF  }
0x96: {  	s16 =	sld [smem:$0x10];
	(tm) =	ssettm $0x1  }
0x97: {  	s17 =	sld [smem:$0x3FFB];
	_ =	sdelay $0x3  }
0x98: {  	_ =	strace s17  }
0x99: {  	s4 =	sld [smem:$0x3FFC];
	_ =	sdelay $0x3  }
0x9a: {  	_ =	strace s4  }
0x9b: {  	s4 =	sld [smem:$0x3FFD];
	_ =	sdelay $0x3  }
0x9c: {  	_ =	strace s4  }
0x9d: {  	_ =	strace $0x8FFFFFFF  }
0x9e: {  	s18 =	sld [smem:$0x3FDB];
	_ =	sdelay $0x1  }
0x9f: {  	s19 =	simm.s32 $_scs_section_size  }
0xa0: {  	s6 =	simm.s32 $_size__tile_overlayer_lowered;
	s7 =	simm.s32 $_tile_overlayer_lowered  }
0xa1: {  	s22 =	simm.s32 $0x1BFF;
	s21 =	sshll.u32 s7, $0x1;
	s4 =	sadd.s32 s19, s18  }
0xa2: {  	s8 =	simm.s32 $0x0;
	s20 =	sshll.u32 s6, $0x1;
	s6 =	sadd.s32 s21, s4  }
0xa3: {  	[timem:s8], [sflag:s22] =	dma.local [hbm:s6], s20  }
0xa4: {  	_ =	swait.ge [sflag:s22], s20  }
0xa5: {  	s5 =	ssub.s32 $0x0, s20;
	[sflag:s22] =	ssyncset.done $0x0  }
0xa6: {  	[sflag:s22] =	ssyncadd.s32 s5;
	_ =	sdelay $0x1  }
0xa7: {  	s23 =	simm.s32 $0x1B8B  }
0xa8: {  	_ =	swait.ge [sflag:s23], $0x1  }
0xa9: {  	[sflag:s23] =	ssyncset.done $0x0  }
0xaa: {  	s25 =	simm.s32 $0x1B8E;
	s24 =	sld [smem:$0x3FFE];
	[sflag:s23] =	ssyncadd.s32 $0xFFFFFFFF  }
0xab: {  	s26 =	simm.s32 $execute0_lowered;
	[smem:$0x3FD2] =	sst s25  }
0xac: {  	s6 =	sshll.u32 s26, $0x1;
	_ =	strace $0x80000049;
	[dreg:$0x1] =	wrdreg $0xFFFFFFFF  }
0xad: {  	s28 =	simm.s32 $_size_execute0_lowered;
	s4 =	sadd.s32 s4, s6;
	[dreg:$0x0] =	wrdreg $0x0  }
0xae: {  	s6 =	sshll.u32 s28, $0x1;
	[dreg:$0x2] =	wrdreg s4  }
0xaf: {  	[dreg:$0x3] =	wrdreg s6  }
0xb0: {  	[dreg:$0x4] =	wrdreg $0xC0  }
0xb1: {  	_ =	task [dreg:s8], $0x5FFFF  }
0xb2: {  	[dreg:$0x1] =	wrdreg $0xFFFFFFFF  }
0xb3: {  	[dreg:$0x0] =	wrdreg $0x60  }
0xb4: {  	[dreg:$0x2] =	wrdreg s15  }
0xb5: {  	[dreg:$0x3] =	wrdreg s16  }
0xb6: {  	[dreg:$0x4] =	wrdreg s24  }
0xb7: {  	[dreg:$0x5] =	wrdreg $0x9  }
0xb8: {  	_ =	task.clear_ibuf [dreg:s8], $0x6FFFF;
	_ =	strace $0x90000049  }
0xb9: {  	s29 =	simm.s32 $0x9;
	_ =	strace $0x8000004B  }
0xba: {  	_ =	swait.ge [sflag:s29], $0x1  }
0xbb: {  	[sflag:s29] =	ssyncadd.s32 $0xFFFFFFFF  }
0xbc: {  	_ =	strace $0x9000004B  }
0xbd: {  	_ =	sfence  }
0xbe: {  	s30 =	sld [smem:$0x0];
	_ =	sdelay $0x2  }
0xbf: {  	s31 =	sshll.u32 s1, $0xD;
	s1 =	sshrl.u32 s1, $0x2  }
0xc0: {  	s3 =	sand.u32 $0x4000, s31;
	s1 =	sadd.s32 s1, s30  }
0xc1: {  	s0 =	sor.u32 s3, s0;
	s1 =	sshll.u32 s1, $0x11  }
0xc2: {  	s0 =	sor.u32 s1, s0  }
0xc3: {  	s0 =	sadd.s32 $0x8F2B, s0  }
0xc4: {  	[sflag:s0] =	ssyncadd.remote.s32 $0x1  }
0xc5: {  	_ =	sfence.sel $0xFFFF  }
0xc6: {  	[dreg:$0x0] =	wrdreg $0xFFFFFFFF;
	(pc) =	sbr.abs _section_cstart, $3  }
0xc7: {  	[dreg:$0x1] =	wrdreg $0xFFFFFFFF  }
0xc8: {  	_ =	task.clear_ibuf [dreg:s8], $0x2FFFF;
	_ =	strace $0x9FFFFFFF  }
0xc9: {  	(tm) =	ssettm $0x7FFFFFFF  }
tec
execute0_lowered:
.L_overlay_start_1:
0x0: {  	(tag) =	ssettag $0x1  }
0x1: {  	s1 =	rddreg [dreg:$0x0]  }
0x2: {  	s2 =	srdreg.scid;
	s4 =	rddreg [dreg:$0x1]  }
0x3: {  	s0 =	stileid.u32;
	s6 =	rddreg [dreg:$0x2]  }
0x4: {  	s20 =	simm.s32 $0x880;
	s21 =	simm.s32 $0x1080;
	s22 =	simm.s32 $0x1880  }
0x5: {  	s23 =	simm.s32 $0x2080;
	s24 =	simm.s32 $0x2880;
	s25 =	simm.s32 $0x3080  }
0x6: {  	s8 =	simm.s32 $0x80;
	s26 =	simm.s32 $0x3880;
	s10 =	simm.s32 $0x4880  }
0x7: {  	s11 =	simm.s32 $0x5080;
	s2 =	sand.u32 $0x1, s2;
	s3 =	sshll.u32 s0, $0x1  }
0x8: {  	s12 =	simm.s32 $0x5880;
	s5 =	sor.u32 s2, s3;
	s3 =	simm.s32 $0x0  }
0x9: {  	s13 =	simm.s32 $0x6080;
	s14 =	simm.s32 $0x6880;
	[smem:$0x7FF] =	sst s3  }
0xa: {  	s15 =	simm.s32 $0x7080;
	_ =	strace $0x8000004A;
	[dreg:$0x6] =	wrdreg s20  }
0xb: {  	s16 =	simm.s32 $0x7880;
	s17 =	simm.s32 $0x8080;
	[dreg:$0x7] =	wrdreg s21  }
0xc: {  	s28 =	simm.s32 $0xD080;
	s29 =	simm.s32 $0xD880;
	[dreg:$0x8] =	wrdreg s22  }
0xd: {  	s30 =	simm.s32 $0xE080;
	s31 =	simm.s32 $0xE880;
	[dreg:$0x9] =	wrdreg s23  }
0xe: {  	s2 =	ssub.s32 $0x2, s2;
	s7 =	smul.u32 $0x1E00, s5;
	[dreg:$0xa] =	wrdreg s24  }
0xf: {  	s5 =	smul.u32 $0xA, s5;
	s19 =	sshrl.u32 s2, $0x1;
	[dreg:$0xb] =	wrdreg s25  }
0x10: {  	s2 =	ssub.s32 s2, s19;
	[dreg:$0xc] =	wrdreg s26;
	s19 =	simm.s32 $0x9080  }
0x11: {  	s20 =	simm.s32 $0x9880;
	s21 =	simm.s32 $0xA080;
	s22 =	simm.s32 $0xA880  }
0x12: {  	s23 =	simm.s32 $0xB080;
	s24 =	simm.s32 $0xB880;
	s25 =	simm.s32 $0xC080  }
0x13: {  	s26 =	simm.s32 $0xC880;
	s6 =	sadd.s32 s7, s6;
	s4 =	sadd.s32 s4, s5  }
0x14: {  	v2 =	vlaneseq.u32;
	s5 =	sadd.s32 $0x200, s1;
	s7 =	simm.s32 $0x2;
	[dreg:$0x4] =	wrdreg s4  }
0x15: {  	vm0 =	vmmov $0xffff;
	v1 =	vshrl.u32 v2, $0x3;
	s18 =	sadd.s32 $0x1600, s6;
	s4 =	sadd.s32 $0x100, s1;
	s6 =	smax.u32 s2, $0x1  }
0x16: {  	v0 =	vand.u32 $0x7, v2;
	v2 =	vor.u32 $0x8, v2;
	v1 =	vmul.u32 $0x8, v1;
	s2 =	simm.s32 $0x1;
	[dreg:$0x5] =	wrdreg s18;
	s18 =	simm.s32 $0x8880  }
.LBB2_1:
0x17: {  	s0 =	rddreg [dreg:$0x4]  }
0x18: {  	[tilespmem:s3], [sflag:$0x2] =	stream.linear.gather [hbm4b:s0+s3], $0x50, $0x38;
	[tilespmem:$0xF080] =	vst v63  }
0x19: {  	_ =	swait.ge [sflag:s7], $0x50  }
0x1a: {  	[sflag:s7] =	ssyncset.done $0x0  }
0x1b: {  	[sflag:s7] =	ssyncadd.s32 $0xFFFFFFB0  }
0x1c: {  	v3 =	vld [tilespmem:$0x0];
	_ =	sdelay $0x4  }
0x1d: {  	v4 =	vshrl.u32 v3, $0x3  }
0x1e: {  	v4 =	vmul.u32 $0x30, v4  }
0x1f: {  	v3 =	vand.u32 $0x7, v3  }
0x20: {  	v3 =	vor.u32 v3, v4  }
0x21: {  	v4 =	vperm.xlane v3, v0;
	_ =	sdelay $0x1  }
0x22: {  	v4 =	vadd.s32 v1, v4;
	_ =	sdelay $0x3  }
0x23: {  	v3 =	vperm.xlane v3, v2  }
0x24: {  	[tilespmem:s8], [sflag:$0x1] =	stream.indirect_vreg.gather [hbm4b:s1+s3], $0x80, v4, vm0, $0xb8;
	[tilespmem:$0xF080] =	vst v63  }
0x25: {  	s0 =	rddreg [dreg:$0x6];
	v3 =	vadd.s32 v1, v3  }
0x26: {  	[tilespmem:s0], [sflag:$0x1] =	stream.indirect_vreg.gather [hbm4b:s4+s3], $0x80, v4, vm0, $0xb8;
	[tilespmem:$0xF080] =	vst v63  }
0x27: {  	s9 =	rddreg [dreg:$0x7]  }
0x28: {  	[tilespmem:s9], [sflag:$0x1] =	stream.indirect_vreg.gather [hbm4b:s5+s3], $0x80, v4, vm0, $0xb8;
	[tilespmem:$0xF080] =	vst v63  }
0x29: {  	s0 =	rddreg [dreg:$0x8]  }
0x2a: {  	[tilespmem:s0], [sflag:$0x1] =	stream.indirect_vreg.gather [hbm4b:s1+s3], $0x80, v3, vm0, $0xb8;
	[tilespmem:$0xF080] =	vst v63  }
0x2b: {  	s9 =	rddreg [dreg:$0x9]  }
0x2c: {  	[tilespmem:s9], [sflag:$0x1] =	stream.indirect_vreg.gather [hbm4b:s4+s3], $0x80, v3, vm0, $0xb8;
	[tilespmem:$0xF080] =	vst v63  }
0x2d: {  	s0 =	rddreg [dreg:$0xa]  }
0x2e: {  	[tilespmem:s0], [sflag:$0x1] =	stream.indirect_vreg.gather [hbm4b:s5+s3], $0x80, v3, vm0, $0xb8;
	[tilespmem:$0xF080] =	vst v63  }
0x2f: {  	v3 =	vld [tilespmem:$0x10];
	_ =	sdelay $0x4  }
0x30: {  	v60 =	vshrl.u32 v3, $0x3  }
0x31: {  	v4 =	vmul.u32 $0x30, v60  }
0x32: {  	v3 =	vand.u32 $0x7, v3  }
0x33: {  	v3 =	vor.u32 v3, v4  }
0x34: {  	v4 =	vperm.xlane v3, v0;
	_ =	sdelay $0x1  }
0x35: {  	v4 =	vadd.s32 v1, v4;
	_ =	sdelay $0x3  }
0x36: {  	s0 =	rddreg [dreg:$0xb];
	v3 =	vperm.xlane v3, v2  }
0x37: {  	[tilespmem:s0], [sflag:$0x1] =	stream.indirect_vreg.gather [hbm4b:s1+s3], $0x80, v4, vm0, $0xb8;
	[tilespmem:$0xF080] =	vst v63  }
0x38: {  	s9 =	rddreg [dreg:$0xc];
	v3 =	vadd.s32 v1, v3  }
0x39: {  	[tilespmem:s9], [sflag:$0x1] =	stream.indirect_vreg.gather [hbm4b:s4+s3], $0x80, v4, vm0, $0xb8;
	[tilespmem:$0xF080] =	vst v63  }
0x3a: {  	s9 =	simm.s32 $0x4080  }
0x3b: {  	[tilespmem:s9], [sflag:$0x1] =	stream.indirect_vreg.gather [hbm4b:s5+s3], $0x80, v4, vm0, $0xb8;
	[tilespmem:$0xF080] =	vst v63  }
0x3c: {  	_ = 	snop  }
0x3d: {  	[tilespmem:s10], [sflag:$0x1] =	stream.indirect_vreg.gather [hbm4b:s1+s3], $0x80, v3, vm0, $0xb8;
	[tilespmem:$0xF080] =	vst v63  }
0x3e: {  	_ = 	snop  }
0x3f: {  	[tilespmem:s11], [sflag:$0x1] =	stream.indirect_vreg.gather [hbm4b:s4+s3], $0x80, v3, vm0, $0xb8;
	[tilespmem:$0xF080] =	vst v63  }
0x40: {  	_ = 	snop  }
0x41: {  	[tilespmem:s12], [sflag:$0x1] =	stream.indirect_vreg.gather [hbm4b:s5+s3], $0x80, v3, vm0, $0xb8;
	[tilespmem:$0xF080] =	vst v63  }
0x42: {  	v3 =	vld [tilespmem:$0x20];
	_ =	sdelay $0x4  }
0x43: {  	v61 =	vshrl.u32 v3, $0x3  }
0x44: {  	v4 =	vmul.u32 $0x30, v61  }
0x45: {  	v3 =	vand.u32 $0x7, v3  }
0x46: {  	v3 =	vor.u32 v3, v4  }
0x47: {  	v4 =	vperm.xlane v3, v0;
	_ =	sdelay $0x1  }
0x48: {  	v4 =	vadd.s32 v1, v4;
	_ =	sdelay $0x3  }
0x49: {  	v3 =	vperm.xlane v3, v2  }
0x4a: {  	[tilespmem:s13], [sflag:$0x1] =	stream.indirect_vreg.gather [hbm4b:s1+s3], $0x80, v4, vm0, $0xb8;
	[tilespmem:$0xF080] =	vst v63  }
0x4b: {  	v3 =	vadd.s32 v1, v3  }
0x4c: {  	[tilespmem:s14], [sflag:$0x1] =	stream.indirect_vreg.gather [hbm4b:s4+s3], $0x80, v4, vm0, $0xb8;
	[tilespmem:$0xF080] =	vst v63  }
0x4d: {  	_ = 	snop  }
0x4e: {  	[tilespmem:s15], [sflag:$0x1] =	stream.indirect_vreg.gather [hbm4b:s5+s3], $0x80, v4, vm0, $0xb8;
	[tilespmem:$0xF080] =	vst v63  }
0x4f: {  	_ = 	snop  }
0x50: {  	[tilespmem:s16], [sflag:$0x1] =	stream.indirect_vreg.gather [hbm4b:s1+s3], $0x80, v3, vm0, $0xb8;
	[tilespmem:$0xF080] =	vst v63  }
0x51: {  	_ = 	snop  }
0x52: {  	[tilespmem:s17], [sflag:$0x1] =	stream.indirect_vreg.gather [hbm4b:s4+s3], $0x80, v3, vm0, $0xb8;
	[tilespmem:$0xF080] =	vst v63  }
0x53: {  	_ = 	snop  }
0x54: {  	[tilespmem:s18], [sflag:$0x1] =	stream.indirect_vreg.gather [hbm4b:s5+s3], $0x80, v3, vm0, $0xb8;
	[tilespmem:$0xF080] =	vst v63  }
0x55: {  	v3 =	vld [tilespmem:$0x30];
	_ =	sdelay $0x4  }
0x56: {  	v62 =	vshrl.u32 v3, $0x3  }
0x57: {  	v4 =	vmul.u32 $0x30, v62  }
0x58: {  	v3 =	vand.u32 $0x7, v3  }
0x59: {  	v3 =	vor.u32 v3, v4  }
0x5a: {  	v4 =	vperm.xlane v3, v0;
	_ =	sdelay $0x1  }
0x5b: {  	v4 =	vadd.s32 v1, v4;
	_ =	sdelay $0x3  }
0x5c: {  	v3 =	vperm.xlane v3, v2  }
0x5d: {  	[tilespmem:s19], [sflag:$0x1] =	stream.indirect_vreg.gather [hbm4b:s1+s3], $0x80, v4, vm0, $0xb8;
	[tilespmem:$0xF080] =	vst v63  }
0x5e: {  	v3 =	vadd.s32 v1, v3  }
0x5f: {  	[tilespmem:s20], [sflag:$0x1] =	stream.indirect_vreg.gather [hbm4b:s4+s3], $0x80, v4, vm0, $0xb8;
	[tilespmem:$0xF080] =	vst v63  }
0x60: {  	_ = 	snop  }
0x61: {  	[tilespmem:s21], [sflag:$0x1] =	stream.indirect_vreg.gather [hbm4b:s5+s3], $0x80, v4, vm0, $0xb8;
	[tilespmem:$0xF080] =	vst v63  }
0x62: {  	_ = 	snop  }
0x63: {  	[tilespmem:s22], [sflag:$0x1] =	stream.indirect_vreg.gather [hbm4b:s1+s3], $0x80, v3, vm0, $0xb8;
	[tilespmem:$0xF080] =	vst v63  }
0x64: {  	_ = 	snop  }
0x65: {  	[tilespmem:s23], [sflag:$0x1] =	stream.indirect_vreg.gather [hbm4b:s4+s3], $0x80, v3, vm0, $0xb8;
	[tilespmem:$0xF080] =	vst v63  }
0x66: {  	_ = 	snop  }
0x67: {  	[tilespmem:s24], [sflag:$0x1] =	stream.indirect_vreg.gather [hbm4b:s5+s3], $0x80, v3, vm0, $0xb8;
	[tilespmem:$0xF080] =	vst v63  }
0x68: {  	v3 =	vld [tilespmem:$0x40];
	_ =	sdelay $0x4  }
0x69: {  	v63 =	vshrl.u32 v3, $0x3  }
0x6a: {  	v4 =	vmul.u32 $0x30, v63  }
0x6b: {  	v3 =	vand.u32 $0x7, v3  }
0x6c: {  	v3 =	vor.u32 v3, v4  }
0x6d: {  	v4 =	vperm.xlane v3, v0;
	_ =	sdelay $0x1  }
0x6e: {  	v4 =	vadd.s32 v1, v4;
	_ =	sdelay $0x3  }
0x6f: {  	v3 =	vperm.xlane v3, v2  }
0x70: {  	[tilespmem:s25], [sflag:$0x1] =	stream.indirect_vreg.gather [hbm4b:s1+s3], $0x80, v4, vm0, $0xb8;
	[tilespmem:$0xF080] =	vst v63  }
0x71: {  	v3 =	vadd.s32 v1, v3  }
0x72: {  	[tilespmem:s26], [sflag:$0x1] =	stream.indirect_vreg.gather [hbm4b:s4+s3], $0x80, v4, vm0, $0xb8;
	[tilespmem:$0xF080] =	vst v63  }
0x73: {  	_ = 	snop  }
0x74: {  	[tilespmem:s28], [sflag:$0x1] =	stream.indirect_vreg.gather [hbm4b:s5+s3], $0x80, v4, vm0, $0xb8;
	[tilespmem:$0xF080] =	vst v63  }
0x75: {  	_ = 	snop  }
0x76: {  	[tilespmem:s29], [sflag:$0x1] =	stream.indirect_vreg.gather [hbm4b:s1+s3], $0x80, v3, vm0, $0xb8;
	[tilespmem:$0xF080] =	vst v63  }
0x77: {  	_ = 	snop  }
0x78: {  	[tilespmem:s30], [sflag:$0x1] =	stream.indirect_vreg.gather [hbm4b:s4+s3], $0x80, v3, vm0, $0xb8;
	[tilespmem:$0xF080] =	vst v63  }
0x79: {  	_ = 	snop  }
0x7a: {  	[tilespmem:s31], [sflag:$0x1] =	stream.indirect_vreg.gather [hbm4b:s5+s3], $0x80, v3, vm0, $0xb8;
	[tilespmem:$0xF080] =	vst v63  }
0x7b: {  	_ =	swait.ge [sflag:s2], $0xF000  }
0x7c: {  	p0 =	sne.s32 s6, $0x1;
	[sflag:s2] =	ssyncset.done $0x0  }
.Ltmp0:
0x7d: {  	s9 =	rddreg [dreg:$0x5];
	[sflag:s2] =	ssyncadd.s32 $0xFFFF1000;
	(pc) =	sbr.rel @p0 .LBB2_1-.Ltmp0, $4  }
0x7e: {  	[hbm4b:s9+s3] =	stream.linear.scatter [tilespmem:s8], [sflag:$0x2], $0xF000, $0x38;
	[tilespmem:$0xF080] =	vst v63  }
0x7f: {  	_ =	swait.ge [sflag:s7], $0xF000  }
0x80: {  	[sflag:s7] =	ssyncset.done $0x0  }
0x81: {  	s6 =	sadd.s32 $0xFFFFFFFF, s6;
	[sflag:s7] =	ssyncadd.s32 $0xFFFF1000  }
0x82: {  	_ =	sfence.sel $0x180000  }
0x83: {  	[bflag:$0x0] =	sbarrier.arrive $0xFFFF  }
0x84: {  	_ =	strace $0x9000004A  }
0x85: {  	s0 =	stileid.u32;
	[bflag:$0x2] =	sbarrier.arrive $0xFFFF  }
0x86: {  	p0 =	sne.s32 s0, $0x0;
	s0 =	rddreg [dreg:$0x3]  }
0x87: {  	s0 =	sadd.s32 @!p0 $0x100000, s0  }
0x88: {  	[sflag:s0] =	ssyncadd.tile.s32 @!p0 $0x1;
	_ =	shalt  }
.Lfunc_end2:
_tile_overlayer_lowered:
.L_overlay_start_2:
0x89: {  	(tag) =	ssettag $0x2  }
0x8a: {  	s0 =	rddreg [dreg:$0x0];
	s2 =	stileid.u32  }
0x8b: {  	s1 =	rddreg [dreg:$0x1];
	p0 =	sne.s32 s2, $0x0  }
0x8c: {  	s3 =	rddreg [dreg:$0x2];
	[bflag:$0x3] =	sbarrier.arrive $0xFFFF;
	s2 =	simm.s32 @!p0 $0x1C02  }
0x8d: {  	[timem:s3], [sflag:s2] =	dma.local @!p0 [hbm:s0], s1  }
0x8e: {  	s0 =	simm.s32 @!p0 $0x2  }
0x8f: {  	_ =	swait.ge @!p0 [sflag:s0], s1  }
0x90: {  	s1 =	ssub.s32 @!p0 $0x0, s1;
	[sflag:s0] =	ssyncset.done @!p0 $0x0  }
0x91: {  	[sflag:s0] =	ssyncadd.s32 @!p0 s1  }
0x92: {  	[bflag:$0x3] =	sbarrier.arrive $0xFFFF  }
0x93: {  	_ =	shalt  }

// kernel: gather_half1.3.cloned.1.call-start
scs
__scs_entry_jumppad:
0x0: {  	(pc) =	sbr.rel $0x88, $3  }
0x1: {  	(tag) =	ssettag $0x0;
	lr =	simm.s32 $0x1  }
0x2: {  	[smem:$0x3F9A] =	sst lr;
	_ =	strace $0xD0000000  }
0x3: {  	_ = 	snop  }
0x4: {  	_ = 	snop  }
0x5: {  	_ = 	snop  }
0x6: {  	_ = 	snop  }
0x7: {  	_ = 	snop  }
__scs_overlays_trampoline_lowered:
0x8: {  	[smem:$0x3FA9] =	sst s0  }
0x9: {  	[smem:$0x3FAA] =	sst s1  }
0xa: {  	[smem:$0x3FAB] =	sst s2  }
0xb: {  	[smem:$0x3FAC] =	sst s3  }
0xc: {  	[smem:$0x3FAD] =	sst s4  }
0xd: {  	[smem:$0x3FAE] =	sst s5  }
0xe: {  	[smem:$0x3FAF] =	sst s6  }
0xf: {  	[smem:$0x3FB0] =	sst s7  }
0x10: {  	[smem:$0x3FB1] =	sst s8  }
0x11: {  	[smem:$0x3FB2] =	sst s9;
	s0 =	simm.s32 @!p0 $0x0  }
0x12: {  	s1 =	sld [smem:$0x3F98];
	s0 =	simm.s32 @p0 $0x1  }
0x13: {  	[smem:$0x3FB3] =	sst s0;
	s0 =	simm.s32 @!p1 $0x0  }
0x14: {  	s2 =	sld [smem:$0x3F97];
	s0 =	simm.s32 @p1 $0x1  }
0x15: {  	[smem:$0x3FB4] =	sst s0;
	s0 =	simm.s32 @!p2 $0x0  }
0x16: {  	s3 =	sld [smem:$0x3FDB];
	s0 =	simm.s32 @p2 $0x1  }
0x17: {  	s4 =	simm.s32 $0x1BF5;
	[smem:$0x3FB6] =	sst s0  }
0x18: {  	s0 =	sld [smem:$0x3F99];
	_ =	swait.ge [sflag:s4], $0x0  }
0x19: {  	s7 =	sld [smem:$0x3F9A]  }
0x1a: {  	s8 =	sadd.s32 $0xFFFFE003, lr  }
0x1b: {  	s9 =	sadd.s32 $0xFFFFFEF7, lr;
	s5 =	simm.s32 $0xFFFFFFFF;
	p2 =	slt.u32 s8, $0xFFFFF086  }
0x1c: {  	p1 =	slt.u32 s9, $0xF7A;
	s5 =	simm.s32 @!p2 $0x0  }
0x1d: {  	s5 =	simm.s32 @p1 $0x1;
	p0 =	seq.s32 s7, s2  }
0x1e: {  	s7 =	smul.u32 @!p0 $0xF7A, s2;
	p2 =	seq.s32 @!p0 s5, $0x0  }
0x1f: {  	s9 =	smul.u32 $0xF7A, s1;
	s8 =	simm.s32 @!p0 $0x1BF5;
	p2 =	por !p2, p0  }
0x20: {  	[sflag:s8] =	ssyncset.s32 @!p0 $0xFFFFF086;
	s6 =	sadd.s32 @!p0 s3, s7;
	s7 =	simm.s32 @!p0 $0x108  }
0x21: {  	s3 =	sadd.s32 s3, s9;
	s6 =	sadd.s32 @!p0 $0x88, s6;
	s7 =	simm.s32 @p2 $0x1082  }
0x22: {  	[simem:s7], [sflag:s8] =	dma.local @!p0 [hbm:s6], $0xF7A  }
0x23: {  	s9 =	sor.u32 $0xD0000000, s2;
	s6 =	simm.s32 $0x108;
	_ =	swait.ge @!p0 [sflag:s8], $0x0  }
0x24: {  	s3 =	sadd.s32 $0x88, s3;
	s6 =	simm.s32 @!p1 $0x1082;
	[sflag:s4] =	ssyncset.s32 $0xFFFFF086  }
0x25: {  	[simem:s6], [sflag:s4] =	dma.local [hbm:s3], $0xF7A  }
0x26: {  	[smem:$0x3F9A] =	sst s1;
	(tag) =	ssettag s2;
	_ =	strace s9  }
0x27: {  	s1 =	sld [smem:$0x3FAA]  }
0x28: {  	s2 =	sld [smem:$0x3FAB]  }
0x29: {  	s4 =	sld [smem:$0x3FAD]  }
0x2a: {  	p0 =	seq.s32 s5, $0x0;
	s5 =	sld [smem:$0x3FAE]  }
0x2b: {  	s6 =	sld [smem:$0x3FAF]  }
0x2c: {  	s7 =	sld [smem:$0x3FB0]  }
0x2d: {  	s3 =	simm.s32 $0x108;
	s8 =	sld [smem:$0x3FB1]  }
0x2e: {  	s3 =	simm.s32 @!p0 $0x1082;
	s9 =	sld [smem:$0x3FB2]  }
0x2f: {  	lr =	sadd.s32 s0, s3;
	s0 =	sld [smem:$0x3FA9]  }
0x30: {  	s3 =	sld [smem:$0x3FAC]  }
0x31: {  	[smem:$0x3FB5] =	sst s10  }
0x32: {  	s10 =	sld [smem:$0x3FB3];
	_ =	sdelay $0x3  }
0x33: {  	p0 =	seq.s32 s10, $0x1;
	s10 =	sld [smem:$0x3FB5];
	_ =	sdelay $0x3  }
0x34: {  	[smem:$0x3FB5] =	sst s10  }
0x35: {  	s10 =	sld [smem:$0x3FB4];
	_ =	sdelay $0x3  }
0x36: {  	p1 =	seq.s32 s10, $0x1;
	s10 =	sld [smem:$0x3FB5];
	_ =	sdelay $0x3  }
0x37: {  	[smem:$0x3FB5] =	sst s10  }
0x38: {  	s10 =	sld [smem:$0x3FB6]  }
0x39: {  	_ = 	snop;
	(pc) =	sbr.ind lr, $3  }
0x3a: {  	_ = 	snop  }
0x3b: {  	_ = 	snop  }
0x3c: {  	p2 =	seq.s32 s10, $0x1;
	s10 =	sld [smem:$0x3FB5]  }
0x3d: {  	_ =	shalt  }
0x3e: {  	_ =	shalt  }
0x3f: {  	_ =	shalt  }
0x40: {  	_ =	shalt  }
0x41: {  	_ =	shalt  }
0x42: {  	_ =	shalt  }
0x43: {  	_ =	shalt  }
0x44: {  	_ =	shalt  }
0x45: {  	_ =	shalt  }
0x46: {  	_ =	shalt  }
0x47: {  	_ =	shalt  }
0x48: {  	_ =	shalt  }
0x49: {  	_ =	shalt  }
0x4a: {  	_ =	shalt  }
0x4b: {  	_ =	shalt  }
0x4c: {  	_ =	shalt  }
0x4d: {  	_ =	shalt  }
0x4e: {  	_ =	shalt  }
0x4f: {  	_ =	shalt  }
0x50: {  	_ =	shalt  }
0x51: {  	_ =	shalt  }
0x52: {  	_ =	shalt  }
0x53: {  	_ =	shalt  }
0x54: {  	_ =	shalt  }
0x55: {  	_ =	shalt  }
0x56: {  	_ =	shalt  }
0x57: {  	_ =	shalt  }
0x58: {  	_ =	shalt  }
0x59: {  	_ =	shalt  }
0x5a: {  	_ =	shalt  }
0x5b: {  	_ =	shalt  }
0x5c: {  	_ =	shalt  }
0x5d: {  	_ =	shalt  }
0x5e: {  	_ =	shalt  }
0x5f: {  	_ =	shalt  }
0x60: {  	_ =	shalt  }
0x61: {  	_ =	shalt  }
0x62: {  	_ =	shalt  }
0x63: {  	_ =	shalt  }
0x64: {  	_ =	shalt  }
0x65: {  	_ =	shalt  }
0x66: {  	_ =	shalt  }
0x67: {  	_ =	shalt  }
0x68: {  	_ =	shalt  }
0x69: {  	_ =	shalt  }
0x6a: {  	_ =	shalt  }
0x6b: {  	_ =	shalt  }
0x6c: {  	_ =	shalt  }
0x6d: {  	_ =	shalt  }
0x6e: {  	_ =	shalt  }
0x6f: {  	_ =	shalt  }
0x70: {  	_ =	shalt  }
0x71: {  	_ =	shalt  }
0x72: {  	_ =	shalt  }
0x73: {  	_ =	shalt  }
0x74: {  	_ =	shalt  }
0x75: {  	_ =	shalt  }
0x76: {  	_ =	shalt  }
0x77: {  	_ =	shalt  }
0x78: {  	_ =	shalt  }
0x79: {  	_ =	shalt  }
0x7a: {  	_ =	shalt  }
0x7b: {  	_ =	shalt  }
0x7c: {  	_ =	shalt  }
0x7d: {  	_ =	shalt  }
0x7e: {  	_ =	shalt  }
0x7f: {  	_ =	shalt  }
0x80: {  	_ =	shalt  }
0x81: {  	_ =	shalt  }
0x82: {  	_ =	shalt  }
0x83: {  	_ =	shalt  }
0x84: {  	_ =	shalt  }
0x85: {  	_ =	shalt  }
0x86: {  	_ =	shalt  }
0x87: {  	_ =	shalt  }
.Lfunc_end0:
.L_simem_size_0:
called_computation.2_lowered:
.L_overlay_start_0:
0x88: {  	s2 =	sld [smem:$0x3FD9]  }
0x89: {  	s3 =	sld [smem:$0x3FFE];
	_ =	sdelay $0x1  }
0x8a: {  	s1 =	srdreg.scid  }
0x8b: {  	s0 =	sand.u32 $0x1, s1  }
0x8c: {  	s15 =	sshll.u32 s0, $0xA;
	s2 =	sadd.s32 s3, s2  }
0x8d: {  	s2 =	sadd.s32 s2, s15  }
0x8e: {  	[smem:$0x3FC1] =	sst s2  }
0x8f: {  	_ = 	snop  }
0x90: {  	s16 =	sld [smem:$0x3FD0];
	_ =	sdelay $0x2  }
0x91: {  	s4 =	simm.s32 $0xB;
	s5 =	simm.s32 $0x10;
	s2 =	sld [smem:$0x3FC9]  }
0x92: {  	[smem:s5], [sflag:s4] =	dma.local [hbm:s16], $0x1  }
0x93: {  	_ =	swait.eq [sflag:s4], $0x1  }
0x94: {  	[sflag:s4] =	ssyncset.done $0x0  }
0x95: {  	[sflag:s4] =	ssyncadd.s32 $0xFFFFFFFF  }
0x96: {  	s17 =	sld [smem:$0x10];
	(tm) =	ssettm $0x1  }
0x97: {  	s18 =	sld [smem:$0x3FFB];
	_ =	sdelay $0x3  }
0x98: {  	_ =	strace s18  }
0x99: {  	s3 =	sld [smem:$0x3FFC];
	_ =	sdelay $0x3  }
0x9a: {  	_ =	strace s3  }
0x9b: {  	s3 =	sld [smem:$0x3FFD];
	_ =	sdelay $0x3  }
0x9c: {  	_ =	strace s3  }
0x9d: {  	_ =	strace $0x8FFFFFFF  }
0x9e: {  	s19 =	sld [smem:$0x3FDB];
	_ =	sdelay $0x1  }
0x9f: {  	s20 =	simm.s32 $_scs_section_size  }
0xa0: {  	s6 =	simm.s32 $_size__tile_overlayer_lowered;
	s7 =	simm.s32 $_tile_overlayer_lowered  }
0xa1: {  	s8 =	simm.s32 $0x1BFF;
	s21 =	sshll.u32 s7, $0x1;
	s5 =	sadd.s32 s20, s19  }
0xa2: {  	s22 =	simm.s32 $0x0;
	s6 =	sshll.u32 s6, $0x1;
	s7 =	sadd.s32 s21, s5  }
0xa3: {  	[timem:s22], [sflag:s8] =	dma.local [hbm:s7], s6  }
0xa4: {  	_ =	swait.ge [sflag:s8], s6  }
0xa5: {  	s6 =	ssub.s32 $0x0, s6;
	[sflag:s8] =	ssyncset.done $0x0  }
0xa6: {  	[sflag:s8] =	ssyncadd.s32 s6;
	_ =	sdelay $0x1  }
0xa7: {  	s23 =	simm.s32 $0x1B8B  }
0xa8: {  	_ =	swait.ge [sflag:s23], $0x1  }
0xa9: {  	[sflag:s23] =	ssyncset.done $0x0  }
0xaa: {  	[sflag:s23] =	ssyncadd.s32 $0xFFFFFFFF  }
0xab: {  	s6 =	sld [smem:$0x0]  }
0xac: {  	s7 =	sand.u32 $0xFFFFFFFE, s1  }
0xad: {  	p0 =	sne.s32 s1, s7  }
0xae: {  	s7 =	sshll.u32 @p0 s7, $0xE  }
0xaf: {  	s7 =	sadd.s32 @p0 $0x11B8D, s7;
	s8 =	sshll.u32 @p0 s6, $0x11  }
0xb0: {  	s7 =	sor.u32 @p0 s8, s7  }
0xb1: {  	[sflag:s7] =	ssyncadd.remote.s32 @p0 $0x1;
	_ =	sdelay $0x1  }
0xb2: {  	s7 =	simm.s32 @p0 $0x1B8D  }
0xb3: {  	_ =	swait.eq @p0 [sflag:s7], $0x1  }
0xb4: {  	[sflag:s7] =	ssyncadd.s32 @p0 $0xFFFFFFFF  }
0xb5: {  	s8 =	sshll.u32 @!p0 s1, $0xE  }
0xb6: {  	s8 =	sor.u32 @!p0 $0x4000, s8;
	s7 =	simm.s32 @!p0 $0x1B8D  }
0xb7: {  	s6 =	sshll.u32 @!p0 s6, $0x11;
	s8 =	sadd.s32 @!p0 $0x11B8D, s8;
	_ =	swait.eq @!p0 [sflag:s7], $0x1  }
0xb8: {  	s6 =	sor.u32 @!p0 s6, s8;
	[sflag:s7] =	ssyncadd.s32 @!p0 $0xFFFFFFFF  }
0xb9: {  	s25 =	simm.s32 $0x1B8E;
	s24 =	sld [smem:$0x3FFE];
	[sflag:s6] =	ssyncadd.remote.s32 @!p0 $0x1  }
0xba: {  	s26 =	simm.s32 $execute0_lowered;
	[smem:$0x3FD2] =	sst s25  }
0xbb: {  	s7 =	sshll.u32 s26, $0x1;
	_ =	strace $0x8000004C;
	[dreg:$0x1] =	wrdreg $0xFFFFFFFF  }
0xbc: {  	s28 =	simm.s32 $_size_execute0_lowered;
	s5 =	sadd.s32 s5, s7;
	[dreg:$0x0] =	wrdreg $0x0  }
0xbd: {  	s7 =	sshll.u32 s28, $0x1;
	[dreg:$0x2] =	wrdreg s5  }
0xbe: {  	[dreg:$0x3] =	wrdreg s7  }
0xbf: {  	[dreg:$0x4] =	wrdreg $0xC0  }
0xc0: {  	_ =	task [dreg:s22], $0x5FFFF  }
0xc1: {  	[dreg:$0x1] =	wrdreg $0xFFFFFFFF  }
0xc2: {  	[dreg:$0x0] =	wrdreg $0x60  }
0xc3: {  	[dreg:$0x2] =	wrdreg s2  }
0xc4: {  	[dreg:$0x3] =	wrdreg s17  }
0xc5: {  	[dreg:$0x4] =	wrdreg s24  }
0xc6: {  	[dreg:$0x5] =	wrdreg $0xA  }
0xc7: {  	_ =	task.clear_ibuf [dreg:s22], $0x6FFFF;
	_ =	strace $0x9000004C  }
0xc8: {  	s29 =	simm.s32 $0xA;
	_ =	strace $0x8000004E  }
0xc9: {  	_ =	swait.ge [sflag:s29], $0x1  }
0xca: {  	[sflag:s29] =	ssyncadd.s32 $0xFFFFFFFF  }
0xcb: {  	_ =	strace $0x9000004E  }
0xcc: {  	_ =	sfence  }
0xcd: {  	s30 =	sld [smem:$0x0];
	_ =	sdelay $0x2  }
0xce: {  	s31 =	sshll.u32 s1, $0xD;
	s1 =	sshrl.u32 s1, $0x2  }
0xcf: {  	s4 =	sand.u32 $0x4000, s31;
	s1 =	sadd.s32 s1, s30  }
0xd0: {  	s0 =	sor.u32 s4, s0;
	s1 =	sshll.u32 s1, $0x11  }
0xd1: {  	s0 =	sor.u32 s1, s0  }
0xd2: {  	s0 =	sadd.s32 $0x8F2B, s0  }
0xd3: {  	[sflag:s0] =	ssyncadd.remote.s32 $0x1  }
0xd4: {  	_ =	sfence.sel $0xFFFF  }
0xd5: {  	[dreg:$0x0] =	wrdreg $0xFFFFFFFF;
	(pc) =	sbr.abs _section_cstart, $3  }
0xd6: {  	[dreg:$0x1] =	wrdreg $0xFFFFFFFF  }
0xd7: {  	_ =	task.clear_ibuf [dreg:s22], $0x2FFFF;
	_ =	strace $0x9FFFFFFF  }
0xd8: {  	(tm) =	ssettm $0x7FFFFFFF  }
0xd9: {  	_ =	shalt  }
tec
execute0_lowered:
.L_overlay_start_1:
0x0: {  	(tag) =	ssettag $0x1  }
0x1: {  	s1 =	srdreg.scid;
	s4 =	rddreg [dreg:$0x1]  }
0x2: {  	s0 =	stileid.u32;
	s5 =	rddreg [dreg:$0x2]  }
0x3: {  	s20 =	simm.s32 $0x880;
	s21 =	simm.s32 $0x1080;
	s22 =	simm.s32 $0x1880  }
0x4: {  	s23 =	simm.s32 $0x2080;
	s24 =	simm.s32 $0x2880;
	s25 =	simm.s32 $0x3080  }
0x5: {  	s8 =	simm.s32 $0x80;
	s1 =	sand.u32 $0x1, s1;
	s2 =	sshll.u32 s0, $0x1  }
0x6: {  	s26 =	simm.s32 $0x3880;
	s10 =	simm.s32 $0x4880;
	s3 =	sor.u32 s1, s2  }
0x7: {  	s11 =	simm.s32 $0x5080;
	s12 =	simm.s32 $0x5880;
	s3 =	smul.u32 $0x50, s3  }
0x8: {  	s13 =	simm.s32 $0x6080;
	s14 =	simm.s32 $0x6880;
	s15 =	simm.s32 $0x7080  }
0x9: {  	s2 =	rddreg [dreg:$0x0];
	s6 =	sshrl.u32 s3, $0x3;
	s3 =	simm.s32 $0x0  }
0xa: {  	s16 =	simm.s32 $0x7880;
	s17 =	simm.s32 $0x8080;
	[smem:$0x7FF] =	sst s3  }
0xb: {  	s28 =	simm.s32 $0xD080;
	_ =	strace $0x8000004D;
	[dreg:$0x6] =	wrdreg s20  }
0xc: {  	s29 =	simm.s32 $0xD880;
	s1 =	ssub.s32 $0x2, s1;
	[dreg:$0x7] =	wrdreg s21  }
0xd: {  	s30 =	simm.s32 $0xE080;
	s19 =	sshrl.u32 s1, $0x1;
	[dreg:$0x8] =	wrdreg s22  }
0xe: {  	s31 =	simm.s32 $0xE880;
	s1 =	ssub.s32 s1, s19;
	[dreg:$0x9] =	wrdreg s23  }
0xf: {  	s19 =	simm.s32 $0x9080;
	s7 =	smul.u32 $0x300, s6;
	[dreg:$0xa] =	wrdreg s24  }
0x10: {  	s4 =	sadd.s32 s4, s6;
	s6 =	smax.u32 s1, $0x1;
	[dreg:$0xb] =	wrdreg s25  }
0x11: {  	s1 =	simm.s32 $0x1;
	s4 =	sadd.s32 $0x140, s4;
	[dreg:$0xc] =	wrdreg s26  }
0x12: {  	s20 =	simm.s32 $0x9880;
	s21 =	simm.s32 $0xA080;
	s22 =	simm.s32 $0xA880  }
0x13: {  	s23 =	simm.s32 $0xB080;
	s24 =	simm.s32 $0xB880;
	s25 =	simm.s32 $0xC080  }
0x14: {  	v2 =	vlaneseq.u32;
	s26 =	simm.s32 $0xC880;
	s5 =	sadd.s32 s7, s5;
	[dreg:$0x4] =	wrdreg s4  }
0x15: {  	vm0 =	vmmov $0xffff;
	v1 =	vshrl.u32 v2, $0x3;
	s4 =	sadd.s32 $0x100, s2;
	s7 =	simm.s32 $0x2;
	s18 =	sadd.s32 $0x3D600, s5  }
0x16: {  	v0 =	vand.u32 $0x7, v2;
	v2 =	vor.u32 $0x8, v2;
	v1 =	vmul.u32 $0x8, v1;
	s5 =	sadd.s32 $0x200, s2;
	[dreg:$0x5] =	wrdreg s18;
	s18 =	simm.s32 $0x8880  }
.LBB2_1:
0x17: {  	s0 =	rddreg [dreg:$0x4]  }
0x18: {  	[tilespmem:s3], [sflag:$0x2] =	stream.linear.gather [hbm4b:s0+s3], $0x50, $0x38;
	[tilespmem:$0xF080] =	vst v63  }
0x19: {  	_ =	swait.ge [sflag:s7], $0x50  }
0x1a: {  	[sflag:s7] =	ssyncset.done $0x0  }
0x1b: {  	[sflag:s7] =	ssyncadd.s32 $0xFFFFFFB0  }
0x1c: {  	v3 =	vld [tilespmem:$0x0];
	_ =	sdelay $0x4  }
0x1d: {  	v4 =	vshrl.u32 v3, $0x3  }
0x1e: {  	v4 =	vmul.u32 $0x30, v4  }
0x1f: {  	v3 =	vand.u32 $0x7, v3  }
0x20: {  	v3 =	vor.u32 v3, v4  }
0x21: {  	v4 =	vperm.xlane v3, v0;
	_ =	sdelay $0x1  }
0x22: {  	v4 =	vadd.s32 v1, v4;
	_ =	sdelay $0x3  }
0x23: {  	v3 =	vperm.xlane v3, v2  }
0x24: {  	[tilespmem:s8], [sflag:$0x1] =	stream.indirect_vreg.gather [hbm4b:s2+s3], $0x80, v4, vm0, $0xb8;
	[tilespmem:$0xF080] =	vst v63  }
0x25: {  	s0 =	rddreg [dreg:$0x6];
	v3 =	vadd.s32 v1, v3  }
0x26: {  	[tilespmem:s0], [sflag:$0x1] =	stream.indirect_vreg.gather [hbm4b:s4+s3], $0x80, v4, vm0, $0xb8;
	[tilespmem:$0xF080] =	vst v63  }
0x27: {  	s9 =	rddreg [dreg:$0x7]  }
0x28: {  	[tilespmem:s9], [sflag:$0x1] =	stream.indirect_vreg.gather [hbm4b:s5+s3], $0x80, v4, vm0, $0xb8;
	[tilespmem:$0xF080] =	vst v63  }
0x29: {  	s0 =	rddreg [dreg:$0x8]  }
0x2a: {  	[tilespmem:s0], [sflag:$0x1] =	stream.indirect_vreg.gather [hbm4b:s2+s3], $0x80, v3, vm0, $0xb8;
	[tilespmem:$0xF080] =	vst v63  }
0x2b: {  	s9 =	rddreg [dreg:$0x9]  }
0x2c: {  	[tilespmem:s9], [sflag:$0x1] =	stream.indirect_vreg.gather [hbm4b:s4+s3], $0x80, v3, vm0, $0xb8;
	[tilespmem:$0xF080] =	vst v63  }
0x2d: {  	s0 =	rddreg [dreg:$0xa]  }
0x2e: {  	[tilespmem:s0], [sflag:$0x1] =	stream.indirect_vreg.gather [hbm4b:s5+s3], $0x80, v3, vm0, $0xb8;
	[tilespmem:$0xF080] =	vst v63  }
0x2f: {  	v3 =	vld [tilespmem:$0x10];
	_ =	sdelay $0x4  }
0x30: {  	v60 =	vshrl.u32 v3, $0x3  }
0x31: {  	v4 =	vmul.u32 $0x30, v60  }
0x32: {  	v3 =	vand.u32 $0x7, v3  }
0x33: {  	v3 =	vor.u32 v3, v4  }
0x34: {  	v4 =	vperm.xlane v3, v0;
	_ =	sdelay $0x1  }
0x35: {  	v4 =	vadd.s32 v1, v4;
	_ =	sdelay $0x3  }
0x36: {  	s0 =	rddreg [dreg:$0xb];
	v3 =	vperm.xlane v3, v2  }
0x37: {  	[tilespmem:s0], [sflag:$0x1] =	stream.indirect_vreg.gather [hbm4b:s2+s3], $0x80, v4, vm0, $0xb8;
	[tilespmem:$0xF080] =	vst v63  }
0x38: {  	s9 =	rddreg [dreg:$0xc];
	v3 =	vadd.s32 v1, v3  }
0x39: {  	[tilespmem:s9], [sflag:$0x1] =	stream.indirect_vreg.gather [hbm4b:s4+s3], $0x80, v4, vm0, $0xb8;
	[tilespmem:$0xF080] =	vst v63  }
0x3a: {  	s9 =	simm.s32 $0x4080  }
0x3b: {  	[tilespmem:s9], [sflag:$0x1] =	stream.indirect_vreg.gather [hbm4b:s5+s3], $0x80, v4, vm0, $0xb8;
	[tilespmem:$0xF080] =	vst v63  }
0x3c: {  	_ = 	snop  }
0x3d: {  	[tilespmem:s10], [sflag:$0x1] =	stream.indirect_vreg.gather [hbm4b:s2+s3], $0x80, v3, vm0, $0xb8;
	[tilespmem:$0xF080] =	vst v63  }
0x3e: {  	_ = 	snop  }
0x3f: {  	[tilespmem:s11], [sflag:$0x1] =	stream.indirect_vreg.gather [hbm4b:s4+s3], $0x80, v3, vm0, $0xb8;
	[tilespmem:$0xF080] =	vst v63  }
0x40: {  	_ = 	snop  }
0x41: {  	[tilespmem:s12], [sflag:$0x1] =	stream.indirect_vreg.gather [hbm4b:s5+s3], $0x80, v3, vm0, $0xb8;
	[tilespmem:$0xF080] =	vst v63  }
0x42: {  	v3 =	vld [tilespmem:$0x20];
	_ =	sdelay $0x4  }
0x43: {  	v61 =	vshrl.u32 v3, $0x3  }
0x44: {  	v4 =	vmul.u32 $0x30, v61  }
0x45: {  	v3 =	vand.u32 $0x7, v3  }
0x46: {  	v3 =	vor.u32 v3, v4  }
0x47: {  	v4 =	vperm.xlane v3, v0;
	_ =	sdelay $0x1  }
0x48: {  	v4 =	vadd.s32 v1, v4;
	_ =	sdelay $0x3  }
0x49: {  	v3 =	vperm.xlane v3, v2  }
0x4a: {  	[tilespmem:s13], [sflag:$0x1] =	stream.indirect_vreg.gather [hbm4b:s2+s3], $0x80, v4, vm0, $0xb8;
	[tilespmem:$0xF080] =	vst v63  }
0x4b: {  	v3 =	vadd.s32 v1, v3  }
0x4c: {  	[tilespmem:s14], [sflag:$0x1] =	stream.indirect_vreg.gather [hbm4b:s4+s3], $0x80, v4, vm0, $0xb8;
	[tilespmem:$0xF080] =	vst v63  }
0x4d: {  	_ = 	snop  }
0x4e: {  	[tilespmem:s15], [sflag:$0x1] =	stream.indirect_vreg.gather [hbm4b:s5+s3], $0x80, v4, vm0, $0xb8;
	[tilespmem:$0xF080] =	vst v63  }
0x4f: {  	_ = 	snop  }
0x50: {  	[tilespmem:s16], [sflag:$0x1] =	stream.indirect_vreg.gather [hbm4b:s2+s3], $0x80, v3, vm0, $0xb8;
	[tilespmem:$0xF080] =	vst v63  }
0x51: {  	_ = 	snop  }
0x52: {  	[tilespmem:s17], [sflag:$0x1] =	stream.indirect_vreg.gather [hbm4b:s4+s3], $0x80, v3, vm0, $0xb8;
	[tilespmem:$0xF080] =	vst v63  }
0x53: {  	_ = 	snop  }
0x54: {  	[tilespmem:s18], [sflag:$0x1] =	stream.indirect_vreg.gather [hbm4b:s5+s3], $0x80, v3, vm0, $0xb8;
	[tilespmem:$0xF080] =	vst v63  }
0x55: {  	v3 =	vld [tilespmem:$0x30];
	_ =	sdelay $0x4  }
0x56: {  	v62 =	vshrl.u32 v3, $0x3  }
0x57: {  	v4 =	vmul.u32 $0x30, v62  }
0x58: {  	v3 =	vand.u32 $0x7, v3  }
0x59: {  	v3 =	vor.u32 v3, v4  }
0x5a: {  	v4 =	vperm.xlane v3, v0;
	_ =	sdelay $0x1  }
0x5b: {  	v4 =	vadd.s32 v1, v4;
	_ =	sdelay $0x3  }
0x5c: {  	v3 =	vperm.xlane v3, v2  }
0x5d: {  	[tilespmem:s19], [sflag:$0x1] =	stream.indirect_vreg.gather [hbm4b:s2+s3], $0x80, v4, vm0, $0xb8;
	[tilespmem:$0xF080] =	vst v63  }
0x5e: {  	v3 =	vadd.s32 v1, v3  }
0x5f: {  	[tilespmem:s20], [sflag:$0x1] =	stream.indirect_vreg.gather [hbm4b:s4+s3], $0x80, v4, vm0, $0xb8;
	[tilespmem:$0xF080] =	vst v63  }
0x60: {  	_ = 	snop  }
0x61: {  	[tilespmem:s21], [sflag:$0x1] =	stream.indirect_vreg.gather [hbm4b:s5+s3], $0x80, v4, vm0, $0xb8;
	[tilespmem:$0xF080] =	vst v63  }
0x62: {  	_ = 	snop  }
0x63: {  	[tilespmem:s22], [sflag:$0x1] =	stream.indirect_vreg.gather [hbm4b:s2+s3], $0x80, v3, vm0, $0xb8;
	[tilespmem:$0xF080] =	vst v63  }
0x64: {  	_ = 	snop  }
0x65: {  	[tilespmem:s23], [sflag:$0x1] =	stream.indirect_vreg.gather [hbm4b:s4+s3], $0x80, v3, vm0, $0xb8;
	[tilespmem:$0xF080] =	vst v63  }
0x66: {  	_ = 	snop  }
0x67: {  	[tilespmem:s24], [sflag:$0x1] =	stream.indirect_vreg.gather [hbm4b:s5+s3], $0x80, v3, vm0, $0xb8;
	[tilespmem:$0xF080] =	vst v63  }
0x68: {  	v3 =	vld [tilespmem:$0x40];
	_ =	sdelay $0x4  }
0x69: {  	v63 =	vshrl.u32 v3, $0x3  }
0x6a: {  	v4 =	vmul.u32 $0x30, v63  }
0x6b: {  	v3 =	vand.u32 $0x7, v3  }
0x6c: {  	v3 =	vor.u32 v3, v4  }
0x6d: {  	v4 =	vperm.xlane v3, v0;
	_ =	sdelay $0x1  }
0x6e: {  	v4 =	vadd.s32 v1, v4;
	_ =	sdelay $0x3  }
0x6f: {  	v3 =	vperm.xlane v3, v2  }
0x70: {  	[tilespmem:s25], [sflag:$0x1] =	stream.indirect_vreg.gather [hbm4b:s2+s3], $0x80, v4, vm0, $0xb8;
	[tilespmem:$0xF080] =	vst v63  }
0x71: {  	v3 =	vadd.s32 v1, v3  }
0x72: {  	[tilespmem:s26], [sflag:$0x1] =	stream.indirect_vreg.gather [hbm4b:s4+s3], $0x80, v4, vm0, $0xb8;
	[tilespmem:$0xF080] =	vst v63  }
0x73: {  	_ = 	snop  }
0x74: {  	[tilespmem:s28], [sflag:$0x1] =	stream.indirect_vreg.gather [hbm4b:s5+s3], $0x80, v4, vm0, $0xb8;
	[tilespmem:$0xF080] =	vst v63  }
0x75: {  	_ = 	snop  }
0x76: {  	[tilespmem:s29], [sflag:$0x1] =	stream.indirect_vreg.gather [hbm4b:s2+s3], $0x80, v3, vm0, $0xb8;
	[tilespmem:$0xF080] =	vst v63  }
0x77: {  	_ = 	snop  }
0x78: {  	[tilespmem:s30], [sflag:$0x1] =	stream.indirect_vreg.gather [hbm4b:s4+s3], $0x80, v3, vm0, $0xb8;
	[tilespmem:$0xF080] =	vst v63  }
0x79: {  	_ = 	snop  }
0x7a: {  	[tilespmem:s31], [sflag:$0x1] =	stream.indirect_vreg.gather [hbm4b:s5+s3], $0x80, v3, vm0, $0xb8;
	[tilespmem:$0xF080] =	vst v63  }
0x7b: {  	_ =	swait.ge [sflag:s1], $0xF000  }
0x7c: {  	p0 =	sne.s32 s6, $0x1;
	[sflag:s1] =	ssyncset.done $0x0  }
.Ltmp0:
0x7d: {  	s9 =	rddreg [dreg:$0x5];
	[sflag:s1] =	ssyncadd.s32 $0xFFFF1000;
	(pc) =	sbr.rel @p0 .LBB2_1-.Ltmp0, $4  }
0x7e: {  	[hbm4b:s9+s3] =	stream.linear.scatter [tilespmem:s8], [sflag:$0x2], $0xF000, $0x38;
	[tilespmem:$0xF080] =	vst v63  }
0x7f: {  	_ =	swait.ge [sflag:s7], $0xF000  }
0x80: {  	[sflag:s7] =	ssyncset.done $0x0  }
0x81: {  	s6 =	sadd.s32 $0xFFFFFFFF, s6;
	[sflag:s7] =	ssyncadd.s32 $0xFFFF1000  }
0x82: {  	_ =	sfence.sel $0x180000  }
0x83: {  	[bflag:$0x0] =	sbarrier.arrive $0xFFFF  }
0x84: {  	_ =	strace $0x9000004D  }
0x85: {  	s0 =	stileid.u32;
	[bflag:$0x2] =	sbarrier.arrive $0xFFFF  }
0x86: {  	p0 =	sne.s32 s0, $0x0;
	s0 =	rddreg [dreg:$0x3]  }
0x87: {  	s0 =	sadd.s32 @!p0 $0x100000, s0  }
0x88: {  	[sflag:s0] =	ssyncadd.tile.s32 @!p0 $0x1;
	_ =	shalt  }
.Lfunc_end2:
_tile_overlayer_lowered:
.L_overlay_start_2:
0x89: {  	(tag) =	ssettag $0x2  }
0x8a: {  	s0 =	rddreg [dreg:$0x0];
	s2 =	stileid.u32  }
0x8b: {  	s1 =	rddreg [dreg:$0x1];
	p0 =	sne.s32 s2, $0x0  }
0x8c: {  	s3 =	rddreg [dreg:$0x2];
	[bflag:$0x3] =	sbarrier.arrive $0xFFFF;
	s2 =	simm.s32 @!p0 $0x1C02  }
0x8d: {  	[timem:s3], [sflag:s2] =	dma.local @!p0 [hbm:s0], s1  }
0x8e: {  	s0 =	simm.s32 @!p0 $0x2  }
0x8f: {  	_ =	swait.ge @!p0 [sflag:s0], s1  }
0x90: {  	s1 =	ssub.s32 @!p0 $0x0, s1;
	[sflag:s0] =	ssyncset.done @!p0 $0x0  }
0x91: {  	[sflag:s0] =	ssyncadd.s32 @!p0 s1  }
0x92: {  	[bflag:$0x3] =	sbarrier.arrive $0xFFFF  }
0x93: {  	_ =	shalt  }

// kernel: kernel.10.cloned.1.call-start
scs
__scs_entry_jumppad:
0x0: {  	(pc) =	sbr.rel $0x88, $3  }
0x1: {  	(tag) =	ssettag $0x0;
	lr =	simm.s32 $0x1  }
0x2: {  	[smem:$0x3F9A] =	sst lr;
	_ =	strace $0xD0000000  }
0x3: {  	_ = 	snop  }
0x4: {  	_ = 	snop  }
0x5: {  	_ = 	snop  }
0x6: {  	_ = 	snop  }
0x7: {  	_ = 	snop  }
__scs_overlays_trampoline_lowered:
0x8: {  	[smem:$0x3FA9] =	sst s0  }
0x9: {  	[smem:$0x3FAA] =	sst s1  }
0xa: {  	[smem:$0x3FAB] =	sst s2  }
0xb: {  	[smem:$0x3FAC] =	sst s3  }
0xc: {  	[smem:$0x3FAD] =	sst s4  }
0xd: {  	[smem:$0x3FAE] =	sst s5  }
0xe: {  	[smem:$0x3FAF] =	sst s6  }
0xf: {  	[smem:$0x3FB0] =	sst s7  }
0x10: {  	[smem:$0x3FB1] =	sst s8  }
0x11: {  	[smem:$0x3FB2] =	sst s9;
	s0 =	simm.s32 @!p0 $0x0  }
0x12: {  	s1 =	sld [smem:$0x3F98];
	s0 =	simm.s32 @p0 $0x1  }
0x13: {  	[smem:$0x3FB3] =	sst s0;
	s0 =	simm.s32 @!p1 $0x0  }
0x14: {  	s2 =	sld [smem:$0x3F97];
	s0 =	simm.s32 @p1 $0x1  }
0x15: {  	[smem:$0x3FB4] =	sst s0;
	s0 =	simm.s32 @!p2 $0x0  }
0x16: {  	s3 =	sld [smem:$0x3FDB];
	s0 =	simm.s32 @p2 $0x1  }
0x17: {  	s4 =	simm.s32 $0x1BF5;
	[smem:$0x3FB6] =	sst s0  }
0x18: {  	s0 =	sld [smem:$0x3F99];
	_ =	swait.ge [sflag:s4], $0x0  }
0x19: {  	s7 =	sld [smem:$0x3F9A]  }
0x1a: {  	s8 =	sadd.s32 $0xFFFFE003, lr  }
0x1b: {  	s9 =	sadd.s32 $0xFFFFFEF7, lr;
	s5 =	simm.s32 $0xFFFFFFFF;
	p2 =	slt.u32 s8, $0xFFFFF086  }
0x1c: {  	p1 =	slt.u32 s9, $0xF7A;
	s5 =	simm.s32 @!p2 $0x0  }
0x1d: {  	s5 =	simm.s32 @p1 $0x1;
	p0 =	seq.s32 s7, s2  }
0x1e: {  	s7 =	smul.u32 @!p0 $0xF7A, s2;
	p2 =	seq.s32 @!p0 s5, $0x0  }
0x1f: {  	s9 =	smul.u32 $0xF7A, s1;
	s8 =	simm.s32 @!p0 $0x1BF5;
	p2 =	por !p2, p0  }
0x20: {  	[sflag:s8] =	ssyncset.s32 @!p0 $0xFFFFF086;
	s6 =	sadd.s32 @!p0 s3, s7;
	s7 =	simm.s32 @!p0 $0x108  }
0x21: {  	s3 =	sadd.s32 s3, s9;
	s6 =	sadd.s32 @!p0 $0x88, s6;
	s7 =	simm.s32 @p2 $0x1082  }
0x22: {  	[simem:s7], [sflag:s8] =	dma.local @!p0 [hbm:s6], $0xF7A  }
0x23: {  	s9 =	sor.u32 $0xD0000000, s2;
	s6 =	simm.s32 $0x108;
	_ =	swait.ge @!p0 [sflag:s8], $0x0  }
0x24: {  	s3 =	sadd.s32 $0x88, s3;
	s6 =	simm.s32 @!p1 $0x1082;
	[sflag:s4] =	ssyncset.s32 $0xFFFFF086  }
0x25: {  	[simem:s6], [sflag:s4] =	dma.local [hbm:s3], $0xF7A  }
0x26: {  	[smem:$0x3F9A] =	sst s1;
	(tag) =	ssettag s2;
	_ =	strace s9  }
0x27: {  	s1 =	sld [smem:$0x3FAA]  }
0x28: {  	s2 =	sld [smem:$0x3FAB]  }
0x29: {  	s4 =	sld [smem:$0x3FAD]  }
0x2a: {  	p0 =	seq.s32 s5, $0x0;
	s5 =	sld [smem:$0x3FAE]  }
0x2b: {  	s6 =	sld [smem:$0x3FAF]  }
0x2c: {  	s7 =	sld [smem:$0x3FB0]  }
0x2d: {  	s3 =	simm.s32 $0x108;
	s8 =	sld [smem:$0x3FB1]  }
0x2e: {  	s3 =	simm.s32 @!p0 $0x1082;
	s9 =	sld [smem:$0x3FB2]  }
0x2f: {  	lr =	sadd.s32 s0, s3;
	s0 =	sld [smem:$0x3FA9]  }
0x30: {  	s3 =	sld [smem:$0x3FAC]  }
0x31: {  	[smem:$0x3FB5] =	sst s10  }
0x32: {  	s10 =	sld [smem:$0x3FB3];
	_ =	sdelay $0x3  }
0x33: {  	p0 =	seq.s32 s10, $0x1;
	s10 =	sld [smem:$0x3FB5];
	_ =	sdelay $0x3  }
0x34: {  	[smem:$0x3FB5] =	sst s10  }
0x35: {  	s10 =	sld [smem:$0x3FB4];
	_ =	sdelay $0x3  }
0x36: {  	p1 =	seq.s32 s10, $0x1;
	s10 =	sld [smem:$0x3FB5];
	_ =	sdelay $0x3  }
0x37: {  	[smem:$0x3FB5] =	sst s10  }
0x38: {  	s10 =	sld [smem:$0x3FB6]  }
0x39: {  	_ = 	snop;
	(pc) =	sbr.ind lr, $3  }
0x3a: {  	_ = 	snop  }
0x3b: {  	_ = 	snop  }
0x3c: {  	p2 =	seq.s32 s10, $0x1;
	s10 =	sld [smem:$0x3FB5]  }
0x3d: {  	_ =	shalt  }
0x3e: {  	_ =	shalt  }
0x3f: {  	_ =	shalt  }
0x40: {  	_ =	shalt  }
0x41: {  	_ =	shalt  }
0x42: {  	_ =	shalt  }
0x43: {  	_ =	shalt  }
0x44: {  	_ =	shalt  }
0x45: {  	_ =	shalt  }
0x46: {  	_ =	shalt  }
0x47: {  	_ =	shalt  }
0x48: {  	_ =	shalt  }
0x49: {  	_ =	shalt  }
0x4a: {  	_ =	shalt  }
0x4b: {  	_ =	shalt  }
0x4c: {  	_ =	shalt  }
0x4d: {  	_ =	shalt  }
0x4e: {  	_ =	shalt  }
0x4f: {  	_ =	shalt  }
0x50: {  	_ =	shalt  }
0x51: {  	_ =	shalt  }
0x52: {  	_ =	shalt  }
0x53: {  	_ =	shalt  }
0x54: {  	_ =	shalt  }
0x55: {  	_ =	shalt  }
0x56: {  	_ =	shalt  }
0x57: {  	_ =	shalt  }
0x58: {  	_ =	shalt  }
0x59: {  	_ =	shalt  }
0x5a: {  	_ =	shalt  }
0x5b: {  	_ =	shalt  }
0x5c: {  	_ =	shalt  }
0x5d: {  	_ =	shalt  }
0x5e: {  	_ =	shalt  }
0x5f: {  	_ =	shalt  }
0x60: {  	_ =	shalt  }
0x61: {  	_ =	shalt  }
0x62: {  	_ =	shalt  }
0x63: {  	_ =	shalt  }
0x64: {  	_ =	shalt  }
0x65: {  	_ =	shalt  }
0x66: {  	_ =	shalt  }
0x67: {  	_ =	shalt  }
0x68: {  	_ =	shalt  }
0x69: {  	_ =	shalt  }
0x6a: {  	_ =	shalt  }
0x6b: {  	_ =	shalt  }
0x6c: {  	_ =	shalt  }
0x6d: {  	_ =	shalt  }
0x6e: {  	_ =	shalt  }
0x6f: {  	_ =	shalt  }
0x70: {  	_ =	shalt  }
0x71: {  	_ =	shalt  }
0x72: {  	_ =	shalt  }
0x73: {  	_ =	shalt  }
0x74: {  	_ =	shalt  }
0x75: {  	_ =	shalt  }
0x76: {  	_ =	shalt  }
0x77: {  	_ =	shalt  }
0x78: {  	_ =	shalt  }
0x79: {  	_ =	shalt  }
0x7a: {  	_ =	shalt  }
0x7b: {  	_ =	shalt  }
0x7c: {  	_ =	shalt  }
0x7d: {  	_ =	shalt  }
0x7e: {  	_ =	shalt  }
0x7f: {  	_ =	shalt  }
0x80: {  	_ =	shalt  }
0x81: {  	_ =	shalt  }
0x82: {  	_ =	shalt  }
0x83: {  	_ =	shalt  }
0x84: {  	_ =	shalt  }
0x85: {  	_ =	shalt  }
0x86: {  	_ =	shalt  }
0x87: {  	_ =	shalt  }
.Lfunc_end0:
.L_simem_size_0:
called_computation.3_lowered:
.L_overlay_start_0:
0x88: {  	s2 =	sld [smem:$0x3FD9]  }
0x89: {  	s3 =	sld [smem:$0x3FFE];
	_ =	sdelay $0x1  }
0x8a: {  	s1 =	srdreg.scid  }
0x8b: {  	s0 =	sand.u32 $0x1, s1  }
0x8c: {  	s14 =	sshll.u32 s0, $0xA;
	s2 =	sadd.s32 s3, s2  }
0x8d: {  	s2 =	sadd.s32 s2, s14  }
0x8e: {  	[smem:$0x3FC1] =	sst s2  }
0x8f: {  	_ = 	snop  }
0x90: {  	s2 =	sld [smem:$0x3FD0];
	_ =	sdelay $0x2  }
0x91: {  	s15 =	simm.s32 $0xB;
	s4 =	simm.s32 $0x10  }
0x92: {  	[smem:s4], [sflag:s15] =	dma.local [hbm:s2], $0x1  }
0x93: {  	_ =	swait.eq [sflag:s15], $0x1  }
0x94: {  	[sflag:s15] =	ssyncset.done $0x0  }
0x95: {  	[sflag:s15] =	ssyncadd.s32 $0xFFFFFFFF  }
0x96: {  	s16 =	sld [smem:$0x10];
	(tm) =	ssettm $0x1  }
0x97: {  	s17 =	sld [smem:$0x3FFB];
	_ =	sdelay $0x3  }
0x98: {  	_ =	strace s17  }
0x99: {  	s3 =	sld [smem:$0x3FFC];
	_ =	sdelay $0x3  }
0x9a: {  	_ =	strace s3  }
0x9b: {  	s3 =	sld [smem:$0x3FFD];
	_ =	sdelay $0x3  }
0x9c: {  	_ =	strace s3  }
0x9d: {  	_ =	strace $0x8FFFFFFF  }
0x9e: {  	s18 =	sld [smem:$0x3FDB];
	_ =	sdelay $0x1  }
0x9f: {  	s19 =	simm.s32 $_scs_section_size  }
0xa0: {  	s5 =	simm.s32 $_size__tile_overlayer_lowered;
	s6 =	simm.s32 $_tile_overlayer_lowered  }
0xa1: {  	s22 =	simm.s32 $0x1BFF;
	s21 =	sshll.u32 s6, $0x1;
	s3 =	sadd.s32 s19, s18  }
0xa2: {  	s7 =	simm.s32 $0x0;
	s20 =	sshll.u32 s5, $0x1;
	s5 =	sadd.s32 s21, s3  }
0xa3: {  	[timem:s7], [sflag:s22] =	dma.local [hbm:s5], s20  }
0xa4: {  	_ =	swait.ge [sflag:s22], s20  }
0xa5: {  	s4 =	ssub.s32 $0x0, s20;
	[sflag:s22] =	ssyncset.done $0x0  }
0xa6: {  	[sflag:s22] =	ssyncadd.s32 s4;
	_ =	sdelay $0x1  }
0xa7: {  	s23 =	simm.s32 $0x1B8B  }
0xa8: {  	_ =	swait.ge [sflag:s23], $0x1  }
0xa9: {  	[sflag:s23] =	ssyncset.done $0x0  }
0xaa: {  	s25 =	simm.s32 $0x1B8E;
	s24 =	sld [smem:$0x3FFE];
	[sflag:s23] =	ssyncadd.s32 $0xFFFFFFFF  }
0xab: {  	s26 =	simm.s32 $execute0_lowered;
	[smem:$0x3FD2] =	sst s25  }
0xac: {  	s5 =	sshll.u32 s26, $0x1;
	_ =	strace $0x8000004F;
	[dreg:$0x1] =	wrdreg $0xFFFFFFFF  }
0xad: {  	s28 =	simm.s32 $_size_execute0_lowered;
	s3 =	sadd.s32 s3, s5;
	[dreg:$0x0] =	wrdreg $0x0  }
0xae: {  	s5 =	sshll.u32 s28, $0x1;
	[dreg:$0x2] =	wrdreg s3  }
0xaf: {  	[dreg:$0x3] =	wrdreg s5  }
0xb0: {  	[dreg:$0x4] =	wrdreg $0xC0  }
0xb1: {  	_ =	task [dreg:s7], $0x5FFFF  }
0xb2: {  	[dreg:$0x1] =	wrdreg $0xFFFFFFFF  }
0xb3: {  	[dreg:$0x0] =	wrdreg $0x60  }
0xb4: {  	[dreg:$0x2] =	wrdreg s24  }
0xb5: {  	[dreg:$0x3] =	wrdreg s16  }
0xb6: {  	[dreg:$0x4] =	wrdreg $0x9  }
0xb7: {  	_ =	task.clear_ibuf [dreg:s7], $0x5FFFF;
	_ =	strace $0x9000004F  }
0xb8: {  	s29 =	simm.s32 $0x9;
	_ =	strace $0x80000051  }
0xb9: {  	_ =	swait.ge [sflag:s29], $0x1  }
0xba: {  	[sflag:s29] =	ssyncadd.s32 $0xFFFFFFFF  }
0xbb: {  	_ =	strace $0x90000051  }
0xbc: {  	_ =	sfence  }
0xbd: {  	s30 =	sld [smem:$0x0];
	_ =	sdelay $0x2  }
0xbe: {  	s31 =	sshll.u32 s1, $0xD;
	s1 =	sshrl.u32 s1, $0x2  }
0xbf: {  	s3 =	sand.u32 $0x4000, s31;
	s1 =	sadd.s32 s1, s30  }
0xc0: {  	s0 =	sor.u32 s3, s0;
	s1 =	sshll.u32 s1, $0x11  }
0xc1: {  	s0 =	sor.u32 s1, s0  }
0xc2: {  	s0 =	sadd.s32 $0x8F2B, s0  }
0xc3: {  	[sflag:s0] =	ssyncadd.remote.s32 $0x1  }
0xc4: {  	_ =	sfence.sel $0xFFFF  }
0xc5: {  	[dreg:$0x0] =	wrdreg $0xFFFFFFFF;
	(pc) =	sbr.abs _section_cstart, $3  }
0xc6: {  	[dreg:$0x1] =	wrdreg $0xFFFFFFFF  }
0xc7: {  	_ =	task.clear_ibuf [dreg:s7], $0x2FFFF;
	_ =	strace $0x9FFFFFFF  }
0xc8: {  	(tm) =	ssettm $0x7FFFFFFF  }
0xc9: {  	_ =	shalt  }
tec
execute0_lowered:
.L_overlay_start_1:
0x0: {  	(tag) =	ssettag $0x1  }
0x1: {  	s0 =	rddreg [dreg:$0x0]  }
0x2: {  	s1 =	rddreg [dreg:$0x1]  }
0x3: {  	s3 =	srdreg.scid;
	s4 =	stileid.u32  }
0x4: {  	s2 =	simm.s32 $0x0;
	s10 =	simm.s32 $0x2;
	s11 =	simm.s32 $0x80  }
0x5: {  	s12 =	simm.s32 $0x200;
	s16 =	simm.s32 $0x1;
	s30 =	simm.s32 $0x12200  }
0x6: {  	v10 =	vlaneseq.u32;
	s31 =	simm.s32 $0x12A00;
	s13 =	simm.s32 $0x14200;
	s14 =	simm.s32 $0x14A00  }
0x7: {  	s15 =	simm.s32 $0x15200;
	s17 =	simm.s32 $0x15A00;
	s18 =	simm.s32 $0x16200;
	v0 =	vmul.u32 $0x2, v10  }
0x8: {  	s19 =	simm.s32 $0x16A00;
	s20 =	simm.s32 $0x17200;
	s21 =	simm.s32 $0x17A00  }
0x9: {  	s3 =	sand.u32 $0x1, s3;
	s4 =	sshll.u32 s4, $0x1;
	[smem:$0x7FF] =	sst s2;
	v1 =	vor.u32 $0x1, v0  }
0xa: {  	s22 =	simm.s32 $0x0;
	s5 =	sor.u32 s3, s4;
	_ =	strace $0x80000050;
	[tilespmem:$0x1FFA0] =	vst v1;
	v1 =	vor.u32 $0x20, v0  }
0xb: {  	s6 =	ssub.s32 $0x2, s3;
	s3 =	sadd.s32 $0x79800, s0;
	s4 =	sshll.u32 s5, $0x4;
	[tilespmem:$0x1FFB0] =	vst v1;
	v1 =	vor.u32 $0x21, v0  }
0xc: {  	s29 =	sshrl.u32 s6, $0x1;
	s8 =	smul.u32 $0x1800, s5;
	s7 =	sadd.s32 s4, s0;
	[tilespmem:$0x1FFC0] =	vst v1;
	v1 =	vor.u32 $0x40, v0  }
0xd: {  	vm0 =	vmmov $0xffff;
	s9 =	ssub.s32 s6, s29;
	s6 =	sadd.s32 $0x79900, s0;
	s4 =	sadd.s32 $0x1400, s7;
	[tilespmem:$0x1FFD0] =	vst v1;
	v1 =	vor.u32 $0x41, v0  }
0xe: {  	v9 =	vshrl.u32 v10, $0x3;
	v8 =	vand.u32 $0x7, v10;
	s5 =	sadd.s32 $0x79600, s7;
	s7 =	sadd.s32 $0x79A00, s0;
	s8 =	sadd.s32 s1, s8;
	[tilespmem:$0x1FFE0] =	vst v1;
	v1 =	vor.u32 $0x60, v0  }
0xf: {  	v10 =	vor.u32 $0x8, v10;
	v9 =	vmul.u32 $0x8, v9;
	v7 =	vor.u32 $0x61, v0;
	s9 =	smax.u32 s9, $0x1;
	s0 =	simm.s32 $0x13200;
	s1 =	simm.s32 $0x13A00;
	[tilespmem:$0x1FFF0] =	vst v1  }
.LBB2_1:
0x10: {  	[tilespmem:s2], [sflag:$0x2] =	stream.linear.gather [hbm4b:s4+s2], $0x80, $0x38;
	[tilespmem:$0x18200] =	vst v63  }
0x11: {  	_ =	swait.ge [sflag:s10], $0x80  }
0x12: {  	[sflag:s10] =	ssyncset.done $0x0  }
0x13: {  	[sflag:s10] =	ssyncadd.s32 $0xFFFFFF80  }
0x14: {  	[tilespmem:s11], [sflag:$0x2] =	stream.linear.gather [hbm4b:s5+s2], $0x80, $0x38;
	[tilespmem:$0x18200] =	vst v63  }
0x15: {  	_ =	swait.ge [sflag:s10], $0x80  }
0x16: {  	[sflag:s10] =	ssyncset.done $0x0;
	v1 =	vld [tilespmem:$0x1FFA0]  }
0x17: {  	[sflag:s10] =	ssyncadd.s32 $0xFFFFFF80  }
0x18: {  	v11 =	vld.idx.msk [tilespmem:v0+s2+$0x0], $0xffff;
	_ =	sdelay $0x4  }
0x19: {  	[tilespmem:$0x100] =	vst v11  }
0x1a: {  	v11 =	vld.idx.msk [tilespmem:v1+s2+$0x0], $0xffff  }
0x1b: {  	v1 =	vld [tilespmem:$0x1FFB0];
	_ =	sdelay $0x6  }
0x1c: {  	[tilespmem:$0x180] =	vst v11  }
0x1d: {  	v11 =	vld.idx.msk [tilespmem:v1+s2+$0x0], $0xffff  }
0x1e: {  	v1 =	vld [tilespmem:$0x1FFC0];
	_ =	sdelay $0x6  }
0x1f: {  	[tilespmem:$0x110] =	vst v11  }
0x20: {  	v11 =	vld.idx.msk [tilespmem:v1+s2+$0x0], $0xffff  }
0x21: {  	v1 =	vld [tilespmem:$0x1FFD0];
	_ =	sdelay $0x6  }
0x22: {  	[tilespmem:$0x190] =	vst v11  }
0x23: {  	v11 =	vld.idx.msk [tilespmem:v1+s2+$0x0], $0xffff  }
0x24: {  	v1 =	vld [tilespmem:$0x1FFE0];
	_ =	sdelay $0x6  }
0x25: {  	[tilespmem:$0x120] =	vst v11  }
0x26: {  	v11 =	vld.idx.msk [tilespmem:v1+s2+$0x0], $0xffff  }
0x27: {  	v1 =	vld [tilespmem:$0x1FFF0];
	_ =	sdelay $0x3  }
0x28: {  	v12 =	vld [tilespmem:$0x100];
	_ =	sdelay $0x2  }
0x29: {  	[tilespmem:$0x1A0] =	vst v11  }
0x2a: {  	v11 =	vld.idx.msk [tilespmem:v1+s2+$0x0], $0xffff  }
0x2b: {  	v13 =	vshrl.u32 v12, $0x3  }
0x2c: {  	v13 =	vmul.u32 $0x30, v13  }
0x2d: {  	v12 =	vand.u32 $0x7, v12  }
0x2e: {  	v12 =	vor.u32 v12, v13  }
0x2f: {  	[tilespmem:$0x130] =	vst v11;
	v11 =	vperm.xlane v12, v8  }
0x30: {  	v13 =	vld.idx.msk [tilespmem:v7+s2+$0x0], $0xffff  }
0x31: {  	v11 =	vadd.s32 v9, v11;
	_ =	sdelay $0x3  }
0x32: {  	v12 =	vperm.xlane v12, v10;
	[tilespmem:$0x1B0] =	vst v13  }
0x33: {  	[tilespmem:s12], [sflag:$0x1] =	stream.indirect_vreg.gather [hbm4b:s3+s2], $0x80, v11, vm0, $0xb8;
	[tilespmem:$0x18200] =	vst v63  }
0x34: {  	s23 =	simm.s32 $0xA00;
	v12 =	vadd.s32 v9, v12  }
0x35: {  	[tilespmem:s23], [sflag:$0x1] =	stream.indirect_vreg.gather [hbm4b:s6+s2], $0x80, v11, vm0, $0xb8;
	[tilespmem:$0x18200] =	vst v63  }
0x36: {  	s24 =	simm.s32 $0x1200  }
0x37: {  	[tilespmem:s24], [sflag:$0x1] =	stream.indirect_vreg.gather [hbm4b:s7+s2], $0x80, v11, vm0, $0xb8;
	[tilespmem:$0x18200] =	vst v63  }
0x38: {  	s25 =	simm.s32 $0x1A00  }
0x39: {  	[tilespmem:s25], [sflag:$0x1] =	stream.indirect_vreg.gather [hbm4b:s3+s2], $0x80, v12, vm0, $0xb8;
	[tilespmem:$0x18200] =	vst v63  }
0x3a: {  	s26 =	simm.s32 $0x2200  }
0x3b: {  	[tilespmem:s26], [sflag:$0x1] =	stream.indirect_vreg.gather [hbm4b:s6+s2], $0x80, v12, vm0, $0xb8;
	[tilespmem:$0x18200] =	vst v63  }
0x3c: {  	s28 =	simm.s32 $0x2A00  }
0x3d: {  	[tilespmem:s28], [sflag:$0x1] =	stream.indirect_vreg.gather [hbm4b:s7+s2], $0x80, v12, vm0, $0xb8;
	[tilespmem:$0x18200] =	vst v63  }
0x3e: {  	v11 =	vld [tilespmem:$0x110];
	_ =	sdelay $0x4  }
0x3f: {  	v12 =	vshrl.u32 v11, $0x3  }
0x40: {  	v12 =	vmul.u32 $0x30, v12  }
0x41: {  	v11 =	vand.u32 $0x7, v11  }
0x42: {  	v11 =	vor.u32 v11, v12  }
0x43: {  	v12 =	vperm.xlane v11, v8;
	_ =	sdelay $0x1  }
0x44: {  	v12 =	vadd.s32 v9, v12;
	_ =	sdelay $0x3  }
0x45: {  	s29 =	simm.s32 $0x3200;
	v11 =	vperm.xlane v11, v10  }
0x46: {  	[tilespmem:s29], [sflag:$0x1] =	stream.indirect_vreg.gather [hbm4b:s3+s2], $0x80, v12, vm0, $0xb8;
	[tilespmem:$0x18200] =	vst v63  }
0x47: {  	s24 =	simm.s32 $0x3A00;
	v11 =	vadd.s32 v9, v11  }
0x48: {  	[tilespmem:s24], [sflag:$0x1] =	stream.indirect_vreg.gather [hbm4b:s6+s2], $0x80, v12, vm0, $0xb8;
	[tilespmem:$0x18200] =	vst v63  }
0x49: {  	s25 =	simm.s32 $0x4200  }
0x4a: {  	[tilespmem:s25], [sflag:$0x1] =	stream.indirect_vreg.gather [hbm4b:s7+s2], $0x80, v12, vm0, $0xb8;
	[tilespmem:$0x18200] =	vst v63  }
0x4b: {  	s26 =	simm.s32 $0x4A00  }
0x4c: {  	[tilespmem:s26], [sflag:$0x1] =	stream.indirect_vreg.gather [hbm4b:s3+s2], $0x80, v11, vm0, $0xb8;
	[tilespmem:$0x18200] =	vst v63  }
0x4d: {  	s28 =	simm.s32 $0x5200  }
0x4e: {  	[tilespmem:s28], [sflag:$0x1] =	stream.indirect_vreg.gather [hbm4b:s6+s2], $0x80, v11, vm0, $0xb8;
	[tilespmem:$0x18200] =	vst v63  }
0x4f: {  	s29 =	simm.s32 $0x5A00  }
0x50: {  	[tilespmem:s29], [sflag:$0x1] =	stream.indirect_vreg.gather [hbm4b:s7+s2], $0x80, v11, vm0, $0xb8;
	[tilespmem:$0x18200] =	vst v63  }
0x51: {  	v11 =	vld [tilespmem:$0x120];
	_ =	sdelay $0x4  }
0x52: {  	v12 =	vshrl.u32 v11, $0x3  }
0x53: {  	v12 =	vmul.u32 $0x30, v12  }
0x54: {  	v11 =	vand.u32 $0x7, v11  }
0x55: {  	v11 =	vor.u32 v11, v12  }
0x56: {  	v12 =	vperm.xlane v11, v8;
	_ =	sdelay $0x1  }
0x57: {  	v12 =	vadd.s32 v9, v12;
	_ =	sdelay $0x3  }
0x58: {  	s24 =	simm.s32 $0x6200;
	v11 =	vperm.xlane v11, v10  }
0x59: {  	[tilespmem:s24], [sflag:$0x1] =	stream.indirect_vreg.gather [hbm4b:s3+s2], $0x80, v12, vm0, $0xb8;
	[tilespmem:$0x18200] =	vst v63  }
0x5a: {  	s25 =	simm.s32 $0x6A00;
	v11 =	vadd.s32 v9, v11  }
0x5b: {  	[tilespmem:s25], [sflag:$0x1] =	stream.indirect_vreg.gather [hbm4b:s6+s2], $0x80, v12, vm0, $0xb8;
	[tilespmem:$0x18200] =	vst v63  }
0x5c: {  	s26 =	simm.s32 $0x7200  }
0x5d: {  	[tilespmem:s26], [sflag:$0x1] =	stream.indirect_vreg.gather [hbm4b:s7+s2], $0x80, v12, vm0, $0xb8;
	[tilespmem:$0x18200] =	vst v63  }
0x5e: {  	s28 =	simm.s32 $0x7A00  }
0x5f: {  	[tilespmem:s28], [sflag:$0x1] =	stream.indirect_vreg.gather [hbm4b:s3+s2], $0x80, v11, vm0, $0xb8;
	[tilespmem:$0x18200] =	vst v63  }
0x60: {  	s29 =	simm.s32 $0x8200  }
0x61: {  	[tilespmem:s29], [sflag:$0x1] =	stream.indirect_vreg.gather [hbm4b:s6+s2], $0x80, v11, vm0, $0xb8;
	[tilespmem:$0x18200] =	vst v63  }
0x62: {  	s24 =	simm.s32 $0x8A00  }
0x63: {  	[tilespmem:s24], [sflag:$0x1] =	stream.indirect_vreg.gather [hbm4b:s7+s2], $0x80, v11, vm0, $0xb8;
	[tilespmem:$0x18200] =	vst v63  }
0x64: {  	v11 =	vld [tilespmem:$0x130];
	_ =	sdelay $0x4  }
0x65: {  	v12 =	vshrl.u32 v11, $0x3  }
0x66: {  	v12 =	vmul.u32 $0x30, v12  }
0x67: {  	v11 =	vand.u32 $0x7, v11  }
0x68: {  	v11 =	vor.u32 v11, v12  }
0x69: {  	v12 =	vperm.xlane v11, v8;
	_ =	sdelay $0x1  }
0x6a: {  	v12 =	vadd.s32 v9, v12;
	_ =	sdelay $0x3  }
0x6b: {  	s25 =	simm.s32 $0x9200;
	v11 =	vperm.xlane v11, v10  }
0x6c: {  	[tilespmem:s25], [sflag:$0x1] =	stream.indirect_vreg.gather [hbm4b:s3+s2], $0x80, v12, vm0, $0xb8;
	[tilespmem:$0x18200] =	vst v63  }
0x6d: {  	s26 =	simm.s32 $0x9A00;
	v11 =	vadd.s32 v9, v11  }
0x6e: {  	[tilespmem:s26], [sflag:$0x1] =	stream.indirect_vreg.gather [hbm4b:s6+s2], $0x80, v12, vm0, $0xb8;
	[tilespmem:$0x18200] =	vst v63  }
0x6f: {  	s28 =	simm.s32 $0xA200  }
0x70: {  	[tilespmem:s28], [sflag:$0x1] =	stream.indirect_vreg.gather [hbm4b:s7+s2], $0x80, v12, vm0, $0xb8;
	[tilespmem:$0x18200] =	vst v63  }
0x71: {  	s29 =	simm.s32 $0xAA00  }
0x72: {  	[tilespmem:s29], [sflag:$0x1] =	stream.indirect_vreg.gather [hbm4b:s3+s2], $0x80, v11, vm0, $0xb8;
	[tilespmem:$0x18200] =	vst v63  }
0x73: {  	s24 =	simm.s32 $0xB200  }
0x74: {  	[tilespmem:s24], [sflag:$0x1] =	stream.indirect_vreg.gather [hbm4b:s6+s2], $0x80, v11, vm0, $0xb8;
	[tilespmem:$0x18200] =	vst v63  }
0x75: {  	s25 =	simm.s32 $0xBA00  }
0x76: {  	[tilespmem:s25], [sflag:$0x1] =	stream.indirect_vreg.gather [hbm4b:s7+s2], $0x80, v11, vm0, $0xb8;
	[tilespmem:$0x18200] =	vst v63  }
0x77: {  	_ =	swait.ge [sflag:s16], $0xC000  }
0x78: {  	[sflag:s16] =	ssyncset.done $0x0  }
0x79: {  	[sflag:s16] =	ssyncadd.s32 $0xFFFF4000  }
0x7a: {  	v11 =	vld [tilespmem:$0x180];
	_ =	sdelay $0x4  }
0x7b: {  	v12 =	vshrl.u32 v11, $0x3  }
0x7c: {  	v12 =	vmul.u32 $0x30, v12  }
0x7d: {  	v11 =	vand.u32 $0x7, v11  }
0x7e: {  	v11 =	vor.u32 v11, v12  }
0x7f: {  	v12 =	vperm.xlane v11, v8;
	_ =	sdelay $0x1  }
0x80: {  	v12 =	vadd.s32 v9, v12;
	_ =	sdelay $0x3  }
0x81: {  	s26 =	simm.s32 $0xC200;
	v11 =	vperm.xlane v11, v10  }
0x82: {  	[tilespmem:s26], [sflag:$0x1] =	stream.indirect_vreg.gather [hbm4b:s3+s2], $0x80, v12, vm0, $0xb8;
	[tilespmem:$0x18200] =	vst v63  }
0x83: {  	s28 =	simm.s32 $0xCA00;
	v11 =	vadd.s32 v9, v11  }
0x84: {  	[tilespmem:s28], [sflag:$0x1] =	stream.indirect_vreg.gather [hbm4b:s6+s2], $0x80, v12, vm0, $0xb8;
	[tilespmem:$0x18200] =	vst v63  }
0x85: {  	s29 =	simm.s32 $0xD200  }
0x86: {  	[tilespmem:s29], [sflag:$0x1] =	stream.indirect_vreg.gather [hbm4b:s7+s2], $0x80, v12, vm0, $0xb8;
	[tilespmem:$0x18200] =	vst v63  }
0x87: {  	s24 =	simm.s32 $0xDA00  }
0x88: {  	[tilespmem:s24], [sflag:$0x1] =	stream.indirect_vreg.gather [hbm4b:s3+s2], $0x80, v11, vm0, $0xb8;
	[tilespmem:$0x18200] =	vst v63  }
0x89: {  	s25 =	simm.s32 $0xE200  }
0x8a: {  	[tilespmem:s25], [sflag:$0x1] =	stream.indirect_vreg.gather [hbm4b:s6+s2], $0x80, v11, vm0, $0xb8;
	[tilespmem:$0x18200] =	vst v63  }
0x8b: {  	s26 =	simm.s32 $0xEA00  }
0x8c: {  	[tilespmem:s26], [sflag:$0x1] =	stream.indirect_vreg.gather [hbm4b:s7+s2], $0x80, v11, vm0, $0xb8;
	[tilespmem:$0x18200] =	vst v63  }
0x8d: {  	v11 =	vld [tilespmem:$0x190];
	_ =	sdelay $0x4  }
0x8e: {  	v12 =	vshrl.u32 v11, $0x3  }
0x8f: {  	v12 =	vmul.u32 $0x30, v12  }
0x90: {  	v11 =	vand.u32 $0x7, v11  }
0x91: {  	v11 =	vor.u32 v11, v12  }
0x92: {  	v12 =	vperm.xlane v11, v8;
	_ =	sdelay $0x1  }
0x93: {  	v12 =	vadd.s32 v9, v12;
	_ =	sdelay $0x3  }
0x94: {  	s28 =	simm.s32 $0xF200;
	v11 =	vperm.xlane v11, v10  }
0x95: {  	[tilespmem:s28], [sflag:$0x1] =	stream.indirect_vreg.gather [hbm4b:s3+s2], $0x80, v12, vm0, $0xb8;
	[tilespmem:$0x18200] =	vst v63  }
0x96: {  	s29 =	simm.s32 $0xFA00;
	v11 =	vadd.s32 v9, v11  }
0x97: {  	[tilespmem:s29], [sflag:$0x1] =	stream.indirect_vreg.gather [hbm4b:s6+s2], $0x80, v12, vm0, $0xb8;
	[tilespmem:$0x18200] =	vst v63  }
0x98: {  	s24 =	simm.s32 $0x10200  }
0x99: {  	[tilespmem:s24], [sflag:$0x1] =	stream.indirect_vreg.gather [hbm4b:s7+s2], $0x80, v12, vm0, $0xb8;
	[tilespmem:$0x18200] =	vst v63  }
0x9a: {  	s25 =	simm.s32 $0x10A00  }
0x9b: {  	[tilespmem:s25], [sflag:$0x1] =	stream.indirect_vreg.gather [hbm4b:s3+s2], $0x80, v11, vm0, $0xb8;
	[tilespmem:$0x18200] =	vst v63  }
0x9c: {  	s26 =	simm.s32 $0x11200  }
0x9d: {  	[tilespmem:s26], [sflag:$0x1] =	stream.indirect_vreg.gather [hbm4b:s6+s2], $0x80, v11, vm0, $0xb8;
	[tilespmem:$0x18200] =	vst v63  }
0x9e: {  	s28 =	simm.s32 $0x11A00  }
0x9f: {  	[tilespmem:s28], [sflag:$0x1] =	stream.indirect_vreg.gather [hbm4b:s7+s2], $0x80, v11, vm0, $0xb8;
	[tilespmem:$0x18200] =	vst v63  }
0xa0: {  	v11 =	vld [tilespmem:$0x1A0];
	_ =	sdelay $0x4  }
0xa1: {  	v12 =	vshrl.u32 v11, $0x3  }
0xa2: {  	v12 =	vmul.u32 $0x30, v12  }
0xa3: {  	v11 =	vand.u32 $0x7, v11  }
0xa4: {  	v11 =	vor.u32 v11, v12  }
0xa5: {  	v12 =	vperm.xlane v11, v8;
	_ =	sdelay $0x1  }
0xa6: {  	v12 =	vadd.s32 v9, v12;
	_ =	sdelay $0x3  }
0xa7: {  	v11 =	vperm.xlane v11, v10  }
0xa8: {  	[tilespmem:s30], [sflag:$0x1] =	stream.indirect_vreg.gather [hbm4b:s3+s2], $0x80, v12, vm0, $0xb8;
	[tilespmem:$0x18200] =	vst v63  }
0xa9: {  	v11 =	vadd.s32 v9, v11  }
0xaa: {  	[tilespmem:s31], [sflag:$0x1] =	stream.indirect_vreg.gather [hbm4b:s6+s2], $0x80, v12, vm0, $0xb8;
	[tilespmem:$0x18200] =	vst v63  }
0xab: {  	_ = 	snop  }
0xac: {  	[tilespmem:s0], [sflag:$0x1] =	stream.indirect_vreg.gather [hbm4b:s7+s2], $0x80, v12, vm0, $0xb8;
	[tilespmem:$0x18200] =	vst v63  }
0xad: {  	_ = 	snop  }
0xae: {  	[tilespmem:s1], [sflag:$0x1] =	stream.indirect_vreg.gather [hbm4b:s3+s2], $0x80, v11, vm0, $0xb8;
	[tilespmem:$0x18200] =	vst v63  }
0xaf: {  	_ = 	snop  }
0xb0: {  	[tilespmem:s13], [sflag:$0x1] =	stream.indirect_vreg.gather [hbm4b:s6+s2], $0x80, v11, vm0, $0xb8;
	[tilespmem:$0x18200] =	vst v63  }
0xb1: {  	_ = 	snop  }
0xb2: {  	[tilespmem:s14], [sflag:$0x1] =	stream.indirect_vreg.gather [hbm4b:s7+s2], $0x80, v11, vm0, $0xb8;
	[tilespmem:$0x18200] =	vst v63  }
0xb3: {  	v11 =	vld [tilespmem:$0x1B0];
	_ =	sdelay $0x4  }
0xb4: {  	v12 =	vshrl.u32 v11, $0x3  }
0xb5: {  	v12 =	vmul.u32 $0x30, v12  }
0xb6: {  	v11 =	vand.u32 $0x7, v11  }
0xb7: {  	v11 =	vor.u32 v11, v12  }
0xb8: {  	v12 =	vperm.xlane v11, v8;
	_ =	sdelay $0x1  }
0xb9: {  	v12 =	vadd.s32 v9, v12;
	_ =	sdelay $0x3  }
0xba: {  	v11 =	vperm.xlane v11, v10  }
0xbb: {  	[tilespmem:s15], [sflag:$0x1] =	stream.indirect_vreg.gather [hbm4b:s3+s2], $0x80, v12, vm0, $0xb8;
	[tilespmem:$0x18200] =	vst v63  }
0xbc: {  	v11 =	vadd.s32 v9, v11  }
0xbd: {  	[tilespmem:s17], [sflag:$0x1] =	stream.indirect_vreg.gather [hbm4b:s6+s2], $0x80, v12, vm0, $0xb8;
	[tilespmem:$0x18200] =	vst v63  }
0xbe: {  	_ = 	snop  }
0xbf: {  	[tilespmem:s18], [sflag:$0x1] =	stream.indirect_vreg.gather [hbm4b:s7+s2], $0x80, v12, vm0, $0xb8;
	[tilespmem:$0x18200] =	vst v63  }
0xc0: {  	_ = 	snop  }
0xc1: {  	[tilespmem:s19], [sflag:$0x1] =	stream.indirect_vreg.gather [hbm4b:s3+s2], $0x80, v11, vm0, $0xb8;
	[tilespmem:$0x18200] =	vst v63  }
0xc2: {  	_ = 	snop  }
0xc3: {  	[tilespmem:s20], [sflag:$0x1] =	stream.indirect_vreg.gather [hbm4b:s6+s2], $0x80, v11, vm0, $0xb8;
	[tilespmem:$0x18200] =	vst v63  }
0xc4: {  	s29 =	simm.s32 $0x0  }
0xc5: {  	[tilespmem:s21], [sflag:$0x1] =	stream.indirect_vreg.gather [hbm4b:s7+s2], $0x80, v11, vm0, $0xb8;
	[tilespmem:$0x18200] =	vst v63  }
0xc6: {  	s23 =	smul.u32 $0x1800, s29;
	_ =	swait.ge [sflag:s16], $0xC000  }
0xc7: {  	s24 =	sand.u32 $0x380, s2;
	[sflag:s16] =	ssyncset.done $0x0  }
0xc8: {  	s23 =	sor.u32 s24, s23;
	[sflag:s16] =	ssyncadd.s32 $0xFFFF4000  }
0xc9: {  	v12 =	vld [tilespmem:s23+$0x210]  }
0xca: {  	v11 =	vld [tilespmem:s23+$0xC210]  }
0xcb: {  	v14 =	vld [tilespmem:s23+$0x220]  }
0xcc: {  	v13 =	vld [tilespmem:s23+$0xC220]  }
0xcd: {  	v16 =	vld [tilespmem:s23+$0x230]  }
0xce: {  	v15 =	vld [tilespmem:s23+$0xC230]  }
0xcf: {  	v18 =	vld [tilespmem:s23+$0x240]  }
0xd0: {  	v17 =	vld [tilespmem:s23+$0xC240]  }
0xd1: {  	v20 =	vld [tilespmem:s23+$0x250]  }
0xd2: {  	v19 =	vld [tilespmem:s23+$0xC250]  }
0xd3: {  	v21 =	vld [tilespmem:s23+$0x260]  }
0xd4: {  	v22 =	vld [tilespmem:s23+$0x270]  }
0xd5: {  	v23 =	vld [tilespmem:s23+$0x600]  }
0xd6: {  	v24 =	vld [tilespmem:s23+$0x610]  }
0xd7: {  	v25 =	vld [tilespmem:s23+$0x620]  }
0xd8: {  	v26 =	vld [tilespmem:s23+$0x630]  }
0xd9: {  	v27 =	vld [tilespmem:s23+$0x640]  }
0xda: {  	v28 =	vld [tilespmem:s23+$0x650]  }
0xdb: {  	v29 =	vld [tilespmem:s23+$0x660]  }
0xdc: {  	v30 =	vld [tilespmem:s23+$0x670]  }
0xdd: {  	v31 =	vld [tilespmem:s23+$0xA00]  }
0xde: {  	v32 =	vld [tilespmem:s23+$0xA10]  }
0xdf: {  	v33 =	vld [tilespmem:s23+$0xA20]  }
0xe0: {  	v34 =	vld [tilespmem:s23+$0xA30]  }
0xe1: {  	v35 =	vld [tilespmem:s23+$0xA40]  }
0xe2: {  	v36 =	vld [tilespmem:s23+$0xA50]  }
0xe3: {  	v37 =	vld [tilespmem:s23+$0xA60]  }
0xe4: {  	v38 =	vld [tilespmem:s23+$0xA70]  }
0xe5: {  	v39 =	vld [tilespmem:s23+$0xE00]  }
0xe6: {  	v41 =	vld [tilespmem:s23+$0xE10]  }
0xe7: {  	v43 =	vld [tilespmem:s23+$0xE20]  }
0xe8: {  	v44 =	vld [tilespmem:s23+$0xE30]  }
0xe9: {  	v45 =	vld [tilespmem:s23+$0xE40]  }
0xea: {  	v46 =	vld [tilespmem:s23+$0xE50]  }
0xeb: {  	v47 =	vld [tilespmem:s23+$0xE60]  }
0xec: {  	v48 =	vld [tilespmem:s23+$0xE70]  }
0xed: {  	v49 =	vld [tilespmem:s23+$0x1200]  }
0xee: {  	v50 =	vld [tilespmem:s23+$0x1210]  }
0xef: {  	v51 =	vld [tilespmem:s23+$0x1220]  }
0xf0: {  	v52 =	vld [tilespmem:s23+$0x1230]  }
0xf1: {  	v53 =	vld [tilespmem:s23+$0x1240]  }
0xf2: {  	v40 =	vmov s2;
	s24 =	simm.s32 $0x0;
	s25 =	simm.s32 $0x1;
	s26 =	simm.s32 $0x0;
	v54 =	vld [tilespmem:s23+$0x1250]  }
.LBB2_2:
0xf3: {  	p0 =	sne.s32 s25, $0x3F;
	v40 =	vand.u32 $0xFFFFFFFE, v40;
	s28 =	sadd.s32 $0x1, s24;
	v55 =	vld [tilespmem:s23+$0x1260]  }
0xf4: {  	v42 =	vbroadcast v40, $0x0;
	v40 =	vmov s28;
	v56 =	vld [tilespmem:s23+$0x1600]  }
0xf5: {  	v57 =	vld [tilespmem:s23+$0x1610]  }
0xf6: {  	v58 =	vld [tilespmem:s23+$0xD610]  }
0xf7: {  	v59 =	vld [tilespmem:s23+$0xD620]  }
0xf8: {  	v60 =	vld [tilespmem:s23+$0xD630]  }
0xf9: {  	v40 =	vld.idx.msk [tilespmem:v40+s11+$0x0], $0xffff  }
0xfa: {  	v42 =	vld.idx.msk [tilespmem:v42+s11+$0x0], $0xffff  }
0xfb: {  	v61 =	vld [tilespmem:s23+$0x1630]  }
0xfc: {  	v62 =	vld [tilespmem:s23+$0x1620]  }
0xfd: {  	v63 =	vld [tilespmem:s23+$0xD600]  }
0xfe: {  	v1 =	vld [tilespmem:s23+$0x1270]  }
0xff: {  	v58 =	vmul.f32 v58, v40;
	v59 =	vmul.f32 v59, v40;
	v2 =	vld [tilespmem:s23+$0xD270]  }
0x100: {  	v60 =	vmul.f32 v60, v40;
	v3 =	vld [tilespmem:s23+$0xD260];
	v61 =	vmul.f32 v61, v42  }
0x101: {  	v57 =	vmul.f32 v57, v42;
	v4 =	vld [tilespmem:s23+$0xD250];
	v62 =	vmul.f32 v62, v42  }
0x102: {  	v56 =	vmul.f32 v56, v42;
	v5 =	vld [tilespmem:s23+$0xD240];
	v63 =	vmul.f32 v63, v40;
	v60 =	vadd.f32 v60, v61  }
0x103: {  	v57 =	vadd.f32 v58, v57;
	v61 =	vld [tilespmem:s23+$0xD230];
	v1 =	vmul.f32 v1, v42;
	v58 =	vadd.f32 v59, v62  }
0x104: {  	v55 =	vmul.f32 v55, v42;
	v59 =	vld [tilespmem:s23+$0xD220];
	v2 =	vmul.f32 v2, v40;
	v56 =	vadd.f32 v63, v56;
	[tilespmem:s23+$0x1630] =	vst v60  }
0x105: {  	v54 =	vmul.f32 v54, v42;
	v60 =	vld [tilespmem:s23+$0xD210];
	v3 =	vmul.f32 v3, v40;
	[tilespmem:s23+$0x1620] =	vst v58  }
0x106: {  	v53 =	vmul.f32 v53, v42;
	v58 =	vld [tilespmem:s23+$0xD200];
	v4 =	vmul.f32 v4, v40;
	v1 =	vadd.f32 v2, v1;
	[tilespmem:s23+$0x1610] =	vst v57  }
0x107: {  	v52 =	vmul.f32 v52, v42;
	v2 =	vld [tilespmem:s23+$0xCE70];
	v5 =	vmul.f32 v5, v40;
	v3 =	vadd.f32 v3, v55;
	[tilespmem:s23+$0x1600] =	vst v56  }
0x108: {  	v51 =	vmul.f32 v51, v42;
	v55 =	vld [tilespmem:s23+$0xCE60];
	v56 =	vmul.f32 v61, v40;
	v4 =	vadd.f32 v4, v54;
	[tilespmem:s23+$0x1270] =	vst v1  }
0x109: {  	v50 =	vmul.f32 v50, v42;
	v1 =	vld [tilespmem:s23+$0xCE50];
	v54 =	vmul.f32 v59, v40;
	v5 =	vadd.f32 v5, v53;
	[tilespmem:s23+$0x1260] =	vst v3  }
0x10a: {  	v49 =	vmul.f32 v49, v42;
	v3 =	vld [tilespmem:s23+$0xCE40];
	v53 =	vmul.f32 v60, v40;
	v52 =	vadd.f32 v56, v52;
	[tilespmem:s23+$0x1250] =	vst v4  }
0x10b: {  	v48 =	vmul.f32 v48, v42;
	v4 =	vld [tilespmem:s23+$0xCE30];
	v56 =	vmul.f32 v58, v40;
	v51 =	vadd.f32 v54, v51;
	[tilespmem:s23+$0x1240] =	vst v5  }
0x10c: {  	v47 =	vmul.f32 v47, v42;
	v5 =	vld [tilespmem:s23+$0xCE20];
	v2 =	vmul.f32 v2, v40;
	v50 =	vadd.f32 v53, v50;
	[tilespmem:s23+$0x1230] =	vst v52  }
0x10d: {  	v46 =	vmul.f32 v46, v42;
	v52 =	vld [tilespmem:s23+$0xCE10];
	v53 =	vmul.f32 v55, v40;
	v49 =	vadd.f32 v56, v49;
	[tilespmem:s23+$0x1220] =	vst v51  }
0x10e: {  	v45 =	vmul.f32 v45, v42;
	v51 =	vld [tilespmem:s23+$0xCE00];
	v1 =	vmul.f32 v1, v40;
	v2 =	vadd.f32 v2, v48;
	[tilespmem:s23+$0x1210] =	vst v50  }
0x10f: {  	v44 =	vmul.f32 v44, v42;
	v48 =	vld [tilespmem:s23+$0xCA70];
	v3 =	vmul.f32 v3, v40;
	v47 =	vadd.f32 v53, v47;
	[tilespmem:s23+$0x1200] =	vst v49  }
0x110: {  	v43 =	vmul.f32 v43, v42;
	v49 =	vld [tilespmem:s23+$0xCA60];
	v4 =	vmul.f32 v4, v40;
	v1 =	vadd.f32 v1, v46;
	[tilespmem:s23+$0xE70] =	vst v2  }
0x111: {  	v41 =	vmul.f32 v41, v42;
	v2 =	vld [tilespmem:s23+$0xCA50];
	v5 =	vmul.f32 v5, v40;
	v3 =	vadd.f32 v3, v45;
	[tilespmem:s23+$0xE60] =	vst v47  }
0x112: {  	v39 =	vmul.f32 v39, v42;
	v45 =	vld [tilespmem:s23+$0xCA40];
	v46 =	vmul.f32 v52, v40;
	v4 =	vadd.f32 v4, v44;
	[tilespmem:s23+$0xE50] =	vst v1  }
0x113: {  	v38 =	vmul.f32 v38, v42;
	v1 =	vld [tilespmem:s23+$0xCA30];
	v44 =	vmul.f32 v51, v40;
	v5 =	vadd.f32 v5, v43;
	[tilespmem:s23+$0xE40] =	vst v3  }
0x114: {  	v37 =	vmul.f32 v37, v42;
	v3 =	vld [tilespmem:s23+$0xCA20];
	v43 =	vmul.f32 v48, v40;
	v41 =	vadd.f32 v46, v41;
	[tilespmem:s23+$0xE30] =	vst v4  }
0x115: {  	v36 =	vmul.f32 v36, v42;
	v4 =	vld [tilespmem:s23+$0xCA10];
	v46 =	vmul.f32 v49, v40;
	v39 =	vadd.f32 v44, v39;
	[tilespmem:s23+$0xE20] =	vst v5  }
0x116: {  	v35 =	vmul.f32 v35, v42;
	v5 =	vld [tilespmem:s23+$0xCA00];
	v2 =	vmul.f32 v2, v40;
	v38 =	vadd.f32 v43, v38;
	[tilespmem:s23+$0xE10] =	vst v41  }
0x117: {  	v34 =	vmul.f32 v34, v42;
	v41 =	vld [tilespmem:s23+$0xC670];
	v43 =	vmul.f32 v45, v40;
	v37 =	vadd.f32 v46, v37;
	[tilespmem:s23+$0xE00] =	vst v39  }
0x118: {  	v33 =	vmul.f32 v33, v42;
	v39 =	vld [tilespmem:s23+$0xC660];
	v1 =	vmul.f32 v1, v40;
	v2 =	vadd.f32 v2, v36;
	[tilespmem:s23+$0xA70] =	vst v38  }
0x119: {  	v32 =	vmul.f32 v32, v42;
	v36 =	vld [tilespmem:s23+$0xC650];
	v3 =	vmul.f32 v3, v40;
	v35 =	vadd.f32 v43, v35;
	[tilespmem:s23+$0xA60] =	vst v37  }
0x11a: {  	v31 =	vmul.f32 v31, v42;
	v37 =	vld [tilespmem:s23+$0xC640];
	v4 =	vmul.f32 v4, v40;
	v1 =	vadd.f32 v1, v34;
	[tilespmem:s23+$0xA50] =	vst v2  }
0x11b: {  	v30 =	vmul.f32 v30, v42;
	v2 =	vld [tilespmem:s23+$0xC630];
	v5 =	vmul.f32 v5, v40;
	v3 =	vadd.f32 v3, v33;
	[tilespmem:s23+$0xA40] =	vst v35  }
0x11c: {  	v29 =	vmul.f32 v29, v42;
	v33 =	vld [tilespmem:s23+$0xC620];
	v34 =	vmul.f32 v41, v40;
	v4 =	vadd.f32 v4, v32;
	[tilespmem:s23+$0xA30] =	vst v1  }
0x11d: {  	v28 =	vmul.f32 v28, v42;
	v1 =	vld [tilespmem:s23+$0xC610];
	v32 =	vmul.f32 v39, v40;
	v5 =	vadd.f32 v5, v31;
	[tilespmem:s23+$0xA20] =	vst v3  }
0x11e: {  	v27 =	vmul.f32 v27, v42;
	v3 =	vld [tilespmem:s23+$0xC600];
	v31 =	vmul.f32 v36, v40;
	v30 =	vadd.f32 v34, v30;
	[tilespmem:s23+$0xA10] =	vst v4  }
0x11f: {  	v26 =	vmul.f32 v26, v42;
	v4 =	vld [tilespmem:s23+$0xC270];
	v34 =	vmul.f32 v37, v40;
	v29 =	vadd.f32 v32, v29;
	[tilespmem:s23+$0xA00] =	vst v5  }
0x120: {  	v25 =	vmul.f32 v25, v42;
	v5 =	vld [tilespmem:s23+$0xC260];
	v2 =	vmul.f32 v2, v40;
	v28 =	vadd.f32 v31, v28;
	[tilespmem:s23+$0x670] =	vst v30  }
0x121: {  	v24 =	vmul.f32 v24, v42;
	v30 =	vmul.f32 v33, v40;
	v27 =	vadd.f32 v34, v27;
	[tilespmem:s23+$0x660] =	vst v29;
	v29 =	vld [tilespmem:s23+$0xD640]  }
0x122: {  	v23 =	vmul.f32 v23, v42;
	v1 =	vmul.f32 v1, v40;
	v2 =	vadd.f32 v2, v26;
	[tilespmem:s23+$0x650] =	vst v28;
	v26 =	vld [tilespmem:s23+$0xD650]  }
0x123: {  	v22 =	vmul.f32 v22, v42;
	v3 =	vmul.f32 v3, v40;
	v25 =	vadd.f32 v30, v25;
	[tilespmem:s23+$0x640] =	vst v27;
	v27 =	vld [tilespmem:s23+$0xD660]  }
0x124: {  	v21 =	vmul.f32 v21, v42;
	v4 =	vmul.f32 v4, v40;
	v1 =	vadd.f32 v1, v24;
	[tilespmem:s23+$0x630] =	vst v2;
	v2 =	vld [tilespmem:s23+$0xD670]  }
0x125: {  	v20 =	vmul.f32 v20, v42;
	v5 =	vmul.f32 v5, v40;
	v3 =	vadd.f32 v3, v23;
	[tilespmem:s23+$0x620] =	vst v25;
	v23 =	vld [tilespmem:s23+$0x1640]  }
0x126: {  	v19 =	vmul.f32 v19, v40;
	v18 =	vmul.f32 v18, v42;
	v4 =	vadd.f32 v4, v22;
	[tilespmem:s23+$0x610] =	vst v1;
	v1 =	vld [tilespmem:s23+$0x1650]  }
0x127: {  	v17 =	vmul.f32 v17, v40;
	v16 =	vmul.f32 v16, v42;
	v5 =	vadd.f32 v5, v21;
	[tilespmem:s23+$0x600] =	vst v3;
	v3 =	vld [tilespmem:s23+$0x1660]  }
0x128: {  	v15 =	vmul.f32 v15, v40;
	v14 =	vmul.f32 v14, v42;
	v19 =	vadd.f32 v19, v20;
	[tilespmem:s23+$0x270] =	vst v4;
	v4 =	vld [tilespmem:s23+$0x1670]  }
0x129: {  	v13 =	vmul.f32 v13, v40;
	v12 =	vmul.f32 v12, v42;
	v17 =	vadd.f32 v17, v18;
	v20 =	vld [tilespmem:s23+$0x200];
	[tilespmem:s23+$0x260] =	vst v5  }
0x12a: {  	v11 =	vmul.f32 v11, v40;
	v15 =	vadd.f32 v15, v16;
	v5 =	vld [tilespmem:s23+$0xC200];
	[tilespmem:s23+$0x250] =	vst v19;
	v16 =	vmul.f32 v23, v42  }
0x12b: {  	s28 =	sshrl.u32 s25, $0x3;
	v13 =	vadd.f32 v13, v14;
	v14 =	vmul.f32 v29, v40;
	[tilespmem:s23+$0x240] =	vst v17;
	v1 =	vmul.f32 v1, v42  }
0x12c: {  	s26 =	sadd.s32 $0x80, s26;
	s28 =	smul.u32 $0x1800, s28;
	v11 =	vadd.f32 v11, v12;
	v12 =	vmul.f32 v26, v40;
	[tilespmem:s23+$0x230] =	vst v15;
	v3 =	vmul.f32 v3, v42  }
0x12d: {  	s29 =	sand.u32 $0x380, s26;
	[tilespmem:s23+$0x220] =	vst v13;
	v13 =	vadd.f32 v14, v16;
	v14 =	vmul.f32 v27, v40;
	v4 =	vmul.f32 v4, v42  }
0x12e: {  	s28 =	sor.u32 s29, s28;
	v2 =	vmul.f32 v2, v40;
	v1 =	vadd.f32 v12, v1;
	v15 =	vmul.f32 v20, v42;
	[tilespmem:s23+$0x210] =	vst v11  }
0x12f: {  	v12 =	vld [tilespmem:s28+$0x210];
	v5 =	vmul.f32 v5, v40;
	[tilespmem:s23+$0x1640] =	vst v13;
	v3 =	vadd.f32 v14, v3  }
0x130: {  	v11 =	vld [tilespmem:s28+$0xC210];
	[tilespmem:s23+$0x1650] =	vst v1;
	v1 =	vadd.f32 v2, v4  }
0x131: {  	v14 =	vld [tilespmem:s28+$0x220];
	v2 =	vadd.f32 v5, v15;
	[tilespmem:s23+$0x1660] =	vst v3  }
0x132: {  	v13 =	vld [tilespmem:s28+$0xC220];
	[tilespmem:s23+$0x1670] =	vst v1  }
0x133: {  	v16 =	vld [tilespmem:s28+$0x230];
	[tilespmem:s23+$0x200] =	vst v2;
	s23 =	smov.u32 s28  }
0x134: {  	v15 =	vld [tilespmem:s23+$0xC230]  }
0x135: {  	v18 =	vld [tilespmem:s23+$0x240]  }
0x136: {  	v17 =	vld [tilespmem:s23+$0xC240]  }
0x137: {  	v20 =	vld [tilespmem:s23+$0x250]  }
0x138: {  	v19 =	vld [tilespmem:s23+$0xC250]  }
0x139: {  	v21 =	vld [tilespmem:s23+$0x260]  }
0x13a: {  	v22 =	vld [tilespmem:s23+$0x270]  }
0x13b: {  	v23 =	vld [tilespmem:s23+$0x600]  }
0x13c: {  	v24 =	vld [tilespmem:s23+$0x610]  }
0x13d: {  	v25 =	vld [tilespmem:s23+$0x620]  }
0x13e: {  	v26 =	vld [tilespmem:s23+$0x630]  }
0x13f: {  	v27 =	vld [tilespmem:s23+$0x640]  }
0x140: {  	v28 =	vld [tilespmem:s23+$0x650]  }
0x141: {  	v29 =	vld [tilespmem:s23+$0x660]  }
0x142: {  	v30 =	vld [tilespmem:s23+$0x670]  }
0x143: {  	v31 =	vld [tilespmem:s23+$0xA00]  }
0x144: {  	v32 =	vld [tilespmem:s23+$0xA10]  }
0x145: {  	v33 =	vld [tilespmem:s23+$0xA20]  }
0x146: {  	v34 =	vld [tilespmem:s23+$0xA30]  }
0x147: {  	v35 =	vld [tilespmem:s23+$0xA40]  }
0x148: {  	v36 =	vld [tilespmem:s23+$0xA50]  }
0x149: {  	v37 =	vld [tilespmem:s23+$0xA60]  }
0x14a: {  	v38 =	vld [tilespmem:s23+$0xA70]  }
0x14b: {  	v39 =	vld [tilespmem:s23+$0xE00]  }
0x14c: {  	v41 =	vld [tilespmem:s23+$0xE10]  }
0x14d: {  	v43 =	vld [tilespmem:s23+$0xE20]  }
0x14e: {  	v44 =	vld [tilespmem:s23+$0xE30]  }
0x14f: {  	v45 =	vld [tilespmem:s23+$0xE40]  }
0x150: {  	v46 =	vld [tilespmem:s23+$0xE50]  }
0x151: {  	v47 =	vld [tilespmem:s23+$0xE60]  }
0x152: {  	v48 =	vld [tilespmem:s23+$0xE70]  }
0x153: {  	v49 =	vld [tilespmem:s23+$0x1200]  }
.Ltmp0:
0x154: {  	v50 =	vld [tilespmem:s23+$0x1210];
	(pc) =	sbr.rel @p0 .LBB2_2-.Ltmp0, $4  }
0x155: {  	v51 =	vld [tilespmem:s23+$0x1220]  }
0x156: {  	v52 =	vld [tilespmem:s23+$0x1230]  }
0x157: {  	s24 =	sadd.s32 $0x2, s24;
	v53 =	vld [tilespmem:s23+$0x1240]  }
0x158: {  	s25 =	sadd.s32 $0x1, s25;
	v40 =	vmov s24;
	v54 =	vld [tilespmem:s23+$0x1250]  }
0x159: {  	s24 =	sadd.s32 $0x1, s24  }
0x15a: {  	v1 =	vand.u32 $0xFFFFFFFE, v40;
	v55 =	vld [tilespmem:s23+$0xD610];
	v3 =	vmov s24  }
0x15b: {  	v56 =	vld [tilespmem:s23+$0xD620];
	v1 =	vbroadcast v1, $0x0  }
0x15c: {  	v57 =	vld [tilespmem:s23+$0xD630]  }
0x15d: {  	v60 =	vld [tilespmem:s23+$0xD270]  }
0x15e: {  	v61 =	vld [tilespmem:s23+$0xD260]  }
0x15f: {  	v40 =	vld.idx.msk [tilespmem:v3+s11+$0x0], $0xffff  }
0x160: {  	v6 =	vld [tilespmem:s23+$0xD220]  }
0x161: {  	v42 =	vld.idx.msk [tilespmem:v1+s11+$0x0], $0xffff  }
0x162: {  	v1 =	vld [tilespmem:s23+$0x1630]  }
0x163: {  	v3 =	vld [tilespmem:s23+$0x1620]  }
0x164: {  	v5 =	vld [tilespmem:s23+$0x1610];
	v57 =	vmul.f32 v57, v40  }
0x165: {  	v2 =	vld [tilespmem:s23+$0x1260];
	v56 =	vmul.f32 v56, v40;
	v55 =	vmul.f32 v55, v40  }
0x166: {  	v4 =	vld [tilespmem:s23+$0x1600];
	v60 =	vmul.f32 v60, v40;
	v61 =	vmul.f32 v61, v40  }
0x167: {  	v58 =	vld [tilespmem:s23+$0xD600];
	v6 =	vmul.f32 v6, v40;
	v1 =	vmul.f32 v1, v42  }
0x168: {  	v59 =	vld [tilespmem:s23+$0x1270];
	v19 =	vmul.f32 v19, v40;
	v3 =	vmul.f32 v3, v42  }
0x169: {  	v62 =	vld [tilespmem:s23+$0xD250];
	v15 =	vmul.f32 v15, v40;
	v5 =	vmul.f32 v5, v42;
	v1 =	vadd.f32 v57, v1  }
0x16a: {  	v63 =	vld [tilespmem:s23+$0xD240];
	v13 =	vmul.f32 v13, v40;
	v2 =	vmul.f32 v2, v42;
	v3 =	vadd.f32 v56, v3  }
0x16b: {  	v11 =	vmul.f32 v11, v40;
	v51 =	vmul.f32 v51, v42;
	v57 =	vld [tilespmem:s23+$0xD230];
	v5 =	vadd.f32 v55, v5;
	[tilespmem:s23+$0x1630] =	vst v1  }
0x16c: {  	v4 =	vmul.f32 v4, v42;
	v56 =	vmul.f32 v58, v40;
	v2 =	vadd.f32 v61, v2;
	v61 =	vld [tilespmem:s23+$0xCE50];
	[tilespmem:s23+$0x1620] =	vst v3  }
0x16d: {  	v54 =	vmul.f32 v54, v42;
	v20 =	vmul.f32 v20, v42;
	v6 =	vadd.f32 v6, v51;
	v1 =	vld [tilespmem:s23+$0xD210];
	[tilespmem:s23+$0x1610] =	vst v5  }
0x16e: {  	v53 =	vmul.f32 v53, v42;
	v16 =	vmul.f32 v16, v42;
	v4 =	vadd.f32 v56, v4;
	v5 =	vld [tilespmem:s23+$0xCE70];
	[tilespmem:s23+$0x1260] =	vst v2  }
0x16f: {  	v14 =	vmul.f32 v14, v42;
	v12 =	vmul.f32 v12, v42;
	v19 =	vadd.f32 v19, v20;
	v3 =	vld [tilespmem:s23+$0xD200];
	[tilespmem:s23+$0x1220] =	vst v6  }
0x170: {  	v52 =	vmul.f32 v52, v42;
	v55 =	vmul.f32 v59, v42;
	v15 =	vadd.f32 v15, v16;
	[tilespmem:s23+$0x1600] =	vst v4;
	v4 =	vld [tilespmem:s23+$0xCE60]  }
0x171: {  	v50 =	vmul.f32 v50, v42;
	v13 =	vadd.f32 v13, v14;
	v11 =	vadd.f32 v11, v12;
	v2 =	vld [tilespmem:s23+$0xCE40];
	[tilespmem:s23+$0x250] =	vst v19  }
0x172: {  	v55 =	vadd.f32 v60, v55;
	v60 =	vmul.f32 v62, v40;
	v62 =	vmul.f32 v63, v40;
	v63 =	vld [tilespmem:s23+$0xCE30];
	[tilespmem:s23+$0x230] =	vst v15  }
0x173: {  	v48 =	vmul.f32 v48, v42;
	v56 =	vld [tilespmem:s23+$0xCE20];
	[tilespmem:s23+$0x220] =	vst v13;
	v5 =	vmul.f32 v5, v40  }
0x174: {  	v49 =	vmul.f32 v49, v42;
	v47 =	vmul.f32 v47, v42;
	v6 =	vld [tilespmem:s23+$0xCE00];
	[tilespmem:s23+$0x210] =	vst v11;
	v53 =	vadd.f32 v62, v53  }
0x175: {  	[tilespmem:s23+$0x1270] =	vst v55;
	v54 =	vadd.f32 v60, v54;
	v60 =	vld [tilespmem:s23+$0xCA30];
	v4 =	vmul.f32 v4, v40;
	v5 =	vadd.f32 v5, v48  }
0x176: {  	v46 =	vmul.f32 v46, v42;
	[tilespmem:s23+$0x1240] =	vst v53;
	v53 =	vld [tilespmem:s23+$0xC270];
	v3 =	vmul.f32 v3, v40  }
0x177: {  	v45 =	vmul.f32 v45, v42;
	v2 =	vmul.f32 v2, v40;
	v4 =	vadd.f32 v4, v47;
	[tilespmem:s23+$0xE70] =	vst v5;
	v5 =	vld [tilespmem:s23+$0xCA50]  }
0x178: {  	v44 =	vmul.f32 v44, v42;
	[tilespmem:s23+$0x1250] =	vst v54;
	v54 =	vld [tilespmem:s23+$0xC260];
	v1 =	vmul.f32 v1, v40;
	v3 =	vadd.f32 v3, v49  }
0x179: {  	v43 =	vmul.f32 v43, v42;
	v57 =	vmul.f32 v57, v40;
	v2 =	vadd.f32 v2, v45;
	[tilespmem:s23+$0xE60] =	vst v4;
	v4 =	vld [tilespmem:s23+$0xCA40]  }
0x17a: {  	v41 =	vmul.f32 v41, v42;
	v58 =	vmul.f32 v61, v40;
	v1 =	vadd.f32 v1, v50;
	[tilespmem:s23+$0x1200] =	vst v3;
	v3 =	vld [tilespmem:s23+$0xCA60]  }
0x17b: {  	v39 =	vmul.f32 v39, v42;
	v52 =	vadd.f32 v57, v52;
	v59 =	vmul.f32 v63, v40;
	[tilespmem:s23+$0xE40] =	vst v2;
	v2 =	vld [tilespmem:s23+$0xCA20]  }
0x17c: {  	v36 =	vmul.f32 v36, v42;
	v46 =	vadd.f32 v58, v46;
	[tilespmem:s23+$0x1210] =	vst v1;
	v1 =	vld [tilespmem:s23+$0xCA70];
	v5 =	vmul.f32 v5, v40  }
0x17d: {  	v38 =	vmul.f32 v38, v42;
	v57 =	vld [tilespmem:s23+$0xCE10];
	v6 =	vmul.f32 v6, v40;
	[tilespmem:s23+$0x1230] =	vst v52;
	v44 =	vadd.f32 v59, v44  }
0x17e: {  	v35 =	vmul.f32 v35, v42;
	v63 =	vld [tilespmem:s23+$0xCA10];
	[tilespmem:s23+$0xE50] =	vst v46;
	v4 =	vmul.f32 v4, v40;
	v5 =	vadd.f32 v5, v36  }
0x17f: {  	v37 =	vmul.f32 v37, v42;
	v58 =	vld [tilespmem:s23+$0x1650];
	v6 =	vadd.f32 v6, v39;
	[tilespmem:s23+$0xE30] =	vst v44;
	v3 =	vmul.f32 v3, v40  }
0x180: {  	v33 =	vmul.f32 v33, v42;
	v2 =	vmul.f32 v2, v40;
	v4 =	vadd.f32 v4, v35;
	[tilespmem:s23+$0xA50] =	vst v5;
	v5 =	vld [tilespmem:s23+$0xC630]  }
0x181: {  	v34 =	vmul.f32 v34, v42;
	[tilespmem:s23+$0xE00] =	vst v6;
	v6 =	vld [tilespmem:s23+$0xC660];
	v1 =	vmul.f32 v1, v40;
	v3 =	vadd.f32 v3, v37  }
0x182: {  	v29 =	vmul.f32 v29, v42;
	v61 =	vmul.f32 v56, v40;
	v2 =	vadd.f32 v2, v33;
	[tilespmem:s23+$0xA40] =	vst v4;
	v4 =	vld [tilespmem:s23+$0xC620]  }
0x183: {  	v28 =	vmul.f32 v28, v42;
	v48 =	vmul.f32 v60, v40;
	v1 =	vadd.f32 v1, v38;
	[tilespmem:s23+$0xA60] =	vst v3;
	v3 =	vld [tilespmem:s23+$0xC640]  }
0x184: {  	v21 =	vmul.f32 v21, v42;
	v43 =	vadd.f32 v61, v43;
	v59 =	vmul.f32 v54, v40;
	[tilespmem:s23+$0xA20] =	vst v2;
	v2 =	vld [tilespmem:s23+$0xC600]  }
0x185: {  	v26 =	vmul.f32 v26, v42;
	v34 =	vadd.f32 v48, v34;
	[tilespmem:s23+$0xA70] =	vst v1;
	v1 =	vld [tilespmem:s23+$0xC650];
	v5 =	vmul.f32 v5, v40  }
0x186: {  	v27 =	vmul.f32 v27, v42;
	v46 =	vld [tilespmem:s23+$0xCA00];
	[tilespmem:s23+$0xE20] =	vst v43;
	v21 =	vadd.f32 v59, v21;
	v6 =	vmul.f32 v6, v40  }
0x187: {  	v25 =	vmul.f32 v25, v42;
	v50 =	vld [tilespmem:s23+$0xC610];
	[tilespmem:s23+$0xA30] =	vst v34;
	v4 =	vmul.f32 v4, v40;
	v5 =	vadd.f32 v5, v26  }
0x188: {  	v61 =	vld [tilespmem:s23+$0xC200];
	v62 =	vmul.f32 v57, v40;
	[tilespmem:s23+$0x260] =	vst v21;
	v6 =	vadd.f32 v6, v29;
	v3 =	vmul.f32 v3, v40  }
0x189: {  	v47 =	vld [tilespmem:s23+$0xC670];
	v2 =	vmul.f32 v2, v40;
	v4 =	vadd.f32 v4, v25;
	[tilespmem:s23+$0x630] =	vst v5;
	v5 =	vmul.f32 v23, v42  }
0x18a: {  	v41 =	vadd.f32 v62, v41;
	v62 =	vld [tilespmem:s23+$0x200];
	[tilespmem:s23+$0x660] =	vst v6;
	v1 =	vmul.f32 v1, v40;
	v3 =	vadd.f32 v3, v27  }
0x18b: {  	v57 =	vmul.f32 v53, v40;
	v6 =	vld [tilespmem:s23+$0xD640];
	[tilespmem:s23+$0x620] =	vst v4;
	v4 =	vmul.f32 v22, v42;
	v2 =	vadd.f32 v2, v5  }
0x18c: {  	v17 =	vmul.f32 v17, v40;
	v32 =	vmul.f32 v32, v42;
	v1 =	vadd.f32 v1, v28;
	[tilespmem:s23+$0x640] =	vst v3;
	v3 =	vld [tilespmem:s23+$0xD660]  }
0x18d: {  	v31 =	vmul.f32 v31, v42;
	v49 =	vmul.f32 v63, v40;
	v4 =	vadd.f32 v57, v4;
	[tilespmem:s23+$0x600] =	vst v2;
	v2 =	vld [tilespmem:s23+$0x1660]  }
0x18e: {  	v30 =	vmul.f32 v30, v42;
	v51 =	vmul.f32 v46, v40;
	[tilespmem:s23+$0x650] =	vst v1;
	v5 =	vld [tilespmem:s23+$0x1640]  }
0x18f: {  	v24 =	vmul.f32 v24, v42;
	v32 =	vadd.f32 v49, v32;
	v1 =	vld [tilespmem:s23+$0xD650];
	[tilespmem:s23+$0x270] =	vst v4;
	v4 =	vmul.f32 v18, v42  }
0x190: {  	v56 =	vld [tilespmem:s23+$0xD670];
	v55 =	vmul.f32 v50, v40;
	v63 =	vmul.f32 v61, v40;
	[tilespmem:s23+$0xE10] =	vst v41;
	v31 =	vadd.f32 v51, v31  }
0x191: {  	v60 =	vld [tilespmem:s23+$0x1670];
	v52 =	vmul.f32 v47, v40;
	[tilespmem:s23+$0xA10] =	vst v32;
	v11 =	vmul.f32 v62, v42;
	v4 =	vadd.f32 v17, v4  }
0x192: {  	v24 =	vadd.f32 v55, v24;
	[tilespmem:s23+$0xA00] =	vst v31;
	v3 =	vmul.f32 v3, v40;
	v2 =	vmul.f32 v2, v42  }
0x193: {  	v30 =	vadd.f32 v52, v30;
	v5 =	vmul.f32 v5, v42;
	[tilespmem:s23+$0x240] =	vst v4;
	v4 =	vmul.f32 v6, v40  }
0x194: {  	[tilespmem:s23+$0x610] =	vst v24;
	v1 =	vmul.f32 v1, v40;
	v6 =	vmul.f32 v58, v42;
	v2 =	vadd.f32 v3, v2  }
0x195: {  	[tilespmem:s23+$0x670] =	vst v30;
	v3 =	vadd.f32 v63, v11;
	v4 =	vadd.f32 v4, v5  }
0x196: {  	v5 =	vmul.f32 v60, v42;
	v1 =	vadd.f32 v1, v6;
	v6 =	vmul.f32 v56, v40;
	[tilespmem:s23+$0x1660] =	vst v2  }
0x197: {  	[tilespmem:s23+$0x200] =	vst v3  }
0x198: {  	s22 =	sadd.s32 $0x1, s22;
	[tilespmem:s23+$0x1650] =	vst v1;
	v1 =	vadd.f32 v6, v5  }
0x199: {  	p0 =	sne.s32 s22, s9;
	[tilespmem:s23+$0x1640] =	vst v4  }
.Ltmp1:
0x19a: {  	[tilespmem:s23+$0x1670] =	vst v1;
	(pc) =	sbr.rel @p0 .LBB2_1-.Ltmp1, $4  }
0x19b: {  	[hbm4b:s8+s2] =	stream.linear.scatter [tilespmem:s12], [sflag:$0x2], $0xC000, $0x38;
	[tilespmem:$0x18200] =	vst v63  }
0x19c: {  	_ =	swait.ge [sflag:s10], $0xC000  }
0x19d: {  	[sflag:s10] =	ssyncset.done $0x0  }
0x19e: {  	[sflag:s10] =	ssyncadd.s32 $0xFFFF4000  }
0x19f: {  	_ =	sfence.sel $0x180000  }
0x1a0: {  	[bflag:$0x0] =	sbarrier.arrive $0xFFFF  }
0x1a1: {  	_ =	strace $0x90000050  }
0x1a2: {  	s0 =	stileid.u32;
	[bflag:$0x2] =	sbarrier.arrive $0xFFFF  }
0x1a3: {  	p0 =	sne.s32 s0, $0x0;
	s0 =	rddreg [dreg:$0x2]  }
0x1a4: {  	s0 =	sadd.s32 @!p0 $0x100000, s0  }
0x1a5: {  	[sflag:s0] =	ssyncadd.tile.s32 @!p0 $0x1;
	_ =	shalt  }
.Lfunc_end2:
_tile_overlayer_lowered:
.L_overlay_start_2:
0x1a6: {  	(tag) =	ssettag $0x2  }
0x1a7: {  	s0 =	rddreg [dreg:$0x0];
	s2 =	stileid.u32  }
0x1a8: {  	s1 =	rddreg [dreg:$0x1];
	p0 =	sne.s32 s2, $0x0  }
0x1a9: {  	s3 =	rddreg [dreg:$0x2];
	[bflag:$0x3] =	sbarrier.arrive $0xFFFF;
	s2 =	simm.s32 @!p0 $0x1C02  }
0x1aa: {  	[timem:s3], [sflag:s2] =	dma.local @!p0 [hbm:s0], s1  }
0x1ab: {  	s0 =	simm.s32 @!p0 $0x2  }
0x1ac: {  	_ =	swait.ge @!p0 [sflag:s0], s1  }
0x1ad: {  	s1 =	ssub.s32 @!p0 $0x0, s1;
	[sflag:s0] =	ssyncset.done @!p0 $0x0  }
0x1ae: {  	[sflag:s0] =	ssyncadd.s32 @!p0 s1  }
0x1af: {  	[bflag:$0x3] =	sbarrier.arrive $0xFFFF  }
0x1b0: {  	_ =	shalt  }

// kernel: kernel.7.cloned.1.call-start
scs
__scs_entry_jumppad:
0x0: {  	(pc) =	sbr.rel $0x88, $3  }
0x1: {  	(tag) =	ssettag $0x0;
	lr =	simm.s32 $0x1  }
0x2: {  	[smem:$0x3F9A] =	sst lr;
	_ =	strace $0xD0000000  }
0x3: {  	_ = 	snop  }
0x4: {  	_ = 	snop  }
0x5: {  	_ = 	snop  }
0x6: {  	_ = 	snop  }
0x7: {  	_ = 	snop  }
__scs_overlays_trampoline_lowered:
0x8: {  	[smem:$0x3FA9] =	sst s0  }
0x9: {  	[smem:$0x3FAA] =	sst s1  }
0xa: {  	[smem:$0x3FAB] =	sst s2  }
0xb: {  	[smem:$0x3FAC] =	sst s3  }
0xc: {  	[smem:$0x3FAD] =	sst s4  }
0xd: {  	[smem:$0x3FAE] =	sst s5  }
0xe: {  	[smem:$0x3FAF] =	sst s6  }
0xf: {  	[smem:$0x3FB0] =	sst s7  }
0x10: {  	[smem:$0x3FB1] =	sst s8  }
0x11: {  	[smem:$0x3FB2] =	sst s9;
	s0 =	simm.s32 @!p0 $0x0  }
0x12: {  	s1 =	sld [smem:$0x3F98];
	s0 =	simm.s32 @p0 $0x1  }
0x13: {  	[smem:$0x3FB3] =	sst s0;
	s0 =	simm.s32 @!p1 $0x0  }
0x14: {  	s2 =	sld [smem:$0x3F97];
	s0 =	simm.s32 @p1 $0x1  }
0x15: {  	[smem:$0x3FB4] =	sst s0;
	s0 =	simm.s32 @!p2 $0x0  }
0x16: {  	s3 =	sld [smem:$0x3FDB];
	s0 =	simm.s32 @p2 $0x1  }
0x17: {  	s4 =	simm.s32 $0x1BF5;
	[smem:$0x3FB6] =	sst s0  }
0x18: {  	s0 =	sld [smem:$0x3F99];
	_ =	swait.ge [sflag:s4], $0x0  }
0x19: {  	s7 =	sld [smem:$0x3F9A]  }
0x1a: {  	s8 =	sadd.s32 $0xFFFFE003, lr  }
0x1b: {  	s9 =	sadd.s32 $0xFFFFFEF7, lr;
	s5 =	simm.s32 $0xFFFFFFFF;
	p2 =	slt.u32 s8, $0xFFFFF086  }
0x1c: {  	p1 =	slt.u32 s9, $0xF7A;
	s5 =	simm.s32 @!p2 $0x0  }
0x1d: {  	s5 =	simm.s32 @p1 $0x1;
	p0 =	seq.s32 s7, s2  }
0x1e: {  	s7 =	smul.u32 @!p0 $0xF7A, s2;
	p2 =	seq.s32 @!p0 s5, $0x0  }
0x1f: {  	s9 =	smul.u32 $0xF7A, s1;
	s8 =	simm.s32 @!p0 $0x1BF5;
	p2 =	por !p2, p0  }
0x20: {  	[sflag:s8] =	ssyncset.s32 @!p0 $0xFFFFF086;
	s6 =	sadd.s32 @!p0 s3, s7;
	s7 =	simm.s32 @!p0 $0x108  }
0x21: {  	s3 =	sadd.s32 s3, s9;
	s6 =	sadd.s32 @!p0 $0x88, s6;
	s7 =	simm.s32 @p2 $0x1082  }
0x22: {  	[simem:s7], [sflag:s8] =	dma.local @!p0 [hbm:s6], $0xF7A  }
0x23: {  	s9 =	sor.u32 $0xD0000000, s2;
	s6 =	simm.s32 $0x108;
	_ =	swait.ge @!p0 [sflag:s8], $0x0  }
0x24: {  	s3 =	sadd.s32 $0x88, s3;
	s6 =	simm.s32 @!p1 $0x1082;
	[sflag:s4] =	ssyncset.s32 $0xFFFFF086  }
0x25: {  	[simem:s6], [sflag:s4] =	dma.local [hbm:s3], $0xF7A  }
0x26: {  	[smem:$0x3F9A] =	sst s1;
	(tag) =	ssettag s2;
	_ =	strace s9  }
0x27: {  	s1 =	sld [smem:$0x3FAA]  }
0x28: {  	s2 =	sld [smem:$0x3FAB]  }
0x29: {  	s4 =	sld [smem:$0x3FAD]  }
0x2a: {  	p0 =	seq.s32 s5, $0x0;
	s5 =	sld [smem:$0x3FAE]  }
0x2b: {  	s6 =	sld [smem:$0x3FAF]  }
0x2c: {  	s7 =	sld [smem:$0x3FB0]  }
0x2d: {  	s3 =	simm.s32 $0x108;
	s8 =	sld [smem:$0x3FB1]  }
0x2e: {  	s3 =	simm.s32 @!p0 $0x1082;
	s9 =	sld [smem:$0x3FB2]  }
0x2f: {  	lr =	sadd.s32 s0, s3;
	s0 =	sld [smem:$0x3FA9]  }
0x30: {  	s3 =	sld [smem:$0x3FAC]  }
0x31: {  	[smem:$0x3FB5] =	sst s10  }
0x32: {  	s10 =	sld [smem:$0x3FB3];
	_ =	sdelay $0x3  }
0x33: {  	p0 =	seq.s32 s10, $0x1;
	s10 =	sld [smem:$0x3FB5];
	_ =	sdelay $0x3  }
0x34: {  	[smem:$0x3FB5] =	sst s10  }
0x35: {  	s10 =	sld [smem:$0x3FB4];
	_ =	sdelay $0x3  }
0x36: {  	p1 =	seq.s32 s10, $0x1;
	s10 =	sld [smem:$0x3FB5];
	_ =	sdelay $0x3  }
0x37: {  	[smem:$0x3FB5] =	sst s10  }
0x38: {  	s10 =	sld [smem:$0x3FB6]  }
0x39: {  	_ = 	snop;
	(pc) =	sbr.ind lr, $3  }
0x3a: {  	_ = 	snop  }
0x3b: {  	_ = 	snop  }
0x3c: {  	p2 =	seq.s32 s10, $0x1;
	s10 =	sld [smem:$0x3FB5]  }
0x3d: {  	_ =	shalt  }
0x3e: {  	_ =	shalt  }
0x3f: {  	_ =	shalt  }
0x40: {  	_ =	shalt  }
0x41: {  	_ =	shalt  }
0x42: {  	_ =	shalt  }
0x43: {  	_ =	shalt  }
0x44: {  	_ =	shalt  }
0x45: {  	_ =	shalt  }
0x46: {  	_ =	shalt  }
0x47: {  	_ =	shalt  }
0x48: {  	_ =	shalt  }
0x49: {  	_ =	shalt  }
0x4a: {  	_ =	shalt  }
0x4b: {  	_ =	shalt  }
0x4c: {  	_ =	shalt  }
0x4d: {  	_ =	shalt  }
0x4e: {  	_ =	shalt  }
0x4f: {  	_ =	shalt  }
0x50: {  	_ =	shalt  }
0x51: {  	_ =	shalt  }
0x52: {  	_ =	shalt  }
0x53: {  	_ =	shalt  }
0x54: {  	_ =	shalt  }
0x55: {  	_ =	shalt  }
0x56: {  	_ =	shalt  }
0x57: {  	_ =	shalt  }
0x58: {  	_ =	shalt  }
0x59: {  	_ =	shalt  }
0x5a: {  	_ =	shalt  }
0x5b: {  	_ =	shalt  }
0x5c: {  	_ =	shalt  }
0x5d: {  	_ =	shalt  }
0x5e: {  	_ =	shalt  }
0x5f: {  	_ =	shalt  }
0x60: {  	_ =	shalt  }
0x61: {  	_ =	shalt  }
0x62: {  	_ =	shalt  }
0x63: {  	_ =	shalt  }
0x64: {  	_ =	shalt  }
0x65: {  	_ =	shalt  }
0x66: {  	_ =	shalt  }
0x67: {  	_ =	shalt  }
0x68: {  	_ =	shalt  }
0x69: {  	_ =	shalt  }
0x6a: {  	_ =	shalt  }
0x6b: {  	_ =	shalt  }
0x6c: {  	_ =	shalt  }
0x6d: {  	_ =	shalt  }
0x6e: {  	_ =	shalt  }
0x6f: {  	_ =	shalt  }
0x70: {  	_ =	shalt  }
0x71: {  	_ =	shalt  }
0x72: {  	_ =	shalt  }
0x73: {  	_ =	shalt  }
0x74: {  	_ =	shalt  }
0x75: {  	_ =	shalt  }
0x76: {  	_ =	shalt  }
0x77: {  	_ =	shalt  }
0x78: {  	_ =	shalt  }
0x79: {  	_ =	shalt  }
0x7a: {  	_ =	shalt  }
0x7b: {  	_ =	shalt  }
0x7c: {  	_ =	shalt  }
0x7d: {  	_ =	shalt  }
0x7e: {  	_ =	shalt  }
0x7f: {  	_ =	shalt  }
0x80: {  	_ =	shalt  }
0x81: {  	_ =	shalt  }
0x82: {  	_ =	shalt  }
0x83: {  	_ =	shalt  }
0x84: {  	_ =	shalt  }
0x85: {  	_ =	shalt  }
0x86: {  	_ =	shalt  }
0x87: {  	_ =	shalt  }
.Lfunc_end0:
.L_simem_size_0:
called_computation_lowered:
.L_overlay_start_0:
0x88: {  	s2 =	sld [smem:$0x3FD9]  }
0x89: {  	s3 =	sld [smem:$0x3FFE];
	_ =	sdelay $0x1  }
0x8a: {  	s1 =	srdreg.scid  }
0x8b: {  	s0 =	sand.u32 $0x1, s1  }
0x8c: {  	s14 =	sshll.u32 s0, $0xA;
	s2 =	sadd.s32 s3, s2  }
0x8d: {  	s2 =	sadd.s32 s2, s14  }
0x8e: {  	[smem:$0x3FC1] =	sst s2  }
0x8f: {  	_ = 	snop  }
0x90: {  	s2 =	sld [smem:$0x3FD0];
	_ =	sdelay $0x2  }
0x91: {  	s15 =	simm.s32 $0xB;
	s4 =	simm.s32 $0x10  }
0x92: {  	[smem:s4], [sflag:s15] =	dma.local [hbm:s2], $0x1  }
0x93: {  	_ =	swait.eq [sflag:s15], $0x1  }
0x94: {  	[sflag:s15] =	ssyncset.done $0x0  }
0x95: {  	[sflag:s15] =	ssyncadd.s32 $0xFFFFFFFF  }
0x96: {  	s16 =	sld [smem:$0x10];
	(tm) =	ssettm $0x1  }
0x97: {  	s17 =	sld [smem:$0x3FFB];
	_ =	sdelay $0x3  }
0x98: {  	_ =	strace s17  }
0x99: {  	s3 =	sld [smem:$0x3FFC];
	_ =	sdelay $0x3  }
0x9a: {  	_ =	strace s3  }
0x9b: {  	s3 =	sld [smem:$0x3FFD];
	_ =	sdelay $0x3  }
0x9c: {  	_ =	strace s3  }
0x9d: {  	_ =	strace $0x8FFFFFFF  }
0x9e: {  	s18 =	sld [smem:$0x3FDB];
	_ =	sdelay $0x1  }
0x9f: {  	s19 =	simm.s32 $_scs_section_size  }
0xa0: {  	s5 =	simm.s32 $_size__tile_overlayer_lowered;
	s6 =	simm.s32 $_tile_overlayer_lowered  }
0xa1: {  	s22 =	simm.s32 $0x1BFF;
	s21 =	sshll.u32 s6, $0x1;
	s3 =	sadd.s32 s19, s18  }
0xa2: {  	s7 =	simm.s32 $0x0;
	s20 =	sshll.u32 s5, $0x1;
	s5 =	sadd.s32 s21, s3  }
0xa3: {  	[timem:s7], [sflag:s22] =	dma.local [hbm:s5], s20  }
0xa4: {  	_ =	swait.ge [sflag:s22], s20  }
0xa5: {  	s4 =	ssub.s32 $0x0, s20;
	[sflag:s22] =	ssyncset.done $0x0  }
0xa6: {  	[sflag:s22] =	ssyncadd.s32 s4;
	_ =	sdelay $0x1  }
0xa7: {  	s23 =	simm.s32 $0x1B8B  }
0xa8: {  	_ =	swait.ge [sflag:s23], $0x1  }
0xa9: {  	[sflag:s23] =	ssyncset.done $0x0  }
0xaa: {  	s25 =	simm.s32 $0x1B8E;
	s24 =	sld [smem:$0x3FFE];
	[sflag:s23] =	ssyncadd.s32 $0xFFFFFFFF  }
0xab: {  	s26 =	simm.s32 $execute0_lowered;
	[smem:$0x3FD2] =	sst s25  }
0xac: {  	s5 =	sshll.u32 s26, $0x1;
	_ =	strace $0x80000046;
	[dreg:$0x1] =	wrdreg $0xFFFFFFFF  }
0xad: {  	s28 =	simm.s32 $_size_execute0_lowered;
	s3 =	sadd.s32 s3, s5;
	[dreg:$0x0] =	wrdreg $0x0  }
0xae: {  	s5 =	sshll.u32 s28, $0x1;
	[dreg:$0x2] =	wrdreg s3  }
0xaf: {  	[dreg:$0x3] =	wrdreg s5  }
0xb0: {  	[dreg:$0x4] =	wrdreg $0xC0  }
0xb1: {  	_ =	task [dreg:s7], $0x5FFFF  }
0xb2: {  	[dreg:$0x1] =	wrdreg $0xFFFFFFFF  }
0xb3: {  	[dreg:$0x0] =	wrdreg $0x60  }
0xb4: {  	[dreg:$0x2] =	wrdreg s24  }
0xb5: {  	[dreg:$0x3] =	wrdreg s16  }
0xb6: {  	[dreg:$0x4] =	wrdreg $0x9  }
0xb7: {  	_ =	task.clear_ibuf [dreg:s7], $0x5FFFF;
	_ =	strace $0x90000046  }
0xb8: {  	s29 =	simm.s32 $0x9;
	_ =	strace $0x80000048  }
0xb9: {  	_ =	swait.ge [sflag:s29], $0x1  }
0xba: {  	[sflag:s29] =	ssyncadd.s32 $0xFFFFFFFF  }
0xbb: {  	_ =	strace $0x90000048  }
0xbc: {  	_ =	sfence  }
0xbd: {  	s30 =	sld [smem:$0x0];
	_ =	sdelay $0x2  }
0xbe: {  	s31 =	sshll.u32 s1, $0xD;
	s1 =	sshrl.u32 s1, $0x2  }
0xbf: {  	s3 =	sand.u32 $0x4000, s31;
	s1 =	sadd.s32 s1, s30  }
0xc0: {  	s0 =	sor.u32 s3, s0;
	s1 =	sshll.u32 s1, $0x11  }
0xc1: {  	s0 =	sor.u32 s1, s0  }
0xc2: {  	s0 =	sadd.s32 $0x8F2B, s0  }
0xc3: {  	[sflag:s0] =	ssyncadd.remote.s32 $0x1  }
0xc4: {  	_ =	sfence.sel $0xFFFF  }
0xc5: {  	[dreg:$0x0] =	wrdreg $0xFFFFFFFF;
	(pc) =	sbr.abs _section_cstart, $3  }
0xc6: {  	[dreg:$0x1] =	wrdreg $0xFFFFFFFF  }
0xc7: {  	_ =	task.clear_ibuf [dreg:s7], $0x2FFFF;
	_ =	strace $0x9FFFFFFF  }
0xc8: {  	(tm) =	ssettm $0x7FFFFFFF  }
0xc9: {  	_ =	shalt  }
tec
execute0_lowered:
.L_overlay_start_1:
0x0: {  	(tag) =	ssettag $0x1  }
0x1: {  	s3 =	rddreg [dreg:$0x0];
	s1 =	srdreg.scid  }
0x2: {  	s0 =	stileid.u32;
	s4 =	rddreg [dreg:$0x1]  }
0x3: {  	s8 =	simm.s32 $0x0;
	s5 =	sand.u32 $0x1, s1;
	s2 =	sshll.u32 s0, $0x1  }
0x4: {  	s1 =	rddreg [dreg:$0x2];
	s6 =	sor.u32 s5, s2;
	s2 =	simm.s32 $0x0  }
0x5: {  	s5 =	ssub.s32 $0x2, s5;
	s6 =	smul.u32 $0xA0, s6;
	[smem:$0x7FF] =	sst s2  }
0x6: {  	s3 =	sadd.s32 $0x1400, s3;
	s7 =	sshrl.u32 s5, $0x1;
	_ =	strace $0x80000047  }
0x7: {  	s5 =	ssub.s32 s5, s7;
	s7 =	simm.s32 $0x1000;
	s31 =	sshrl.u32 s6, $0x3  }
0x8: {  	v1 =	vimm.s32 $0x0;
	v2 =	vlaneseq.u32;
	s5 =	smax.u32 s5, $0x1;
	v0 =	vmov s6;
	s6 =	simm.s32 $0x1;
	s4 =	sadd.s32 s4, s31  }
.LBB2_1:
0x9: {  	[tilespmem:s2], [sflag:$0x1] =	stream.linear.gather [hbm4b:s3+s2], $0x1000, $0x38;
	[tilespmem:$0x1100] =	vst v63  }
0xa: {  	_ =	swait.ge [sflag:s6], $0x1000  }
0xb: {  	[sflag:s6] =	ssyncset.done $0x0  }
0xc: {  	[sflag:s6] =	ssyncadd.s32 $0xFFFFF000  }
0xd: {  	[tilespmem:$0x1000] =	vst v1  }
0xe: {  	[tilespmem:$0x1010] =	vst v1  }
0xf: {  	[tilespmem:$0x1020] =	vst v1  }
0x10: {  	[tilespmem:$0x1030] =	vst v1  }
0x11: {  	[tilespmem:$0x1040] =	vst v1  }
0x12: {  	[tilespmem:$0x1050] =	vst v1  }
0x13: {  	[tilespmem:$0x1060] =	vst v1  }
0x14: {  	[tilespmem:$0x1070] =	vst v1  }
0x15: {  	[tilespmem:$0x1080] =	vst v1  }
0x16: {  	[tilespmem:$0x1090] =	vst v1  }
0x17: {  	s10 =	simm.s32 $0x10;
	s9 =	simm.s32 $0x0;
	s11 =	simm.s32 $0x0;
	v3 =	vld [tilespmem:s2+$0x0]  }
.LBB2_2:
0x18: {  	p0 =	sne.s32 s10, $0xFF0;
	_ =	sdelay $0x3  }
0x19: {  	v3 =	vsub.s32 v3, v0  }
0x1a: {  	vm0 =	vlt.u32 v3, $0xA0  }
0x1b: {  	v3 =	vnsel vm0, $0x0, v3;
	_ =	sdelay $0x1  }
.Ltmp0:
0x1c: {  	(pc) =	sbr.rel @p0 .LBB2_2-.Ltmp0, $4  }
0x1d: {  	v4 =	vor.u32 s9, v2;
	s9 =	smov.u32 s10  }
0x1e: {  	v4 =	vshrl.u32 v4, $0x1  }
0x1f: {  	s11 =	sadd.s32 $0x10, s11;
	[tilespmem:v3+s7+$0x0] =	vst.idx.msk vm0, v4  }
0x20: {  	s10 =	sadd.s32 $0x10, s10;
	v3 =	vld [tilespmem:s11+$0x0]  }
0x21: {  	_ =	sdelay $0x3  }
0x22: {  	v3 =	vsub.s32 v3, v0  }
0x23: {  	vm0 =	vlt.u32 v3, $0xA0  }
0x24: {  	v3 =	vnsel vm0, $0x0, v3;
	_ =	sdelay $0x2  }
0x25: {  	v4 =	vor.u32 s9, v2;
	s8 =	sadd.s32 $0x1, s8  }
0x26: {  	v4 =	vshrl.u32 v4, $0x1;
	p0 =	sne.s32 s8, s5  }
.Ltmp1:
0x27: {  	[tilespmem:v3+s7+$0x0] =	vst.idx.msk vm0, v4;
	(pc) =	sbr.rel @p0 .LBB2_1-.Ltmp1, $4  }
0x28: {  	[hbm4b:s4+s2] =	stream.linear.scatter [tilespmem:s7], [sflag:$0x1], $0xA0, $0x38;
	[tilespmem:$0x1100] =	vst v63  }
0x29: {  	_ =	swait.ge [sflag:s6], $0xA0  }
0x2a: {  	[sflag:s6] =	ssyncset.done $0x0  }
0x2b: {  	[sflag:s6] =	ssyncadd.s32 $0xFFFFFF60  }
0x2c: {  	_ =	sfence.sel $0x180000  }
0x2d: {  	[bflag:$0x0] =	sbarrier.arrive $0xFFFF  }
0x2e: {  	p0 =	sne.s32 s0, $0x0;
	_ =	strace $0x90000047  }
0x2f: {  	s0 =	sadd.s32 @!p0 $0x100000, s1;
	[bflag:$0x2] =	sbarrier.arrive $0xFFFF  }
0x30: {  	[sflag:s0] =	ssyncadd.tile.s32 @!p0 $0x1;
	_ =	shalt  }
.Lfunc_end2:
_tile_overlayer_lowered:
.L_overlay_start_2:
0x31: {  	(tag) =	ssettag $0x2  }
0x32: {  	s0 =	rddreg [dreg:$0x0];
	s2 =	stileid.u32  }
0x33: {  	s1 =	rddreg [dreg:$0x1];
	p0 =	sne.s32 s2, $0x0  }
0x34: {  	s3 =	rddreg [dreg:$0x2];
	[bflag:$0x3] =	sbarrier.arrive $0xFFFF;
	s2 =	simm.s32 @!p0 $0x1C01  }
0x35: {  	[timem:s3], [sflag:s2] =	dma.local @!p0 [hbm:s0], s1  }
0x36: {  	s0 =	simm.s32 @!p0 $0x1  }
0x37: {  	_ =	swait.ge @!p0 [sflag:s0], s1  }
0x38: {  	s1 =	ssub.s32 @!p0 $0x0, s1;
	[sflag:s0] =	ssyncset.done @!p0 $0x0  }
0x39: {  	[sflag:s0] =	ssyncadd.s32 @!p0 s1  }
0x3a: {  	[bflag:$0x3] =	sbarrier.arrive $0xFFFF  }
0x3b: {  	_ =	shalt  }

</sc_bundles>
